<compile_context>
chip_gen: v7x
topology: tpu7x:2x2x1
jax: 0.10.2.dev20260603
libtpu: 0.0.44.dev20260713+nightly
codegen_flags: <defaults>
</compile_context>

<pallas_src>
import functools

import jax
import jax.numpy as jnp
from jax import lax
from jax.experimental import pallas as pl
from jax.experimental.pallas import tpu as pltpu
from jax.experimental.pallas import tpu_sc as plsc

N = 10000
NUM_GRAPHS = 64
N_PAD = 10240
E_PAD = 327680
GROUPS = E_PAD // 128
GROUPS_PER_TILE = GROUPS // 32
ROWS_PER_SUBCORE = N_PAD // 16

_f32 = jnp.float32


_MESH = plsc.VectorSubcoreMesh(core_axis_name="c", subcore_axis_name="s")
_SC_PARAMS = pltpu.CompilerParams(use_tc_tiling_on_sc=False)


@functools.lru_cache(maxsize=None)
def _make_sc_scatter(d: int, ch: int, pipelined: bool = True):
    per_tile = E_PAD // 32
    assert per_tile % ch == 0
    steps = per_tile // ch

    if not pipelined:
        def body_simple(y_hbm, src_hbm, dst_hbm, zero_hbm, u_hbm,
                        src_v, dst_v, rows_v, u_sh, sem):
            c = lax.axis_index("c")
            s = lax.axis_index("s")
            r0 = s * ROWS_PER_SUBCORE
            pltpu.sync_copy(zero_hbm.at[pl.ds(r0, ROWS_PER_SUBCORE)],
                            u_sh.at[pl.ds(r0, ROWS_PER_SUBCORE)])
            tile = c * 16 + s
            pltpu.sync_copy(src_hbm.at[tile], src_v)
            pltpu.sync_copy(dst_hbm.at[tile], dst_v)
            plsc.subcore_barrier()

            def step(j, carry):
                pltpu.async_copy(y_hbm.at[src_v.at[j]], rows_v, sem).wait()
                pltpu.sync_copy(rows_v, u_sh.at[dst_v.at[j]], add=True)
                return carry

            lax.fori_loop(0, steps, step, 0)
            plsc.subcore_barrier()
            pltpu.sync_copy(u_sh.at[pl.ds(r0, ROWS_PER_SUBCORE)],
                            u_hbm.at[c, pl.ds(r0, ROWS_PER_SUBCORE)])

        return pl.kernel(
            body_simple,
            out_type=jax.ShapeDtypeStruct((2, N_PAD, d), _f32),
            mesh=_MESH,
            scratch_types=[
                pltpu.VMEM((steps, ch), jnp.int32),
                pltpu.VMEM((steps, ch), jnp.int32),
                pltpu.VMEM((ch, d), _f32),
                pltpu.VMEM_SHARED((N_PAD, d), _f32),
                pltpu.SemaphoreType.DMA,
            ],
            compiler_params=_SC_PARAMS,
        )

    def body(y_hbm, src_hbm, dst_hbm, zero_hbm, u_hbm,
             src_v, dst_v, rows_a, rows_b, u_sh, gsem_a, gsem_b):
        c = lax.axis_index("c")
        s = lax.axis_index("s")
        r0 = s * ROWS_PER_SUBCORE
        pltpu.sync_copy(zero_hbm.at[pl.ds(r0, ROWS_PER_SUBCORE)],
                        u_sh.at[pl.ds(r0, ROWS_PER_SUBCORE)])
        tile = c * 16 + s
        pltpu.sync_copy(src_hbm.at[tile], src_v)
        pltpu.sync_copy(dst_hbm.at[tile], dst_v)
        plsc.subcore_barrier()

        pltpu.async_copy(y_hbm.at[src_v.at[0]], rows_a, gsem_a)

        def step(j, carry):
            def run(rows, gsem, rows_n, gsem_n):
                pltpu.make_async_copy(y_hbm.at[src_v.at[j]], rows, gsem).wait()

                @pl.when(j + 1 < steps)
                def _():
                    pltpu.async_copy(y_hbm.at[src_v.at[j + 1]], rows_n, gsem_n)

                pltpu.sync_copy(rows, u_sh.at[dst_v.at[j]], add=True)

            @pl.when(j % 2 == 0)
            def _():
                run(rows_a, gsem_a, rows_b, gsem_b)

            @pl.when(j % 2 == 1)
            def _():
                run(rows_b, gsem_b, rows_a, gsem_a)

            return carry

        lax.fori_loop(0, steps, step, 0)
        plsc.subcore_barrier()
        pltpu.sync_copy(u_sh.at[pl.ds(r0, ROWS_PER_SUBCORE)],
                        u_hbm.at[c, pl.ds(r0, ROWS_PER_SUBCORE)])

    return pl.kernel(
        body,
        out_type=jax.ShapeDtypeStruct((2, N_PAD, d), _f32),
        mesh=_MESH,
        scratch_types=[
            pltpu.VMEM((steps, ch), jnp.int32),
            pltpu.VMEM((steps, ch), jnp.int32),
            pltpu.VMEM((ch, d), _f32),
            pltpu.VMEM((ch, d), _f32),
            pltpu.VMEM_SHARED((N_PAD, d), _f32),
            pltpu.SemaphoreType.DMA,
            pltpu.SemaphoreType.DMA,
        ],
        compiler_params=_SC_PARAMS,
    )


@functools.lru_cache(maxsize=None)
def _make_sc_scatter_split(dh: int, ch: int):
    per_tile = E_PAD // 16
    assert per_tile % ch == 0
    steps = per_tile // ch

    def body(y_hbm, src_hbm, dst_hbm, zero_hbm, u_hbm,
             src_v, dst_v, rows_a, rows_b, u_sh, gsem_a, gsem_b):
        c = lax.axis_index("c")
        s = lax.axis_index("s")
        r0 = s * ROWS_PER_SUBCORE
        pltpu.sync_copy(zero_hbm.at[pl.ds(r0, ROWS_PER_SUBCORE)],
                        u_sh.at[pl.ds(r0, ROWS_PER_SUBCORE)])
        pltpu.sync_copy(src_hbm.at[s], src_v)
        pltpu.sync_copy(dst_hbm.at[s], dst_v)
        plsc.subcore_barrier()
        yc = y_hbm.at[c]

        pltpu.async_copy(yc.at[src_v.at[0]], rows_a, gsem_a)

        def step(j, carry):
            def run(rows, gsem, rows_n, gsem_n):
                pltpu.make_async_copy(yc.at[src_v.at[j]], rows, gsem).wait()

                @pl.when(j + 1 < steps)
                def _():
                    pltpu.async_copy(yc.at[src_v.at[j + 1]], rows_n, gsem_n)

                pltpu.sync_copy(rows, u_sh.at[dst_v.at[j]], add=True)

            @pl.when(j % 2 == 0)
            def _():
                run(rows_a, gsem_a, rows_b, gsem_b)

            @pl.when(j % 2 == 1)
            def _():
                run(rows_b, gsem_b, rows_a, gsem_a)

            return carry

        lax.fori_loop(0, steps, step, 0)
        plsc.subcore_barrier()
        pltpu.sync_copy(u_sh.at[pl.ds(r0, ROWS_PER_SUBCORE)],
                        u_hbm.at[c, pl.ds(r0, ROWS_PER_SUBCORE)])

    return pl.kernel(
        body,
        out_type=jax.ShapeDtypeStruct((2, N_PAD, dh), _f32),
        mesh=_MESH,
        scratch_types=[
            pltpu.VMEM((steps, ch), jnp.int32),
            pltpu.VMEM((steps, ch), jnp.int32),
            pltpu.VMEM((ch, dh), _f32),
            pltpu.VMEM((ch, dh), _f32),
            pltpu.VMEM_SHARED((N_PAD, dh), _f32),
            pltpu.SemaphoreType.DMA,
            pltpu.SemaphoreType.DMA,
        ],
        compiler_params=_SC_PARAMS,
    )


def _sc_scatter_split(y2h, src1d, dst1d, dh, ch):
    per_tile = E_PAD // 16
    steps = per_tile // ch
    zero = jnp.zeros((N_PAD, dh), _f32)
    src3 = src1d.reshape(16, steps, ch)
    dst3 = dst1d.reshape(16, steps, ch)
    return _make_sc_scatter_split(dh, ch)(y2h, src3, dst3, zero)


def _sc_scatter(y, src1d, dst1d, d, ch, pipelined=True):
    per_tile = E_PAD // 32
    steps = per_tile // ch
    zero = jnp.zeros((N_PAD, d), _f32)
    src3 = src1d.reshape(32, steps, ch)
    dst3 = dst1d.reshape(32, steps, ch)
    return _make_sc_scatter(d, ch, pipelined)(y, src3, dst3, zero)


@functools.lru_cache(maxsize=None)
def _make_sc_degree(ch: int):
    per_tile = E_PAD // 32
    steps = per_tile // ch

    def body(dst_hbm, zero_hbm, ones_hbm, u_hbm, dst_v, ones_v, u_sh):
        c = lax.axis_index("c")
        s = lax.axis_index("s")
        r0 = s * ROWS_PER_SUBCORE
        pltpu.sync_copy(zero_hbm.at[pl.ds(r0, ROWS_PER_SUBCORE)],
                        u_sh.at[pl.ds(r0, ROWS_PER_SUBCORE)])
        pltpu.sync_copy(dst_hbm.at[c * 16 + s], dst_v)
        pltpu.sync_copy(ones_hbm, ones_v)
        plsc.subcore_barrier()

        def step(j, carry):
            pltpu.sync_copy(ones_v, u_sh.at[dst_v.at[j]], add=True)
            return carry

        lax.fori_loop(0, steps, step, 0)
        plsc.subcore_barrier()
        pltpu.sync_copy(u_sh.at[pl.ds(r0, ROWS_PER_SUBCORE)],
                        u_hbm.at[c, pl.ds(r0, ROWS_PER_SUBCORE)])

    return pl.kernel(
        body,
        out_type=jax.ShapeDtypeStruct((2, N_PAD, 16), _f32),
        mesh=_MESH,
        scratch_types=[
            pltpu.VMEM((steps, ch), jnp.int32),
            pltpu.VMEM((ch, 16), _f32),
            pltpu.VMEM_SHARED((N_PAD, 16), _f32),
        ],
        compiler_params=_SC_PARAMS,
    )


def _sc_degree(dst1d, ch):
    per_tile = E_PAD // 32
    steps = per_tile // ch
    zero = jnp.zeros((N_PAD, 16), _f32)
    ones = jnp.zeros((ch, 16), _f32).at[:, 0].set(1.0)
    dst3 = dst1d.reshape(32, steps, ch)
    return _make_sc_degree(ch)(dst3, zero, ones)


def _rowmask():
    rows = lax.broadcasted_iota(jnp.int32, (N_PAD, 1), 0)
    return (rows < N).astype(_f32)


def _tc_b1(x_p, w1p, u_deg):
    def body(x_ref, w_ref, ud_ref, y_ref, dinv_ref):
        deg = ud_ref[0, :, :1] + ud_ref[1, :, :1] + 1.0
        dinv = lax.rsqrt(deg)
        t = jnp.dot(x_ref[...], w_ref[...], preferred_element_type=_f32)
        y_ref[...] = _rowmask() * (dinv * t)
        dinv_ref[...] = dinv

    return pl.pallas_call(
        body,
        out_shape=(jax.ShapeDtypeStruct((N_PAD, 4), _f32),
                   jax.ShapeDtypeStruct((N_PAD, 1), _f32)),
    )(x_p, w1p, u_deg)


def _tc_mid(u, y, dinv, w, b, dout, split=False):
    def body(u_ref, y_ref, dinv_ref, w_ref, b_ref, out_ref):
        dinv = dinv_ref[...]
        g = dinv * (u_ref[0] + u_ref[1] + y_ref[...])
        h = jnp.maximum(jnp.dot(g, w_ref[...], preferred_element_type=_f32)
                        + b_ref[...], 0.0)
        yn = _rowmask() * (dinv * h)
        if split:
            out_ref[0] = yn[:, :dout // 2]
            out_ref[1] = yn[:, dout // 2:]
        else:
            out_ref[...] = yn

    out_shape = (jax.ShapeDtypeStruct((2, N_PAD, dout // 2), _f32) if split
                 else jax.ShapeDtypeStruct((N_PAD, dout), _f32))
    return pl.pallas_call(body, out_shape=out_shape)(u, y, dinv, w, b)


def _tc_final(u, y, dinv, w, b, batch_p):
    def body(u_ref, y_ref, dinv_ref, w_ref, b_ref, bat_ref, out_ref):
        gh = dinv_ref[...] * (u_ref[...] + y_ref[...])
        g = jnp.concatenate([gh[0], gh[1]], axis=1)
        h = jnp.maximum(jnp.dot(g, w_ref[...], preferred_element_type=_f32)
                        + b_ref[...], 0.0)
        gid = lax.broadcasted_iota(jnp.int32, (N_PAD, NUM_GRAPHS), 1)
        rows = lax.broadcasted_iota(jnp.int32, (N_PAD, NUM_GRAPHS), 0)
        m = ((bat_ref[...] == gid) & (rows < N)).astype(_f32)
        sums = lax.dot_general(m, h, (((0,), (0,)), ((), ())),
                               preferred_element_type=_f32)
        counts = jnp.sum(m, axis=0)[:, None]
        out_ref[...] = sums / jnp.maximum(counts, 1.0)

    return pl.pallas_call(
        body,
        out_shape=jax.ShapeDtypeStruct((NUM_GRAPHS, 256), _f32),
    )(u, y, dinv, w, b, batch_p)


def kernel(x, edge_index, batch, W1, b1, W2, b2, W3, b3, W4, b4, W5, b5):
    src = edge_index[0].astype(jnp.int32)
    dst = edge_index[1].astype(jnp.int32)
    pad = jnp.full((E_PAD - src.shape[0],), N, jnp.int32)
    src1d = jnp.concatenate([src, pad])
    dst1d = jnp.concatenate([dst, pad])

    x_p = jnp.pad(x, ((0, N_PAD - N), (0, 0)))
    batch_p = jnp.pad(batch.astype(jnp.int32), (0, N_PAD - N))[:, None]

    eye4 = jnp.eye(4, dtype=_f32)

    y_deg = jnp.zeros((N_PAD, 4), _f32).at[:N, 0].set(1.0)
    u_deg = _sc_scatter(y_deg, src1d, dst1d, 4, 128)

    y1, dinv = _tc_b1(x_p, W1, u_deg)

    u1 = _sc_scatter(y1, src1d, dst1d, 4, 128)
    y2 = _tc_mid(u1, y1, dinv, eye4, b1[None, :], 4)
    u2 = _sc_scatter(y2, src1d, dst1d, 4, 128)
    y3 = _tc_mid(u2, y2, dinv, W2, b2[None, :], 8)
    u3 = _sc_scatter(y3, src1d, dst1d, 8, 128)
    y4 = _tc_mid(u3, y3, dinv, W3, b3[None, :], 32)
    u4 = _sc_scatter(y4, src1d, dst1d, 32, 128)
    y5 = _tc_mid(u4, y4, dinv, W4, b4[None, :], 128, split=True)
    u5 = _sc_scatter_split(y5, src1d, dst1d, 64, 128)
    return _tc_final(u5, y5, dinv, W5, b5[None, :], batch_p)

# --- scband reference (transcript-rebuilt; emitter-appended) ---
"""Pipeline reference for scband-gcn-66228395704559 (READ-ONLY COPY).

The authoritative reference and input builder live on the scoring server;
editing this copy changes nothing except your own understanding.
"""

import jax, jax.numpy as jnp
import numpy as np

N = 10000
E = 320000
NUM_GRAPHS = 64
DIMS = [(128, 4), (4, 8), (8, 32), (32, 128), (128, 256)]


def setup_inputs(seed: int = 0) -> dict:
    key = jax.random.key(seed)
    ks = jax.random.split(key, 3 + 2 * len(DIMS))
    x = jax.random.normal(ks[0], (N, 128), dtype=jnp.float32)
    edge_index = jax.random.randint(ks[1], (2, E), 0, N)
    batch = jnp.sort(jax.random.randint(ks[2], (N,), 0, NUM_GRAPHS))
    inp = {"x": x, "edge_index": edge_index, "batch": batch}
    for i, (di, do) in enumerate(DIMS):
        inp[f"W{i+1}"] = jax.random.normal(ks[3 + 2 * i], (di, do), dtype=jnp.float32) * (1.0 / np.sqrt(di))
        inp[f"b{i+1}"] = jnp.zeros((do,), dtype=jnp.float32)
    return inp


def gcn_conv(x, edge_index, W, b):
    # PyG-style GCNConv: linear transform, add self-loops, symmetric norm, scatter-add aggregate.
    src = edge_index[0]
    dst = edge_index[1]
    loop = jnp.arange(N, dtype=src.dtype)
    src = jnp.concatenate([src, loop])
    dst = jnp.concatenate([dst, loop])
    xw = x @ W
    deg = jnp.zeros((N,), dtype=xw.dtype).at[dst].add(1.0)
    dinv = jnp.where(deg > 0, 1.0 / jnp.sqrt(deg), 0.0)
    norm = dinv[src] * dinv[dst]
    msg = xw[src] * norm[:, None]
    out = jnp.zeros((N, W.shape[1]), dtype=xw.dtype).at[dst].add(msg)
    return out + b


def global_mean_pool(h, batch):
    sums = jax.ops.segment_sum(h, batch, num_segments=NUM_GRAPHS)
    counts = jax.ops.segment_sum(jnp.ones((N, 1), dtype=h.dtype), batch, num_segments=NUM_GRAPHS)
    return sums / jnp.maximum(counts, 1.0)


def reference(x, edge_index, batch, W1, b1, W2, b2, W3, b3, W4, b4, W5, b5):
    h = jax.nn.relu(gcn_conv(x, edge_index, W1, b1))
    h = jax.nn.relu(gcn_conv(h, edge_index, W2, b2))
    h = jax.nn.relu(gcn_conv(h, edge_index, W3, b3))
    h = jax.nn.relu(gcn_conv(h, edge_index, W4, b4))
    h = jax.nn.relu(gcn_conv(h, edge_index, W5, b5))
    return global_mean_pool(h, batch)

if __name__ == "__main__":
    import jax
    _d = setup_inputs()
    print(jax.jit(kernel)(*tuple(_d.values())))

</pallas_src>

<mosaic_0001>
#map = affine_map<(d0, d1) -> (0, 0)>
#map1 = affine_map<(d0, d1) -> (0, 0, 0)>
module attributes {stable_mosaic.version = 14 : i64} {
  func.func @body(%arg0: i32, %arg1: i32, %arg2: memref<10240x4xf32, #tpu.memory_space<hbm>>, %arg3: memref<32x80x128xi32, #tpu.memory_space<hbm>>, %arg4: memref<32x80x128xi32, #tpu.memory_space<hbm>>, %arg5: memref<10240x4xf32, #tpu.memory_space<hbm>>, %arg6: memref<2x10240x4xf32, #tpu.memory_space<hbm>>, %arg7: memref<80x128xi32, #tpu.memory_space<vmem>>, %arg8: memref<80x128xi32, #tpu.memory_space<vmem>>, %arg9: memref<128x4xf32, #tpu.memory_space<vmem>>, %arg10: memref<128x4xf32, #tpu.memory_space<vmem>>, %arg11: memref<10240x4xf32, #tpu.memory_space<vmem_shared>>, %arg12: memref<!tpu.dma_semaphore, #tpu.memory_space<semaphore_mem>>, %arg13: memref<!tpu.dma_semaphore, #tpu.memory_space<semaphore_mem>>) attributes {dimension_semantics = [#tpu.dimension_semantics<core_parallel>, #tpu.dimension_semantics<subcore_parallel>], iteration_bounds = array<i64: 2, 16>, scalar_prefetch = 0 : i64, scratch_operands = 7 : i64, tpu.core_type = #tpu.core_type<sc_vector_subcore>, window_params = [{transform_indices = #map}, {transform_indices = #map1}, {transform_indices = #map1}, {transform_indices = #map}, {transform_indices = #map1}]} {
    %mul3A = arith.constant 640 : i32
    %mul3A_0 = arith.muli %arg1, %mul3A : i32
    "tpu.region"() ({
      %run_scoped3A = tpu.sem_alloc : memref<!tpu.dma_semaphore, #tpu.memory_space<semaphore_mem>>
      %dma_start3A_15 = arith.constant 0 : i32
      %dma_start3A_16 = tpu.memref_slice %arg11[%mul3A_0, %dma_start3A_15] : memref<10240x4xf32, #tpu.memory_space<vmem_shared>> -> memref<640x4xf32, #tpu.memory_space<vmem_shared>>
      %dma_start3A_17 = arith.constant 0 : i32
      %dma_start3A_18 = tpu.memref_slice %arg5[%mul3A_0, %dma_start3A_17] : memref<10240x4xf32, #tpu.memory_space<hbm>> -> memref<640x4xf32, #tpu.memory_space<hbm>>
      tpu.enqueue_dma source(%dma_start3A_18 : memref<640x4xf32, #tpu.memory_space<hbm>>) target(%dma_start3A_16 : memref<640x4xf32, #tpu.memory_space<vmem_shared>>) target_semaphore(%run_scoped3A : memref<!tpu.dma_semaphore, #tpu.memory_space<semaphore_mem>>)
      %dma_wait3A = arith.constant 0 : i32
      %dma_wait3A_19 = tpu.memref_slice %arg11[%mul3A_0, %dma_wait3A] : memref<10240x4xf32, #tpu.memory_space<vmem_shared>> -> memref<640x4xf32, #tpu.memory_space<vmem_shared>>
      %dma_wait3A_20 = arith.constant 0 : i32
      %dma_wait3A_21 = tpu.memref_slice %arg5[%mul3A_0, %dma_wait3A_20] : memref<10240x4xf32, #tpu.memory_space<hbm>> -> memref<640x4xf32, #tpu.memory_space<hbm>>
      tpu.wait_dma2 semaphore(%run_scoped3A : memref<!tpu.dma_semaphore, #tpu.memory_space<semaphore_mem>>) src(%dma_wait3A_21 : memref<640x4xf32, #tpu.memory_space<hbm>>) dst(%dma_wait3A_19 : memref<640x4xf32, #tpu.memory_space<vmem_shared>>)
      tpu.yield
    }) : () -> ()
    %mul3A_1 = arith.constant 16 : i32
    %mul3A_2 = arith.muli %arg0, %mul3A_1 : i32
    %add3A = arith.addi %mul3A_2, %arg1 : i32
    "tpu.region"() ({
      %run_scoped3A = tpu.sem_alloc : memref<!tpu.dma_semaphore, #tpu.memory_space<semaphore_mem>>
      %dma_start3A_15 = arith.constant 0 : i32
      %dma_start3A_16 = arith.constant 0 : i32
      %dma_start3A_17 = tpu.memref_slice %arg3[%add3A, %dma_start3A_15, %dma_start3A_16] : memref<32x80x128xi32, #tpu.memory_space<hbm>> -> memref<1x80x128xi32, #tpu.memory_space<hbm>>
      %dma_start3A_18 = tpu.memref_squeeze %dma_start3A_17 : memref<1x80x128xi32, #tpu.memory_space<hbm>> -> memref<80x128xi32, #tpu.memory_space<hbm>>
      %dma_start3A_19 = arith.constant 0 : i32
      %dma_start3A_20 = arith.constant 0 : i32
      %dma_start3A_21 = tpu.memref_slice %arg3[%add3A, %dma_start3A_19, %dma_start3A_20] : memref<32x80x128xi32, #tpu.memory_space<hbm>> -> memref<1x80x128xi32, #tpu.memory_space<hbm>>
      %dma_start3A_22 = tpu.memref_squeeze %dma_start3A_21 : memref<1x80x128xi32, #tpu.memory_space<hbm>> -> memref<80x128xi32, #tpu.memory_space<hbm>>
      tpu.enqueue_dma source(%dma_start3A_22 : memref<80x128xi32, #tpu.memory_space<hbm>>) target(%arg7 : memref<80x128xi32, #tpu.memory_space<vmem>>) target_semaphore(%run_scoped3A : memref<!tpu.dma_semaphore, #tpu.memory_space<semaphore_mem>>)
      %dma_wait3A = arith.constant 0 : i32
      %dma_wait3A_23 = arith.constant 0 : i32
      %dma_wait3A_24 = tpu.memref_slice %arg3[%add3A, %dma_wait3A, %dma_wait3A_23] : memref<32x80x128xi32, #tpu.memory_space<hbm>> -> memref<1x80x128xi32, #tpu.memory_space<hbm>>
      %dma_wait3A_25 = tpu.memref_squeeze %dma_wait3A_24 : memref<1x80x128xi32, #tpu.memory_space<hbm>> -> memref<80x128xi32, #tpu.memory_space<hbm>>
      %dma_wait3A_26 = arith.constant 0 : i32
      %dma_wait3A_27 = arith.constant 0 : i32
      %dma_wait3A_28 = tpu.memref_slice %arg3[%add3A, %dma_wait3A_26, %dma_wait3A_27] : memref<32x80x128xi32, #tpu.memory_space<hbm>> -> memref<1x80x128xi32, #tpu.memory_space<hbm>>
      %dma_wait3A_29 = tpu.memref_squeeze %dma_wait3A_28 : memref<1x80x128xi32, #tpu.memory_space<hbm>> -> memref<80x128xi32, #tpu.memory_space<hbm>>
      tpu.wait_dma2 semaphore(%run_scoped3A : memref<!tpu.dma_semaphore, #tpu.memory_space<semaphore_mem>>) src(%dma_wait3A_29 : memref<80x128xi32, #tpu.memory_space<hbm>>) dst(%arg7 : memref<80x128xi32, #tpu.memory_space<vmem>>)
      tpu.yield
    }) : () -> ()
    "tpu.region"() ({
      %run_scoped3A = tpu.sem_alloc : memref<!tpu.dma_semaphore, #tpu.memory_space<semaphore_mem>>
      %dma_start3A_15 = arith.constant 0 : i32
      %dma_start3A_16 = arith.constant 0 : i32
      %dma_start3A_17 = tpu.memref_slice %arg4[%add3A, %dma_start3A_15, %dma_start3A_16] : memref<32x80x128xi32, #tpu.memory_space<hbm>> -> memref<1x80x128xi32, #tpu.memory_space<hbm>>
      %dma_start3A_18 = tpu.memref_squeeze %dma_start3A_17 : memref<1x80x128xi32, #tpu.memory_space<hbm>> -> memref<80x128xi32, #tpu.memory_space<hbm>>
      %dma_start3A_19 = arith.constant 0 : i32
      %dma_start3A_20 = arith.constant 0 : i32
      %dma_start3A_21 = tpu.memref_slice %arg4[%add3A, %dma_start3A_19, %dma_start3A_20] : memref<32x80x128xi32, #tpu.memory_space<hbm>> -> memref<1x80x128xi32, #tpu.memory_space<hbm>>
      %dma_start3A_22 = tpu.memref_squeeze %dma_start3A_21 : memref<1x80x128xi32, #tpu.memory_space<hbm>> -> memref<80x128xi32, #tpu.memory_space<hbm>>
      tpu.enqueue_dma source(%dma_start3A_22 : memref<80x128xi32, #tpu.memory_space<hbm>>) target(%arg8 : memref<80x128xi32, #tpu.memory_space<vmem>>) target_semaphore(%run_scoped3A : memref<!tpu.dma_semaphore, #tpu.memory_space<semaphore_mem>>)
      %dma_wait3A = arith.constant 0 : i32
      %dma_wait3A_23 = arith.constant 0 : i32
      %dma_wait3A_24 = tpu.memref_slice %arg4[%add3A, %dma_wait3A, %dma_wait3A_23] : memref<32x80x128xi32, #tpu.memory_space<hbm>> -> memref<1x80x128xi32, #tpu.memory_space<hbm>>
      %dma_wait3A_25 = tpu.memref_squeeze %dma_wait3A_24 : memref<1x80x128xi32, #tpu.memory_space<hbm>> -> memref<80x128xi32, #tpu.memory_space<hbm>>
      %dma_wait3A_26 = arith.constant 0 : i32
      %dma_wait3A_27 = arith.constant 0 : i32
      %dma_wait3A_28 = tpu.memref_slice %arg4[%add3A, %dma_wait3A_26, %dma_wait3A_27] : memref<32x80x128xi32, #tpu.memory_space<hbm>> -> memref<1x80x128xi32, #tpu.memory_space<hbm>>
      %dma_wait3A_29 = tpu.memref_squeeze %dma_wait3A_28 : memref<1x80x128xi32, #tpu.memory_space<hbm>> -> memref<80x128xi32, #tpu.memory_space<hbm>>
      tpu.wait_dma2 semaphore(%run_scoped3A : memref<!tpu.dma_semaphore, #tpu.memory_space<semaphore_mem>>) src(%dma_wait3A_29 : memref<80x128xi32, #tpu.memory_space<hbm>>) dst(%arg8 : memref<80x128xi32, #tpu.memory_space<vmem>>)
      tpu.yield
    }) : () -> ()
    %barrier3A = arith.constant 0 : index
    tpu.barrier barrier_id(%barrier3A)
    %dma_start3A = arith.constant 0 : i32
    %dma_start3A_3 = arith.constant 0 : i32
    %dma_start3A_4 = tpu.memref_slice %arg7[%dma_start3A, %dma_start3A_3] : memref<80x128xi32, #tpu.memory_space<vmem>> -> memref<1x128xi32, #tpu.memory_space<vmem>>
    %dma_start3A_5 = tpu.memref_squeeze %dma_start3A_4 : memref<1x128xi32, #tpu.memory_space<vmem>> -> memref<128xi32, #tpu.memory_space<vmem>>
    %dma_start3A_6 = arith.constant 0 : i32
    %dma_start3A_7 = arith.constant 0 : i32
    %dma_start3A_8 = tpu.memref_slice %arg2[%dma_start3A_6, %dma_start3A_7] : memref<10240x4xf32, #tpu.memory_space<hbm>> -> memref<10240x4xf32, #tpu.memory_space<hbm>>
    tpu.enqueue_indirect_dma source(%dma_start3A_8 : memref<10240x4xf32, #tpu.memory_space<hbm>>) target(%arg9 : memref<128x4xf32, #tpu.memory_space<vmem>>) offsets(%dma_start3A_5 : memref<128xi32, #tpu.memory_space<vmem>>) semaphore(%arg12 : memref<!tpu.dma_semaphore, #tpu.memory_space<semaphore_mem>>)
    %scan3A = arith.constant 0 : i32
    %scan3A_9 = arith.constant 0 : i32
    %scan3A_10 = arith.constant 80 : i32
    %scan3A_11 = arith.addi %scan3A_9, %scan3A_10 : i32
    %scan3A_12 = arith.constant 1 : i32
    scf.for %scan3A_15 = %scan3A_9 to %scan3A_11 step %scan3A_12  : i32 {
      %jit3A = arith.constant 2 : i32
      %eq3A = arith.constant 0 : i32
      %eq3A_16 = arith.cmpi eq, %jit3A, %eq3A : i32
      %jit3A_17 = arith.constant 1 : i32
      %select_n3A = arith.select %eq3A_16, %jit3A_17, %jit3A : i32
      %rem3A = arith.remsi %scan3A_15, %select_n3A : i32
      %ne3A = arith.constant 0 : i32
      %ne3A_18 = arith.cmpi ne, %rem3A, %ne3A : i32
      %lt3A = arith.constant 0 : i32
      %lt3A_19 = arith.cmpi slt, %rem3A, %lt3A : i32
      %lt3A_20 = arith.constant 0 : i32
      %lt3A_21 = arith.cmpi slt, %select_n3A, %lt3A_20 : i32
      %ne3A_22 = arith.xori %lt3A_19, %lt3A_21 : i1
      %and3A = arith.andi %ne3A_22, %ne3A_18 : i1
      %add3A_23 = arith.addi %rem3A, %select_n3A : i32
      %select_n3A_24 = arith.select %and3A, %add3A_23, %rem3A : i32
      %eq3A_25 = arith.constant 0 : i32
      %eq3A_26 = arith.cmpi eq, %select_n3A_24, %eq3A_25 : i32
      %convert_element_type3A = arith.extui %eq3A_26 : i1 to i32
      %cond3A = arith.constant 0 : i32
      %cond3A_27 = arith.cmpi ne, %convert_element_type3A, %cond3A : i32
      scf.if %cond3A_27 {
        %dma_wait3A = arith.constant 0 : i32
        %dma_wait3A_49 = tpu.memref_slice %arg7[%scan3A_15, %dma_wait3A] : memref<80x128xi32, #tpu.memory_space<vmem>> -> memref<1x128xi32, #tpu.memory_space<vmem>>
        %dma_wait3A_50 = tpu.memref_squeeze %dma_wait3A_49 : memref<1x128xi32, #tpu.memory_space<vmem>> -> memref<128xi32, #tpu.memory_space<vmem>>
        %dma_wait3A_51 = arith.constant 0 : i32
        %dma_wait3A_52 = arith.constant 0 : i32
        %dma_wait3A_53 = tpu.memref_slice %arg2[%dma_wait3A_51, %dma_wait3A_52] : memref<10240x4xf32, #tpu.memory_space<hbm>> -> memref<10240x4xf32, #tpu.memory_space<hbm>>
        tpu.wait_indirect_dma semaphore(%arg12 : memref<!tpu.dma_semaphore, #tpu.memory_space<semaphore_mem>>) src(%dma_wait3A_53 : memref<10240x4xf32, #tpu.memory_space<hbm>>) dst(%arg9 : memref<128x4xf32, #tpu.memory_space<vmem>>)
        %add3A_54 = arith.constant 1 : i32
        %add3A_55 = arith.addi %scan3A_15, %add3A_54 : i32
        %lt3A_56 = arith.constant 80 : i32
        %lt3A_57 = arith.cmpi slt, %add3A_55, %lt3A_56 : i32
        %convert_element_type3A_58 = arith.extui %lt3A_57 : i1 to i32
        %cond3A_59 = arith.constant 0 : i32
        %cond3A_60 = arith.cmpi ne, %convert_element_type3A_58, %cond3A_59 : i32
        scf.if %cond3A_60 {
          %add3A_61 = arith.constant 1 : i32
          %add3A_62 = arith.addi %scan3A_15, %add3A_61 : i32
          %dma_start3A_63 = arith.constant 0 : i32
          %dma_start3A_64 = tpu.memref_slice %arg7[%add3A_62, %dma_start3A_63] : memref<80x128xi32, #tpu.memory_space<vmem>> -> memref<1x128xi32, #tpu.memory_space<vmem>>
          %dma_start3A_65 = tpu.memref_squeeze %dma_start3A_64 : memref<1x128xi32, #tpu.memory_space<vmem>> -> memref<128xi32, #tpu.memory_space<vmem>>
          %dma_start3A_66 = arith.constant 0 : i32
          %dma_start3A_67 = arith.constant 0 : i32
          %dma_start3A_68 = tpu.memref_slice %arg2[%dma_start3A_66, %dma_start3A_67] : memref<10240x4xf32, #tpu.memory_space<hbm>> -> memref<10240x4xf32, #tpu.memory_space<hbm>>
          tpu.enqueue_indirect_dma source(%dma_start3A_68 : memref<10240x4xf32, #tpu.memory_space<hbm>>) target(%arg10 : memref<128x4xf32, #tpu.memory_space<vmem>>) offsets(%dma_start3A_65 : memref<128xi32, #tpu.memory_space<vmem>>) semaphore(%arg13 : memref<!tpu.dma_semaphore, #tpu.memory_space<semaphore_mem>>)
        } else {
        }
        "tpu.region"() ({
          %run_scoped3A = tpu.sem_alloc : memref<!tpu.dma_semaphore, #tpu.memory_space<semaphore_mem>>
          %dma_start3A_61 = arith.constant 0 : i32
          %dma_start3A_62 = tpu.memref_slice %arg8[%scan3A_15, %dma_start3A_61] : memref<80x128xi32, #tpu.memory_space<vmem>> -> memref<1x128xi32, #tpu.memory_space<vmem>>
          %dma_start3A_63 = tpu.memref_squeeze %dma_start3A_62 : memref<1x128xi32, #tpu.memory_space<vmem>> -> memref<128xi32, #tpu.memory_space<vmem>>
          %dma_start3A_64 = arith.constant 0 : i32
          %dma_start3A_65 = arith.constant 0 : i32
          %dma_start3A_66 = tpu.memref_slice %arg11[%dma_start3A_64, %dma_start3A_65] : memref<10240x4xf32, #tpu.memory_space<vmem_shared>> -> memref<10240x4xf32, #tpu.memory_space<vmem_shared>>
          tpu.enqueue_indirect_dma source(%arg9 : memref<128x4xf32, #tpu.memory_space<vmem>>) target(%dma_start3A_66 : memref<10240x4xf32, #tpu.memory_space<vmem_shared>>) offsets(%dma_start3A_63 : memref<128xi32, #tpu.memory_space<vmem>>) semaphore(%run_scoped3A : memref<!tpu.dma_semaphore, #tpu.memory_space<semaphore_mem>>) {add = true}
          %dma_wait3A_67 = arith.constant 0 : i32
          %dma_wait3A_68 = tpu.memref_slice %arg8[%scan3A_15, %dma_wait3A_67] : memref<80x128xi32, #tpu.memory_space<vmem>> -> memref<1x128xi32, #tpu.memory_space<vmem>>
          %dma_wait3A_69 = tpu.memref_squeeze %dma_wait3A_68 : memref<1x128xi32, #tpu.memory_space<vmem>> -> memref<128xi32, #tpu.memory_space<vmem>>
          %dma_wait3A_70 = arith.constant 0 : i32
          %dma_wait3A_71 = arith.constant 0 : i32
          %dma_wait3A_72 = tpu.memref_slice %arg11[%dma_wait3A_70, %dma_wait3A_71] : memref<10240x4xf32, #tpu.memory_space<vmem_shared>> -> memref<10240x4xf32, #tpu.memory_space<vmem_shared>>
          tpu.wait_indirect_dma semaphore(%run_scoped3A : memref<!tpu.dma_semaphore, #tpu.memory_space<semaphore_mem>>) src(%arg9 : memref<128x4xf32, #tpu.memory_space<vmem>>) dst(%dma_wait3A_72 : memref<10240x4xf32, #tpu.memory_space<vmem_shared>>)
          tpu.yield
        }) : () -> ()
      } else {
      }
      %jit3A_28 = arith.constant 2 : i32
      %eq3A_29 = arith.constant 0 : i32
      %eq3A_30 = arith.cmpi eq, %jit3A_28, %eq3A_29 : i32
      %jit3A_31 = arith.constant 1 : i32
      %select_n3A_32 = arith.select %eq3A_30, %jit3A_31, %jit3A_28 : i32
      %rem3A_33 = arith.remsi %scan3A_15, %select_n3A_32 : i32
      %ne3A_34 = arith.constant 0 : i32
      %ne3A_35 = arith.cmpi ne, %rem3A_33, %ne3A_34 : i32
      %lt3A_36 = arith.constant 0 : i32
      %lt3A_37 = arith.cmpi slt, %rem3A_33, %lt3A_36 : i32
      %lt3A_38 = arith.constant 0 : i32
      %lt3A_39 = arith.cmpi slt, %select_n3A_32, %lt3A_38 : i32
      %ne3A_40 = arith.xori %lt3A_37, %lt3A_39 : i1
      %and3A_41 = arith.andi %ne3A_40, %ne3A_35 : i1
      %add3A_42 = arith.addi %rem3A_33, %select_n3A_32 : i32
      %select_n3A_43 = arith.select %and3A_41, %add3A_42, %rem3A_33 : i32
      %eq3A_44 = arith.constant 1 : i32
      %eq3A_45 = arith.cmpi eq, %select_n3A_43, %eq3A_44 : i32
      %convert_element_type3A_46 = arith.extui %eq3A_45 : i1 to i32
      %cond3A_47 = arith.constant 0 : i32
      %cond3A_48 = arith.cmpi ne, %convert_element_type3A_46, %cond3A_47 : i32
      scf.if %cond3A_48 {
        %dma_wait3A = arith.constant 0 : i32
        %dma_wait3A_49 = tpu.memref_slice %arg7[%scan3A_15, %dma_wait3A] : memref<80x128xi32, #tpu.memory_space<vmem>> -> memref<1x128xi32, #tpu.memory_space<vmem>>
        %dma_wait3A_50 = tpu.memref_squeeze %dma_wait3A_49 : memref<1x128xi32, #tpu.memory_space<vmem>> -> memref<128xi32, #tpu.memory_space<vmem>>
        %dma_wait3A_51 = arith.constant 0 : i32
        %dma_wait3A_52 = arith.constant 0 : i32
        %dma_wait3A_53 = tpu.memref_slice %arg2[%dma_wait3A_51, %dma_wait3A_52] : memref<10240x4xf32, #tpu.memory_space<hbm>> -> memref<10240x4xf32, #tpu.memory_space<hbm>>
        tpu.wait_indirect_dma semaphore(%arg13 : memref<!tpu.dma_semaphore, #tpu.memory_space<semaphore_mem>>) src(%dma_wait3A_53 : memref<10240x4xf32, #tpu.memory_space<hbm>>) dst(%arg10 : memref<128x4xf32, #tpu.memory_space<vmem>>)
        %add3A_54 = arith.constant 1 : i32
        %add3A_55 = arith.addi %scan3A_15, %add3A_54 : i32
        %lt3A_56 = arith.constant 80 : i32
        %lt3A_57 = arith.cmpi slt, %add3A_55, %lt3A_56 : i32
        %convert_element_type3A_58 = arith.extui %lt3A_57 : i1 to i32
        %cond3A_59 = arith.constant 0 : i32
        %cond3A_60 = arith.cmpi ne, %convert_element_type3A_58, %cond3A_59 : i32
        scf.if %cond3A_60 {
          %add3A_61 = arith.constant 1 : i32
          %add3A_62 = arith.addi %scan3A_15, %add3A_61 : i32
          %dma_start3A_63 = arith.constant 0 : i32
          %dma_start3A_64 = tpu.memref_slice %arg7[%add3A_62, %dma_start3A_63] : memref<80x128xi32, #tpu.memory_space<vmem>> -> memref<1x128xi32, #tpu.memory_space<vmem>>
          %dma_start3A_65 = tpu.memref_squeeze %dma_start3A_64 : memref<1x128xi32, #tpu.memory_space<vmem>> -> memref<128xi32, #tpu.memory_space<vmem>>
          %dma_start3A_66 = arith.constant 0 : i32
          %dma_start3A_67 = arith.constant 0 : i32
          %dma_start3A_68 = tpu.memref_slice %arg2[%dma_start3A_66, %dma_start3A_67] : memref<10240x4xf32, #tpu.memory_space<hbm>> -> memref<10240x4xf32, #tpu.memory_space<hbm>>
          tpu.enqueue_indirect_dma source(%dma_start3A_68 : memref<10240x4xf32, #tpu.memory_space<hbm>>) target(%arg9 : memref<128x4xf32, #tpu.memory_space<vmem>>) offsets(%dma_start3A_65 : memref<128xi32, #tpu.memory_space<vmem>>) semaphore(%arg12 : memref<!tpu.dma_semaphore, #tpu.memory_space<semaphore_mem>>)
        } else {
        }
        "tpu.region"() ({
          %run_scoped3A = tpu.sem_alloc : memref<!tpu.dma_semaphore, #tpu.memory_space<semaphore_mem>>
          %dma_start3A_61 = arith.constant 0 : i32
          %dma_start3A_62 = tpu.memref_slice %arg8[%scan3A_15, %dma_start3A_61] : memref<80x128xi32, #tpu.memory_space<vmem>> -> memref<1x128xi32, #tpu.memory_space<vmem>>
          %dma_start3A_63 = tpu.memref_squeeze %dma_start3A_62 : memref<1x128xi32, #tpu.memory_space<vmem>> -> memref<128xi32, #tpu.memory_space<vmem>>
          %dma_start3A_64 = arith.constant 0 : i32
          %dma_start3A_65 = arith.constant 0 : i32
          %dma_start3A_66 = tpu.memref_slice %arg11[%dma_start3A_64, %dma_start3A_65] : memref<10240x4xf32, #tpu.memory_space<vmem_shared>> -> memref<10240x4xf32, #tpu.memory_space<vmem_shared>>
          tpu.enqueue_indirect_dma source(%arg10 : memref<128x4xf32, #tpu.memory_space<vmem>>) target(%dma_start3A_66 : memref<10240x4xf32, #tpu.memory_space<vmem_shared>>) offsets(%dma_start3A_63 : memref<128xi32, #tpu.memory_space<vmem>>) semaphore(%run_scoped3A : memref<!tpu.dma_semaphore, #tpu.memory_space<semaphore_mem>>) {add = true}
          %dma_wait3A_67 = arith.constant 0 : i32
          %dma_wait3A_68 = tpu.memref_slice %arg8[%scan3A_15, %dma_wait3A_67] : memref<80x128xi32, #tpu.memory_space<vmem>> -> memref<1x128xi32, #tpu.memory_space<vmem>>
          %dma_wait3A_69 = tpu.memref_squeeze %dma_wait3A_68 : memref<1x128xi32, #tpu.memory_space<vmem>> -> memref<128xi32, #tpu.memory_space<vmem>>
          %dma_wait3A_70 = arith.constant 0 : i32
          %dma_wait3A_71 = arith.constant 0 : i32
          %dma_wait3A_72 = tpu.memref_slice %arg11[%dma_wait3A_70, %dma_wait3A_71] : memref<10240x4xf32, #tpu.memory_space<vmem_shared>> -> memref<10240x4xf32, #tpu.memory_space<vmem_shared>>
          tpu.wait_indirect_dma semaphore(%run_scoped3A : memref<!tpu.dma_semaphore, #tpu.memory_space<semaphore_mem>>) src(%arg10 : memref<128x4xf32, #tpu.memory_space<vmem>>) dst(%dma_wait3A_72 : memref<10240x4xf32, #tpu.memory_space<vmem_shared>>)
          tpu.yield
        }) : () -> ()
      } else {
      }
    }
    %scan3A_13 = arith.constant 80 : i32
    %barrier3A_14 = arith.constant 0 : index
    tpu.barrier barrier_id(%barrier3A_14)
    "tpu.region"() ({
      %run_scoped3A = tpu.sem_alloc : memref<!tpu.dma_semaphore, #tpu.memory_space<semaphore_mem>>
      %dma_start3A_15 = arith.constant 0 : i32
      %dma_start3A_16 = tpu.memref_slice %arg6[%arg0, %mul3A_0, %dma_start3A_15] : memref<2x10240x4xf32, #tpu.memory_space<hbm>> -> memref<1x640x4xf32, #tpu.memory_space<hbm>>
      %dma_start3A_17 = tpu.memref_squeeze %dma_start3A_16 : memref<1x640x4xf32, #tpu.memory_space<hbm>> -> memref<640x4xf32, #tpu.memory_space<hbm>>
      %dma_start3A_18 = arith.constant 0 : i32
      %dma_start3A_19 = tpu.memref_slice %arg11[%mul3A_0, %dma_start3A_18] : memref<10240x4xf32, #tpu.memory_space<vmem_shared>> -> memref<640x4xf32, #tpu.memory_space<vmem_shared>>
      tpu.enqueue_dma source(%dma_start3A_19 : memref<640x4xf32, #tpu.memory_space<vmem_shared>>) target(%dma_start3A_17 : memref<640x4xf32, #tpu.memory_space<hbm>>) target_semaphore(%run_scoped3A : memref<!tpu.dma_semaphore, #tpu.memory_space<semaphore_mem>>)
      %dma_wait3A = arith.constant 0 : i32
      %dma_wait3A_20 = tpu.memref_slice %arg6[%arg0, %mul3A_0, %dma_wait3A] : memref<2x10240x4xf32, #tpu.memory_space<hbm>> -> memref<1x640x4xf32, #tpu.memory_space<hbm>>
      %dma_wait3A_21 = tpu.memref_squeeze %dma_wait3A_20 : memref<1x640x4xf32, #tpu.memory_space<hbm>> -> memref<640x4xf32, #tpu.memory_space<hbm>>
      %dma_wait3A_22 = arith.constant 0 : i32
      %dma_wait3A_23 = tpu.memref_slice %arg11[%mul3A_0, %dma_wait3A_22] : memref<10240x4xf32, #tpu.memory_space<vmem_shared>> -> memref<640x4xf32, #tpu.memory_space<vmem_shared>>
      tpu.wait_dma2 semaphore(%run_scoped3A : memref<!tpu.dma_semaphore, #tpu.memory_space<semaphore_mem>>) src(%dma_wait3A_23 : memref<640x4xf32, #tpu.memory_space<vmem_shared>>) dst(%dma_wait3A_21 : memref<640x4xf32, #tpu.memory_space<hbm>>)
      tpu.yield
    }) : () -> ()
    return
  }
}

#map = affine_map<(d0, d1) -> (0, 0)>
#map1 = affine_map<(d0, d1) -> (0, 0, 0)>
module attributes {stable_mosaic.version = 14 : i64} {
  func.func @body(%arg0: i32, %arg1: i32, %arg2: memref<10240x4xf32, #tpu.memory_space<hbm>>, %arg3: memref<32x80x128xi32, #tpu.memory_space<hbm>>, %arg4: memref<32x80x128xi32, #tpu.memory_space<hbm>>, %arg5: memref<10240x4xf32, #tpu.memory_space<hbm>>, %arg6: memref<2x10240x4xf32, #tpu.memory_space<hbm>>, %arg7: memref<80x128xi32, #tpu.memory_space<vmem>>, %arg8: memref<80x128xi32, #tpu.memory_space<vmem>>, %arg9: memref<128x4xf32, #tpu.memory_space<vmem>>, %arg10: memref<128x4xf32, #tpu.memory_space<vmem>>, %arg11: memref<10240x4xf32, #tpu.memory_space<vmem_shared>>, %arg12: memref<!tpu.dma_semaphore, #tpu.memory_space<semaphore_mem>>, %arg13: memref<!tpu.dma_semaphore, #tpu.memory_space<semaphore_mem>>) attributes {dimension_semantics = [#tpu.dimension_semantics<core_parallel>, #tpu.dimension_semantics<subcore_parallel>], iteration_bounds = array<i64: 2, 16>, scalar_prefetch = 0 : i64, scratch_operands = 7 : i64, tpu.core_type = #tpu.core_type<sc_vector_subcore>, window_params = [{transform_indices = #map}, {transform_indices = #map1}, {transform_indices = #map1}, {transform_indices = #map}, {transform_indices = #map1}]} {
    %mul3A = arith.constant 640 : i32
    %mul3A_0 = arith.muli %arg1, %mul3A : i32
    "tpu.region"() ({
      %run_scoped3A = tpu.sem_alloc : memref<!tpu.dma_semaphore, #tpu.memory_space<semaphore_mem>>
      %dma_start3A_15 = arith.constant 0 : i32
      %dma_start3A_16 = tpu.memref_slice %arg11[%mul3A_0, %dma_start3A_15] : memref<10240x4xf32, #tpu.memory_space<vmem_shared>> -> memref<640x4xf32, #tpu.memory_space<vmem_shared>>
      %dma_start3A_17 = arith.constant 0 : i32
      %dma_start3A_18 = tpu.memref_slice %arg5[%mul3A_0, %dma_start3A_17] : memref<10240x4xf32, #tpu.memory_space<hbm>> -> memref<640x4xf32, #tpu.memory_space<hbm>>
      tpu.enqueue_dma source(%dma_start3A_18 : memref<640x4xf32, #tpu.memory_space<hbm>>) target(%dma_start3A_16 : memref<640x4xf32, #tpu.memory_space<vmem_shared>>) target_semaphore(%run_scoped3A : memref<!tpu.dma_semaphore, #tpu.memory_space<semaphore_mem>>)
      %dma_wait3A = arith.constant 0 : i32
      %dma_wait3A_19 = tpu.memref_slice %arg11[%mul3A_0, %dma_wait3A] : memref<10240x4xf32, #tpu.memory_space<vmem_shared>> -> memref<640x4xf32, #tpu.memory_space<vmem_shared>>
      %dma_wait3A_20 = arith.constant 0 : i32
      %dma_wait3A_21 = tpu.memref_slice %arg5[%mul3A_0, %dma_wait3A_20] : memref<10240x4xf32, #tpu.memory_space<hbm>> -> memref<640x4xf32, #tpu.memory_space<hbm>>
      tpu.wait_dma2 semaphore(%run_scoped3A : memref<!tpu.dma_semaphore, #tpu.memory_space<semaphore_mem>>) src(%dma_wait3A_21 : memref<640x4xf32, #tpu.memory_space<hbm>>) dst(%dma_wait3A_19 : memref<640x4xf32, #tpu.memory_space<vmem_shared>>)
      tpu.yield
    }) : () -> ()
    %mul3A_1 = arith.constant 16 : i32
    %mul3A_2 = arith.muli %arg0, %mul3A_1 : i32
    %add3A = arith.addi %mul3A_2, %arg1 : i32
    "tpu.region"() ({
      %run_scoped3A = tpu.sem_alloc : memref<!tpu.dma_semaphore, #tpu.memory_space<semaphore_mem>>
      %dma_start3A_15 = arith.constant 0 : i32
      %dma_start3A_16 = arith.constant 0 : i32
      %dma_start3A_17 = tpu.memref_slice %arg3[%add3A, %dma_start3A_15, %dma_start3A_16] : memref<32x80x128xi32, #tpu.memory_space<hbm>> -> memref<1x80x128xi32, #tpu.memory_space<hbm>>
      %dma_start3A_18 = tpu.memref_squeeze %dma_start3A_17 : memref<1x80x128xi32, #tpu.memory_space<hbm>> -> memref<80x128xi32, #tpu.memory_space<hbm>>
      %dma_start3A_19 = arith.constant 0 : i32
      %dma_start3A_20 = arith.constant 0 : i32
      %dma_start3A_21 = tpu.memref_slice %arg3[%add3A, %dma_start3A_19, %dma_start3A_20] : memref<32x80x128xi32, #tpu.memory_space<hbm>> -> memref<1x80x128xi32, #tpu.memory_space<hbm>>
      %dma_start3A_22 = tpu.memref_squeeze %dma_start3A_21 : memref<1x80x128xi32, #tpu.memory_space<hbm>> -> memref<80x128xi32, #tpu.memory_space<hbm>>
      tpu.enqueue_dma source(%dma_start3A_22 : memref<80x128xi32, #tpu.memory_space<hbm>>) target(%arg7 : memref<80x128xi32, #tpu.memory_space<vmem>>) target_semaphore(%run_scoped3A : memref<!tpu.dma_semaphore, #tpu.memory_space<semaphore_mem>>)
      %dma_wait3A = arith.constant 0 : i32
      %dma_wait3A_23 = arith.constant 0 : i32
      %dma_wait3A_24 = tpu.memref_slice %arg3[%add3A, %dma_wait3A, %dma_wait3A_23] : memref<32x80x128xi32, #tpu.memory_space<hbm>> -> memref<1x80x128xi32, #tpu.memory_space<hbm>>
      %dma_wait3A_25 = tpu.memref_squeeze %dma_wait3A_24 : memref<1x80x128xi32, #tpu.memory_space<hbm>> -> memref<80x128xi32, #tpu.memory_space<hbm>>
      %dma_wait3A_26 = arith.constant 0 : i32
      %dma_wait3A_27 = arith.constant 0 : i32
      %dma_wait3A_28 = tpu.memref_slice %arg3[%add3A, %dma_wait3A_26, %dma_wait3A_27] : memref<32x80x128xi32, #tpu.memory_space<hbm>> -> memref<1x80x128xi32, #tpu.memory_space<hbm>>
      %dma_wait3A_29 = tpu.memref_squeeze %dma_wait3A_28 : memref<1x80x128xi32, #tpu.memory_space<hbm>> -> memref<80x128xi32, #tpu.memory_space<hbm>>
      tpu.wait_dma2 semaphore(%run_scoped3A : memref<!tpu.dma_semaphore, #tpu.memory_space<semaphore_mem>>) src(%dma_wait3A_29 : memref<80x128xi32, #tpu.memory_space<hbm>>) dst(%arg7 : memref<80x128xi32, #tpu.memory_space<vmem>>)
      tpu.yield
    }) : () -> ()
    "tpu.region"() ({
      %run_scoped3A = tpu.sem_alloc : memref<!tpu.dma_semaphore, #tpu.memory_space<semaphore_mem>>
      %dma_start3A_15 = arith.constant 0 : i32
      %dma_start3A_16 = arith.constant 0 : i32
      %dma_start3A_17 = tpu.memref_slice %arg4[%add3A, %dma_start3A_15, %dma_start3A_16] : memref<32x80x128xi32, #tpu.memory_space<hbm>> -> memref<1x80x128xi32, #tpu.memory_space<hbm>>
      %dma_start3A_18 = tpu.memref_squeeze %dma_start3A_17 : memref<1x80x128xi32, #tpu.memory_space<hbm>> -> memref<80x128xi32, #tpu.memory_space<hbm>>
      %dma_start3A_19 = arith.constant 0 : i32
      %dma_start3A_20 = arith.constant 0 : i32
      %dma_start3A_21 = tpu.memref_slice %arg4[%add3A, %dma_start3A_19, %dma_start3A_20] : memref<32x80x128xi32, #tpu.memory_space<hbm>> -> memref<1x80x128xi32, #tpu.memory_space<hbm>>
      %dma_start3A_22 = tpu.memref_squeeze %dma_start3A_21 : memref<1x80x128xi32, #tpu.memory_space<hbm>> -> memref<80x128xi32, #tpu.memory_space<hbm>>
      tpu.enqueue_dma source(%dma_start3A_22 : memref<80x128xi32, #tpu.memory_space<hbm>>) target(%arg8 : memref<80x128xi32, #tpu.memory_space<vmem>>) target_semaphore(%run_scoped3A : memref<!tpu.dma_semaphore, #tpu.memory_space<semaphore_mem>>)
      %dma_wait3A = arith.constant 0 : i32
      %dma_wait3A_23 = arith.constant 0 : i32
      %dma_wait3A_24 = tpu.memref_slice %arg4[%add3A, %dma_wait3A, %dma_wait3A_23] : memref<32x80x128xi32, #tpu.memory_space<hbm>> -> memref<1x80x128xi32, #tpu.memory_space<hbm>>
      %dma_wait3A_25 = tpu.memref_squeeze %dma_wait3A_24 : memref<1x80x128xi32, #tpu.memory_space<hbm>> -> memref<80x128xi32, #tpu.memory_space<hbm>>
      %dma_wait3A_26 = arith.constant 0 : i32
      %dma_wait3A_27 = arith.constant 0 : i32
      %dma_wait3A_28 = tpu.memref_slice %arg4[%add3A, %dma_wait3A_26, %dma_wait3A_27] : memref<32x80x128xi32, #tpu.memory_space<hbm>> -> memref<1x80x128xi32, #tpu.memory_space<hbm>>
      %dma_wait3A_29 = tpu.memref_squeeze %dma_wait3A_28 : memref<1x80x128xi32, #tpu.memory_space<hbm>> -> memref<80x128xi32, #tpu.memory_space<hbm>>
      tpu.wait_dma2 semaphore(%run_scoped3A : memref<!tpu.dma_semaphore, #tpu.memory_space<semaphore_mem>>) src(%dma_wait3A_29 : memref<80x128xi32, #tpu.memory_space<hbm>>) dst(%arg8 : memref<80x128xi32, #tpu.memory_space<vmem>>)
      tpu.yield
    }) : () -> ()
    %barrier3A = arith.constant 0 : index
    tpu.barrier barrier_id(%barrier3A)
    %dma_start3A = arith.constant 0 : i32
    %dma_start3A_3 = arith.constant 0 : i32
    %dma_start3A_4 = tpu.memref_slice %arg7[%dma_start3A, %dma_start3A_3] : memref<80x128xi32, #tpu.memory_space<vmem>> -> memref<1x128xi32, #tpu.memory_space<vmem>>
    %dma_start3A_5 = tpu.memref_squeeze %dma_start3A_4 : memref<1x128xi32, #tpu.memory_space<vmem>> -> memref<128xi32, #tpu.memory_space<vmem>>
    %dma_start3A_6 = arith.constant 0 : i32
    %dma_start3A_7 = arith.constant 0 : i32
    %dma_start3A_8 = tpu.memref_slice %arg2[%dma_start3A_6, %dma_start3A_7] : memref<10240x4xf32, #tpu.memory_space<hbm>> -> memref<10240x4xf32, #tpu.memory_space<hbm>>
    tpu.enqueue_indirect_dma source(%dma_start3A_8 : memref<10240x4xf32, #tpu.memory_space<hbm>>) target(%arg9 : memref<128x4xf32, #tpu.memory_space<vmem>>) offsets(%dma_start3A_5 : memref<128xi32, #tpu.memory_space<vmem>>) semaphore(%arg12 : memref<!tpu.dma_semaphore, #tpu.memory_space<semaphore_mem>>)
    %scan3A = arith.constant 0 : i32
    %scan3A_9 = arith.constant 0 : i32
    %scan3A_10 = arith.constant 80 : i32
    %scan3A_11 = arith.addi %scan3A_9, %scan3A_10 : i32
    %scan3A_12 = arith.constant 1 : i32
    scf.for %scan3A_15 = %scan3A_9 to %scan3A_11 step %scan3A_12  : i32 {
      %jit3A = arith.constant 2 : i32
      %eq3A = arith.constant 0 : i32
      %eq3A_16 = arith.cmpi eq, %jit3A, %eq3A : i32
      %jit3A_17 = arith.constant 1 : i32
      %select_n3A = arith.select %eq3A_16, %jit3A_17, %jit3A : i32
      %rem3A = arith.remsi %scan3A_15, %select_n3A : i32
      %ne3A = arith.constant 0 : i32
      %ne3A_18 = arith.cmpi ne, %rem3A, %ne3A : i32
      %lt3A = arith.constant 0 : i32
      %lt3A_19 = arith.cmpi slt, %rem3A, %lt3A : i32
      %lt3A_20 = arith.constant 0 : i32
      %lt3A_21 = arith.cmpi slt, %select_n3A, %lt3A_20 : i32
      %ne3A_22 = arith.xori %lt3A_19, %lt3A_21 : i1
      %and3A = arith.andi %ne3A_22, %ne3A_18 : i1
      %add3A_23 = arith.addi %rem3A, %select_n3A : i32
      %select_n3A_24 = arith.select %and3A, %add3A_23, %rem3A : i32
      %eq3A_25 = arith.constant 0 : i32
      %eq3A_26 = arith.cmpi eq, %select_n3A_24, %eq3A_25 : i32
      %convert_element_type3A = arith.extui %eq3A_26 : i1 to i32
      %cond3A = arith.constant 0 : i32
      %cond3A_27 = arith.cmpi ne, %convert_element_type3A, %cond3A : i32
      scf.if %cond3A_27 {
        %dma_wait3A = arith.constant 0 : i32
        %dma_wait3A_49 = tpu.memref_slice %arg7[%scan3A_15, %dma_wait3A] : memref<80x128xi32, #tpu.memory_space<vmem>> -> memref<1x128xi32, #tpu.memory_space<vmem>>
        %dma_wait3A_50 = tpu.memref_squeeze %dma_wait3A_49 : memref<1x128xi32, #tpu.memory_space<vmem>> -> memref<128xi32, #tpu.memory_space<vmem>>
        %dma_wait3A_51 = arith.constant 0 : i32
        %dma_wait3A_52 = arith.constant 0 : i32
        %dma_wait3A_53 = tpu.memref_slice %arg2[%dma_wait3A_51, %dma_wait3A_52] : memref<10240x4xf32, #tpu.memory_space<hbm>> -> memref<10240x4xf32, #tpu.memory_space<hbm>>
        tpu.wait_indirect_dma semaphore(%arg12 : memref<!tpu.dma_semaphore, #tpu.memory_space<semaphore_mem>>) src(%dma_wait3A_53 : memref<10240x4xf32, #tpu.memory_space<hbm>>) dst(%arg9 : memref<128x4xf32, #tpu.memory_space<vmem>>)
        %add3A_54 = arith.constant 1 : i32
        %add3A_55 = arith.addi %scan3A_15, %add3A_54 : i32
        %lt3A_56 = arith.constant 80 : i32
        %lt3A_57 = arith.cmpi slt, %add3A_55, %lt3A_56 : i32
        %convert_element_type3A_58 = arith.extui %lt3A_57 : i1 to i32
        %cond3A_59 = arith.constant 0 : i32
        %cond3A_60 = arith.cmpi ne, %convert_element_type3A_58, %cond3A_59 : i32
        scf.if %cond3A_60 {
          %add3A_61 = arith.constant 1 : i32
          %add3A_62 = arith.addi %scan3A_15, %add3A_61 : i32
          %dma_start3A_63 = arith.constant 0 : i32
          %dma_start3A_64 = tpu.memref_slice %arg7[%add3A_62, %dma_start3A_63] : memref<80x128xi32, #tpu.memory_space<vmem>> -> memref<1x128xi32, #tpu.memory_space<vmem>>
          %dma_start3A_65 = tpu.memref_squeeze %dma_start3A_64 : memref<1x128xi32, #tpu.memory_space<vmem>> -> memref<128xi32, #tpu.memory_space<vmem>>
          %dma_start3A_66 = arith.constant 0 : i32
          %dma_start3A_67 = arith.constant 0 : i32
          %dma_start3A_68 = tpu.memref_slice %arg2[%dma_start3A_66, %dma_start3A_67] : memref<10240x4xf32, #tpu.memory_space<hbm>> -> memref<10240x4xf32, #tpu.memory_space<hbm>>
          tpu.enqueue_indirect_dma source(%dma_start3A_68 : memref<10240x4xf32, #tpu.memory_space<hbm>>) target(%arg10 : memref<128x4xf32, #tpu.memory_space<vmem>>) offsets(%dma_start3A_65 : memref<128xi32, #tpu.memory_space<vmem>>) semaphore(%arg13 : memref<!tpu.dma_semaphore, #tpu.memory_space<semaphore_mem>>)
        } else {
        }
        "tpu.region"() ({
          %run_scoped3A = tpu.sem_alloc : memref<!tpu.dma_semaphore, #tpu.memory_space<semaphore_mem>>
          %dma_start3A_61 = arith.constant 0 : i32
          %dma_start3A_62 = tpu.memref_slice %arg8[%scan3A_15, %dma_start3A_61] : memref<80x128xi32, #tpu.memory_space<vmem>> -> memref<1x128xi32, #tpu.memory_space<vmem>>
          %dma_start3A_63 = tpu.memref_squeeze %dma_start3A_62 : memref<1x128xi32, #tpu.memory_space<vmem>> -> memref<128xi32, #tpu.memory_space<vmem>>
          %dma_start3A_64 = arith.constant 0 : i32
          %dma_start3A_65 = arith.constant 0 : i32
          %dma_start3A_66 = tpu.memref_slice %arg11[%dma_start3A_64, %dma_start3A_65] : memref<10240x4xf32, #tpu.memory_space<vmem_shared>> -> memref<10240x4xf32, #tpu.memory_space<vmem_shared>>
          tpu.enqueue_indirect_dma source(%arg9 : memref<128x4xf32, #tpu.memory_space<vmem>>) target(%dma_start3A_66 : memref<10240x4xf32, #tpu.memory_space<vmem_shared>>) offsets(%dma_start3A_63 : memref<128xi32, #tpu.memory_space<vmem>>) semaphore(%run_scoped3A : memref<!tpu.dma_semaphore, #tpu.memory_space<semaphore_mem>>) {add = true}
          %dma_wait3A_67 = arith.constant 0 : i32
          %dma_wait3A_68 = tpu.memref_slice %arg8[%scan3A_15, %dma_wait3A_67] : memref<80x128xi32, #tpu.memory_space<vmem>> -> memref<1x128xi32, #tpu.memory_space<vmem>>
          %dma_wait3A_69 = tpu.memref_squeeze %dma_wait3A_68 : memref<1x128xi32, #tpu.memory_space<vmem>> -> memref<128xi32, #tpu.memory_space<vmem>>
          %dma_wait3A_70 = arith.constant 0 : i32
          %dma_wait3A_71 = arith.constant 0 : i32
          %dma_wait3A_72 = tpu.memref_slice %arg11[%dma_wait3A_70, %dma_wait3A_71] : memref<10240x4xf32, #tpu.memory_space<vmem_shared>> -> memref<10240x4xf32, #tpu.memory_space<vmem_shared>>
          tpu.wait_indirect_dma semaphore(%run_scoped3A : memref<!tpu.dma_semaphore, #tpu.memory_space<semaphore_mem>>) src(%arg9 : memref<128x4xf32, #tpu.memory_space<vmem>>) dst(%dma_wait3A_72 : memref<10240x4xf32, #tpu.memory_space<vmem_shared>>)
          tpu.yield
        }) : () -> ()
      } else {
      }
      %jit3A_28 = arith.constant 2 : i32
      %eq3A_29 = arith.constant 0 : i32
      %eq3A_30 = arith.cmpi eq, %jit3A_28, %eq3A_29 : i32
      %jit3A_31 = arith.constant 1 : i32
      %select_n3A_32 = arith.select %eq3A_30, %jit3A_31, %jit3A_28 : i32
      %rem3A_33 = arith.remsi %scan3A_15, %select_n3A_32 : i32
      %ne3A_34 = arith.constant 0 : i32
      %ne3A_35 = arith.cmpi ne, %rem3A_33, %ne3A_34 : i32
      %lt3A_36 = arith.constant 0 : i32
      %lt3A_37 = arith.cmpi slt, %rem3A_33, %lt3A_36 : i32
      %lt3A_38 = arith.constant 0 : i32
      %lt3A_39 = arith.cmpi slt, %select_n3A_32, %lt3A_38 : i32
      %ne3A_40 = arith.xori %lt3A_37, %lt3A_39 : i1
      %and3A_41 = arith.andi %ne3A_40, %ne3A_35 : i1
      %add3A_42 = arith.addi %rem3A_33, %select_n3A_32 : i32
      %select_n3A_43 = arith.select %and3A_41, %add3A_42, %rem3A_33 : i32
      %eq3A_44 = arith.constant 1 : i32
      %eq3A_45 = arith.cmpi eq, %select_n3A_43, %eq3A_44 : i32
      %convert_element_type3A_46 = arith.extui %eq3A_45 : i1 to i32
      %cond3A_47 = arith.constant 0 : i32
      %cond3A_48 = arith.cmpi ne, %convert_element_type3A_46, %cond3A_47 : i32
      scf.if %cond3A_48 {
        %dma_wait3A = arith.constant 0 : i32
        %dma_wait3A_49 = tpu.memref_slice %arg7[%scan3A_15, %dma_wait3A] : memref<80x128xi32, #tpu.memory_space<vmem>> -> memref<1x128xi32, #tpu.memory_space<vmem>>
        %dma_wait3A_50 = tpu.memref_squeeze %dma_wait3A_49 : memref<1x128xi32, #tpu.memory_space<vmem>> -> memref<128xi32, #tpu.memory_space<vmem>>
        %dma_wait3A_51 = arith.constant 0 : i32
        %dma_wait3A_52 = arith.constant 0 : i32
        %dma_wait3A_53 = tpu.memref_slice %arg2[%dma_wait3A_51, %dma_wait3A_52] : memref<10240x4xf32, #tpu.memory_space<hbm>> -> memref<10240x4xf32, #tpu.memory_space<hbm>>
        tpu.wait_indirect_dma semaphore(%arg13 : memref<!tpu.dma_semaphore, #tpu.memory_space<semaphore_mem>>) src(%dma_wait3A_53 : memref<10240x4xf32, #tpu.memory_space<hbm>>) dst(%arg10 : memref<128x4xf32, #tpu.memory_space<vmem>>)
        %add3A_54 = arith.constant 1 : i32
        %add3A_55 = arith.addi %scan3A_15, %add3A_54 : i32
        %lt3A_56 = arith.constant 80 : i32
        %lt3A_57 = arith.cmpi slt, %add3A_55, %lt3A_56 : i32
        %convert_element_type3A_58 = arith.extui %lt3A_57 : i1 to i32
        %cond3A_59 = arith.constant 0 : i32
        %cond3A_60 = arith.cmpi ne, %convert_element_type3A_58, %cond3A_59 : i32
        scf.if %cond3A_60 {
          %add3A_61 = arith.constant 1 : i32
          %add3A_62 = arith.addi %scan3A_15, %add3A_61 : i32
          %dma_start3A_63 = arith.constant 0 : i32
          %dma_start3A_64 = tpu.memref_slice %arg7[%add3A_62, %dma_start3A_63] : memref<80x128xi32, #tpu.memory_space<vmem>> -> memref<1x128xi32, #tpu.memory_space<vmem>>
          %dma_start3A_65 = tpu.memref_squeeze %dma_start3A_64 : memref<1x128xi32, #tpu.memory_space<vmem>> -> memref<128xi32, #tpu.memory_space<vmem>>
          %dma_start3A_66 = arith.constant 0 : i32
          %dma_start3A_67 = arith.constant 0 : i32
          %dma_start3A_68 = tpu.memref_slice %arg2[%dma_start3A_66, %dma_start3A_67] : memref<10240x4xf32, #tpu.memory_space<hbm>> -> memref<10240x4xf32, #tpu.memory_space<hbm>>
          tpu.enqueue_indirect_dma source(%dma_start3A_68 : memref<10240x4xf32, #tpu.memory_space<hbm>>) target(%arg9 : memref<128x4xf32, #tpu.memory_space<vmem>>) offsets(%dma_start3A_65 : memref<128xi32, #tpu.memory_space<vmem>>) semaphore(%arg12 : memref<!tpu.dma_semaphore, #tpu.memory_space<semaphore_mem>>)
        } else {
        }
        "tpu.region"() ({
          %run_scoped3A = tpu.sem_alloc : memref<!tpu.dma_semaphore, #tpu.memory_space<semaphore_mem>>
          %dma_start3A_61 = arith.constant 0 : i32
          %dma_start3A_62 = tpu.memref_slice %arg8[%scan3A_15, %dma_start3A_61] : memref<80x128xi32, #tpu.memory_space<vmem>> -> memref<1x128xi32, #tpu.memory_space<vmem>>
          %dma_start3A_63 = tpu.memref_squeeze %dma_start3A_62 : memref<1x128xi32, #tpu.memory_space<vmem>> -> memref<128xi32, #tpu.memory_space<vmem>>
          %dma_start3A_64 = arith.constant 0 : i32
          %dma_start3A_65 = arith.constant 0 : i32
          %dma_start3A_66 = tpu.memref_slice %arg11[%dma_start3A_64, %dma_start3A_65] : memref<10240x4xf32, #tpu.memory_space<vmem_shared>> -> memref<10240x4xf32, #tpu.memory_space<vmem_shared>>
          tpu.enqueue_indirect_dma source(%arg10 : memref<128x4xf32, #tpu.memory_space<vmem>>) target(%dma_start3A_66 : memref<10240x4xf32, #tpu.memory_space<vmem_shared>>) offsets(%dma_start3A_63 : memref<128xi32, #tpu.memory_space<vmem>>) semaphore(%run_scoped3A : memref<!tpu.dma_semaphore, #tpu.memory_space<semaphore_mem>>) {add = true}
          %dma_wait3A_67 = arith.constant 0 : i32
          %dma_wait3A_68 = tpu.memref_slice %arg8[%scan3A_15, %dma_wait3A_67] : memref<80x128xi32, #tpu.memory_space<vmem>> -> memref<1x128xi32, #tpu.memory_space<vmem>>
          %dma_wait3A_69 = tpu.memref_squeeze %dma_wait3A_68 : memref<1x128xi32, #tpu.memory_space<vmem>> -> memref<128xi32, #tpu.memory_space<vmem>>
          %dma_wait3A_70 = arith.constant 0 : i32
          %dma_wait3A_71 = arith.constant 0 : i32
          %dma_wait3A_72 = tpu.memref_slice %arg11[%dma_wait3A_70, %dma_wait3A_71] : memref<10240x4xf32, #tpu.memory_space<vmem_shared>> -> memref<10240x4xf32, #tpu.memory_space<vmem_shared>>
          tpu.wait_indirect_dma semaphore(%run_scoped3A : memref<!tpu.dma_semaphore, #tpu.memory_space<semaphore_mem>>) src(%arg10 : memref<128x4xf32, #tpu.memory_space<vmem>>) dst(%dma_wait3A_72 : memref<10240x4xf32, #tpu.memory_space<vmem_shared>>)
          tpu.yield
        }) : () -> ()
      } else {
      }
    }
    %scan3A_13 = arith.constant 80 : i32
    %barrier3A_14 = arith.constant 0 : index
    tpu.barrier barrier_id(%barrier3A_14)
    "tpu.region"() ({
      %run_scoped3A = tpu.sem_alloc : memref<!tpu.dma_semaphore, #tpu.memory_space<semaphore_mem>>
      %dma_start3A_15 = arith.constant 0 : i32
      %dma_start3A_16 = tpu.memref_slice %arg6[%arg0, %mul3A_0, %dma_start3A_15] : memref<2x10240x4xf32, #tpu.memory_space<hbm>> -> memref<1x640x4xf32, #tpu.memory_space<hbm>>
      %dma_start3A_17 = tpu.memref_squeeze %dma_start3A_16 : memref<1x640x4xf32, #tpu.memory_space<hbm>> -> memref<640x4xf32, #tpu.memory_space<hbm>>
      %dma_start3A_18 = arith.constant 0 : i32
      %dma_start3A_19 = tpu.memref_slice %arg11[%mul3A_0, %dma_start3A_18] : memref<10240x4xf32, #tpu.memory_space<vmem_shared>> -> memref<640x4xf32, #tpu.memory_space<vmem_shared>>
      tpu.enqueue_dma source(%dma_start3A_19 : memref<640x4xf32, #tpu.memory_space<vmem_shared>>) target(%dma_start3A_17 : memref<640x4xf32, #tpu.memory_space<hbm>>) target_semaphore(%run_scoped3A : memref<!tpu.dma_semaphore, #tpu.memory_space<semaphore_mem>>)
      %dma_wait3A = arith.constant 0 : i32
      %dma_wait3A_20 = tpu.memref_slice %arg6[%arg0, %mul3A_0, %dma_wait3A] : memref<2x10240x4xf32, #tpu.memory_space<hbm>> -> memref<1x640x4xf32, #tpu.memory_space<hbm>>
      %dma_wait3A_21 = tpu.memref_squeeze %dma_wait3A_20 : memref<1x640x4xf32, #tpu.memory_space<hbm>> -> memref<640x4xf32, #tpu.memory_space<hbm>>
      %dma_wait3A_22 = arith.constant 0 : i32
      %dma_wait3A_23 = tpu.memref_slice %arg11[%mul3A_0, %dma_wait3A_22] : memref<10240x4xf32, #tpu.memory_space<vmem_shared>> -> memref<640x4xf32, #tpu.memory_space<vmem_shared>>
      tpu.wait_dma2 semaphore(%run_scoped3A : memref<!tpu.dma_semaphore, #tpu.memory_space<semaphore_mem>>) src(%dma_wait3A_23 : memref<640x4xf32, #tpu.memory_space<vmem_shared>>) dst(%dma_wait3A_21 : memref<640x4xf32, #tpu.memory_space<hbm>>)
      tpu.yield
    }) : () -> ()
    return
  }
}

#map = affine_map<(d0, d1) -> (0, 0)>
#map1 = affine_map<(d0, d1) -> (0, 0, 0)>
module attributes {stable_mosaic.version = 14 : i64} {
  func.func @body(%arg0: i32, %arg1: i32, %arg2: memref<10240x4xf32, #tpu.memory_space<hbm>>, %arg3: memref<32x80x128xi32, #tpu.memory_space<hbm>>, %arg4: memref<32x80x128xi32, #tpu.memory_space<hbm>>, %arg5: memref<10240x4xf32, #tpu.memory_space<hbm>>, %arg6: memref<2x10240x4xf32, #tpu.memory_space<hbm>>, %arg7: memref<80x128xi32, #tpu.memory_space<vmem>>, %arg8: memref<80x128xi32, #tpu.memory_space<vmem>>, %arg9: memref<128x4xf32, #tpu.memory_space<vmem>>, %arg10: memref<128x4xf32, #tpu.memory_space<vmem>>, %arg11: memref<10240x4xf32, #tpu.memory_space<vmem_shared>>, %arg12: memref<!tpu.dma_semaphore, #tpu.memory_space<semaphore_mem>>, %arg13: memref<!tpu.dma_semaphore, #tpu.memory_space<semaphore_mem>>) attributes {dimension_semantics = [#tpu.dimension_semantics<core_parallel>, #tpu.dimension_semantics<subcore_parallel>], iteration_bounds = array<i64: 2, 16>, scalar_prefetch = 0 : i64, scratch_operands = 7 : i64, tpu.core_type = #tpu.core_type<sc_vector_subcore>, window_params = [{transform_indices = #map}, {transform_indices = #map1}, {transform_indices = #map1}, {transform_indices = #map}, {transform_indices = #map1}]} {
    %mul3A = arith.constant 640 : i32
    %mul3A_0 = arith.muli %arg1, %mul3A : i32
    "tpu.region"() ({
      %run_scoped3A = tpu.sem_alloc : memref<!tpu.dma_semaphore, #tpu.memory_space<semaphore_mem>>
      %dma_start3A_15 = arith.constant 0 : i32
      %dma_start3A_16 = tpu.memref_slice %arg11[%mul3A_0, %dma_start3A_15] : memref<10240x4xf32, #tpu.memory_space<vmem_shared>> -> memref<640x4xf32, #tpu.memory_space<vmem_shared>>
      %dma_start3A_17 = arith.constant 0 : i32
      %dma_start3A_18 = tpu.memref_slice %arg5[%mul3A_0, %dma_start3A_17] : memref<10240x4xf32, #tpu.memory_space<hbm>> -> memref<640x4xf32, #tpu.memory_space<hbm>>
      tpu.enqueue_dma source(%dma_start3A_18 : memref<640x4xf32, #tpu.memory_space<hbm>>) target(%dma_start3A_16 : memref<640x4xf32, #tpu.memory_space<vmem_shared>>) target_semaphore(%run_scoped3A : memref<!tpu.dma_semaphore, #tpu.memory_space<semaphore_mem>>)
      %dma_wait3A = arith.constant 0 : i32
      %dma_wait3A_19 = tpu.memref_slice %arg11[%mul3A_0, %dma_wait3A] : memref<10240x4xf32, #tpu.memory_space<vmem_shared>> -> memref<640x4xf32, #tpu.memory_space<vmem_shared>>
      %dma_wait3A_20 = arith.constant 0 : i32
      %dma_wait3A_21 = tpu.memref_slice %arg5[%mul3A_0, %dma_wait3A_20] : memref<10240x4xf32, #tpu.memory_space<hbm>> -> memref<640x4xf32, #tpu.memory_space<hbm>>
      tpu.wait_dma2 semaphore(%run_scoped3A : memref<!tpu.dma_semaphore, #tpu.memory_space<semaphore_mem>>) src(%dma_wait3A_21 : memref<640x4xf32, #tpu.memory_space<hbm>>) dst(%dma_wait3A_19 : memref<640x4xf32, #tpu.memory_space<vmem_shared>>)
      tpu.yield
    }) : () -> ()
    %mul3A_1 = arith.constant 16 : i32
    %mul3A_2 = arith.muli %arg0, %mul3A_1 : i32
    %add3A = arith.addi %mul3A_2, %arg1 : i32
    "tpu.region"() ({
      %run_scoped3A = tpu.sem_alloc : memref<!tpu.dma_semaphore, #tpu.memory_space<semaphore_mem>>
      %dma_start3A_15 = arith.constant 0 : i32
      %dma_start3A_16 = arith.constant 0 : i32
      %dma_start3A_17 = tpu.memref_slice %arg3[%add3A, %dma_start3A_15, %dma_start3A_16] : memref<32x80x128xi32, #tpu.memory_space<hbm>> -> memref<1x80x128xi32, #tpu.memory_space<hbm>>
      %dma_start3A_18 = tpu.memref_squeeze %dma_start3A_17 : memref<1x80x128xi32, #tpu.memory_space<hbm>> -> memref<80x128xi32, #tpu.memory_space<hbm>>
      %dma_start3A_19 = arith.constant 0 : i32
      %dma_start3A_20 = arith.constant 0 : i32
      %dma_start3A_21 = tpu.memref_slice %arg3[%add3A, %dma_start3A_19, %dma_start3A_20] : memref<32x80x128xi32, #tpu.memory_space<hbm>> -> memref<1x80x128xi32, #tpu.memory_space<hbm>>
      %dma_start3A_22 = tpu.memref_squeeze %dma_start3A_21 : memref<1x80x128xi32, #tpu.memory_space<hbm>> -> memref<80x128xi32, #tpu.memory_space<hbm>>
      tpu.enqueue_dma source(%dma_start3A_22 : memref<80x128xi32, #tpu.memory_space<hbm>>) target(%arg7 : memref<80x128xi32, #tpu.memory_space<vmem>>) target_semaphore(%run_scoped3A : memref<!tpu.dma_semaphore, #tpu.memory_space<semaphore_mem>>)
      %dma_wait3A = arith.constant 0 : i32
      %dma_wait3A_23 = arith.constant 0 : i32
      %dma_wait3A_24 = tpu.memref_slice %arg3[%add3A, %dma_wait3A, %dma_wait3A_23] : memref<32x80x128xi32, #tpu.memory_space<hbm>> -> memref<1x80x128xi32, #tpu.memory_space<hbm>>
      %dma_wait3A_25 = tpu.memref_squeeze %dma_wait3A_24 : memref<1x80x128xi32, #tpu.memory_space<hbm>> -> memref<80x128xi32, #tpu.memory_space<hbm>>
      %dma_wait3A_26 = arith.constant 0 : i32
      %dma_wait3A_27 = arith.constant 0 : i32
      %dma_wait3A_28 = tpu.memref_slice %arg3[%add3A, %dma_wait3A_26, %dma_wait3A_27] : memref<32x80x128xi32, #tpu.memory_space<hbm>> -> memref<1x80x128xi32, #tpu.memory_space<hbm>>
      %dma_wait3A_29 = tpu.memref_squeeze %dma_wait3A_28 : memref<1x80x128xi32, #tpu.memory_space<hbm>> -> memref<80x128xi32, #tpu.memory_space<hbm>>
      tpu.wait_dma2 semaphore(%run_scoped3A : memref<!tpu.dma_semaphore, #tpu.memory_space<semaphore_mem>>) src(%dma_wait3A_29 : memref<80x128xi32, #tpu.memory_space<hbm>>) dst(%arg7 : memref<80x128xi32, #tpu.memory_space<vmem>>)
      tpu.yield
    }) : () -> ()
    "tpu.region"() ({
      %run_scoped3A = tpu.sem_alloc : memref<!tpu.dma_semaphore, #tpu.memory_space<semaphore_mem>>
      %dma_start3A_15 = arith.constant 0 : i32
      %dma_start3A_16 = arith.constant 0 : i32
      %dma_start3A_17 = tpu.memref_slice %arg4[%add3A, %dma_start3A_15, %dma_start3A_16] : memref<32x80x128xi32, #tpu.memory_space<hbm>> -> memref<1x80x128xi32, #tpu.memory_space<hbm>>
      %dma_start3A_18 = tpu.memref_squeeze %dma_start3A_17 : memref<1x80x128xi32, #tpu.memory_space<hbm>> -> memref<80x128xi32, #tpu.memory_space<hbm>>
      %dma_start3A_19 = arith.constant 0 : i32
      %dma_start3A_20 = arith.constant 0 : i32
      %dma_start3A_21 = tpu.memref_slice %arg4[%add3A, %dma_start3A_19, %dma_start3A_20] : memref<32x80x128xi32, #tpu.memory_space<hbm>> -> memref<1x80x128xi32, #tpu.memory_space<hbm>>
      %dma_start3A_22 = tpu.memref_squeeze %dma_start3A_21 : memref<1x80x128xi32, #tpu.memory_space<hbm>> -> memref<80x128xi32, #tpu.memory_space<hbm>>
      tpu.enqueue_dma source(%dma_start3A_22 : memref<80x128xi32, #tpu.memory_space<hbm>>) target(%arg8 : memref<80x128xi32, #tpu.memory_space<vmem>>) target_semaphore(%run_scoped3A : memref<!tpu.dma_semaphore, #tpu.memory_space<semaphore_mem>>)
      %dma_wait3A = arith.constant 0 : i32
      %dma_wait3A_23 = arith.constant 0 : i32
      %dma_wait3A_24 = tpu.memref_slice %arg4[%add3A, %dma_wait3A, %dma_wait3A_23] : memref<32x80x128xi32, #tpu.memory_space<hbm>> -> memref<1x80x128xi32, #tpu.memory_space<hbm>>
      %dma_wait3A_25 = tpu.memref_squeeze %dma_wait3A_24 : memref<1x80x128xi32, #tpu.memory_space<hbm>> -> memref<80x128xi32, #tpu.memory_space<hbm>>
      %dma_wait3A_26 = arith.constant 0 : i32
      %dma_wait3A_27 = arith.constant 0 : i32
      %dma_wait3A_28 = tpu.memref_slice %arg4[%add3A, %dma_wait3A_26, %dma_wait3A_27] : memref<32x80x128xi32, #tpu.memory_space<hbm>> -> memref<1x80x128xi32, #tpu.memory_space<hbm>>
      %dma_wait3A_29 = tpu.memref_squeeze %dma_wait3A_28 : memref<1x80x128xi32, #tpu.memory_space<hbm>> -> memref<80x128xi32, #tpu.memory_space<hbm>>
      tpu.wait_dma2 semaphore(%run_scoped3A : memref<!tpu.dma_semaphore, #tpu.memory_space<semaphore_mem>>) src(%dma_wait3A_29 : memref<80x128xi32, #tpu.memory_space<hbm>>) dst(%arg8 : memref<80x128xi32, #tpu.memory_space<vmem>>)
      tpu.yield
    }) : () -> ()
    %barrier3A = arith.constant 0 : index
    tpu.barrier barrier_id(%barrier3A)
    %dma_start3A = arith.constant 0 : i32
    %dma_start3A_3 = arith.constant 0 : i32
    %dma_start3A_4 = tpu.memref_slice %arg7[%dma_start3A, %dma_start3A_3] : memref<80x128xi32, #tpu.memory_space<vmem>> -> memref<1x128xi32, #tpu.memory_space<vmem>>
    %dma_start3A_5 = tpu.memref_squeeze %dma_start3A_4 : memref<1x128xi32, #tpu.memory_space<vmem>> -> memref<128xi32, #tpu.memory_space<vmem>>
    %dma_start3A_6 = arith.constant 0 : i32
    %dma_start3A_7 = arith.constant 0 : i32
    %dma_start3A_8 = tpu.memref_slice %arg2[%dma_start3A_6, %dma_start3A_7] : memref<10240x4xf32, #tpu.memory_space<hbm>> -> memref<10240x4xf32, #tpu.memory_space<hbm>>
    tpu.enqueue_indirect_dma source(%dma_start3A_8 : memref<10240x4xf32, #tpu.memory_space<hbm>>) target(%arg9 : memref<128x4xf32, #tpu.memory_space<vmem>>) offsets(%dma_start3A_5 : memref<128xi32, #tpu.memory_space<vmem>>) semaphore(%arg12 : memref<!tpu.dma_semaphore, #tpu.memory_space<semaphore_mem>>)
    %scan3A = arith.constant 0 : i32
    %scan3A_9 = arith.constant 0 : i32
    %scan3A_10 = arith.constant 80 : i32
    %scan3A_11 = arith.addi %scan3A_9, %scan3A_10 : i32
    %scan3A_12 = arith.constant 1 : i32
    scf.for %scan3A_15 = %scan3A_9 to %scan3A_11 step %scan3A_12  : i32 {
      %jit3A = arith.constant 2 : i32
      %eq3A = arith.constant 0 : i32
      %eq3A_16 = arith.cmpi eq, %jit3A, %eq3A : i32
      %jit3A_17 = arith.constant 1 : i32
      %select_n3A = arith.select %eq3A_16, %jit3A_17, %jit3A : i32
      %rem3A = arith.remsi %scan3A_15, %select_n3A : i32
      %ne3A = arith.constant 0 : i32
      %ne3A_18 = arith.cmpi ne, %rem3A, %ne3A : i32
      %lt3A = arith.constant 0 : i32
      %lt3A_19 = arith.cmpi slt, %rem3A, %lt3A : i32
      %lt3A_20 = arith.constant 0 : i32
      %lt3A_21 = arith.cmpi slt, %select_n3A, %lt3A_20 : i32
      %ne3A_22 = arith.xori %lt3A_19, %lt3A_21 : i1
      %and3A = arith.andi %ne3A_22, %ne3A_18 : i1
      %add3A_23 = arith.addi %rem3A, %select_n3A : i32
      %select_n3A_24 = arith.select %and3A, %add3A_23, %rem3A : i32
      %eq3A_25 = arith.constant 0 : i32
      %eq3A_26 = arith.cmpi eq, %select_n3A_24, %eq3A_25 : i32
      %convert_element_type3A = arith.extui %eq3A_26 : i1 to i32
      %cond3A = arith.constant 0 : i32
      %cond3A_27 = arith.cmpi ne, %convert_element_type3A, %cond3A : i32
      scf.if %cond3A_27 {
        %dma_wait3A = arith.constant 0 : i32
        %dma_wait3A_49 = tpu.memref_slice %arg7[%scan3A_15, %dma_wait3A] : memref<80x128xi32, #tpu.memory_space<vmem>> -> memref<1x128xi32, #tpu.memory_space<vmem>>
        %dma_wait3A_50 = tpu.memref_squeeze %dma_wait3A_49 : memref<1x128xi32, #tpu.memory_space<vmem>> -> memref<128xi32, #tpu.memory_space<vmem>>
        %dma_wait3A_51 = arith.constant 0 : i32
        %dma_wait3A_52 = arith.constant 0 : i32
        %dma_wait3A_53 = tpu.memref_slice %arg2[%dma_wait3A_51, %dma_wait3A_52] : memref<10240x4xf32, #tpu.memory_space<hbm>> -> memref<10240x4xf32, #tpu.memory_space<hbm>>
        tpu.wait_indirect_dma semaphore(%arg12 : memref<!tpu.dma_semaphore, #tpu.memory_space<semaphore_mem>>) src(%dma_wait3A_53 : memref<10240x4xf32, #tpu.memory_space<hbm>>) dst(%arg9 : memref<128x4xf32, #tpu.memory_space<vmem>>)
        %add3A_54 = arith.constant 1 : i32
        %add3A_55 = arith.addi %scan3A_15, %add3A_54 : i32
        %lt3A_56 = arith.constant 80 : i32
        %lt3A_57 = arith.cmpi slt, %add3A_55, %lt3A_56 : i32
        %convert_element_type3A_58 = arith.extui %lt3A_57 : i1 to i32
        %cond3A_59 = arith.constant 0 : i32
        %cond3A_60 = arith.cmpi ne, %convert_element_type3A_58, %cond3A_59 : i32
        scf.if %cond3A_60 {
          %add3A_61 = arith.constant 1 : i32
          %add3A_62 = arith.addi %scan3A_15, %add3A_61 : i32
          %dma_start3A_63 = arith.constant 0 : i32
          %dma_start3A_64 = tpu.memref_slice %arg7[%add3A_62, %dma_start3A_63] : memref<80x128xi32, #tpu.memory_space<vmem>> -> memref<1x128xi32, #tpu.memory_space<vmem>>
          %dma_start3A_65 = tpu.memref_squeeze %dma_start3A_64 : memref<1x128xi32, #tpu.memory_space<vmem>> -> memref<128xi32, #tpu.memory_space<vmem>>
          %dma_start3A_66 = arith.constant 0 : i32
          %dma_start3A_67 = arith.constant 0 : i32
          %dma_start3A_68 = tpu.memref_slice %arg2[%dma_start3A_66, %dma_start3A_67] : memref<10240x4xf32, #tpu.memory_space<hbm>> -> memref<10240x4xf32, #tpu.memory_space<hbm>>
          tpu.enqueue_indirect_dma source(%dma_start3A_68 : memref<10240x4xf32, #tpu.memory_space<hbm>>) target(%arg10 : memref<128x4xf32, #tpu.memory_space<vmem>>) offsets(%dma_start3A_65 : memref<128xi32, #tpu.memory_space<vmem>>) semaphore(%arg13 : memref<!tpu.dma_semaphore, #tpu.memory_space<semaphore_mem>>)
        } else {
        }
        "tpu.region"() ({
          %run_scoped3A = tpu.sem_alloc : memref<!tpu.dma_semaphore, #tpu.memory_space<semaphore_mem>>
          %dma_start3A_61 = arith.constant 0 : i32
          %dma_start3A_62 = tpu.memref_slice %arg8[%scan3A_15, %dma_start3A_61] : memref<80x128xi32, #tpu.memory_space<vmem>> -> memref<1x128xi32, #tpu.memory_space<vmem>>
          %dma_start3A_63 = tpu.memref_squeeze %dma_start3A_62 : memref<1x128xi32, #tpu.memory_space<vmem>> -> memref<128xi32, #tpu.memory_space<vmem>>
          %dma_start3A_64 = arith.constant 0 : i32
          %dma_start3A_65 = arith.constant 0 : i32
          %dma_start3A_66 = tpu.memref_slice %arg11[%dma_start3A_64, %dma_start3A_65] : memref<10240x4xf32, #tpu.memory_space<vmem_shared>> -> memref<10240x4xf32, #tpu.memory_space<vmem_shared>>
          tpu.enqueue_indirect_dma source(%arg9 : memref<128x4xf32, #tpu.memory_space<vmem>>) target(%dma_start3A_66 : memref<10240x4xf32, #tpu.memory_space<vmem_shared>>) offsets(%dma_start3A_63 : memref<128xi32, #tpu.memory_space<vmem>>) semaphore(%run_scoped3A : memref<!tpu.dma_semaphore, #tpu.memory_space<semaphore_mem>>) {add = true}
          %dma_wait3A_67 = arith.constant 0 : i32
          %dma_wait3A_68 = tpu.memref_slice %arg8[%scan3A_15, %dma_wait3A_67] : memref<80x128xi32, #tpu.memory_space<vmem>> -> memref<1x128xi32, #tpu.memory_space<vmem>>
          %dma_wait3A_69 = tpu.memref_squeeze %dma_wait3A_68 : memref<1x128xi32, #tpu.memory_space<vmem>> -> memref<128xi32, #tpu.memory_space<vmem>>
          %dma_wait3A_70 = arith.constant 0 : i32
          %dma_wait3A_71 = arith.constant 0 : i32
          %dma_wait3A_72 = tpu.memref_slice %arg11[%dma_wait3A_70, %dma_wait3A_71] : memref<10240x4xf32, #tpu.memory_space<vmem_shared>> -> memref<10240x4xf32, #tpu.memory_space<vmem_shared>>
          tpu.wait_indirect_dma semaphore(%run_scoped3A : memref<!tpu.dma_semaphore, #tpu.memory_space<semaphore_mem>>) src(%arg9 : memref<128x4xf32, #tpu.memory_space<vmem>>) dst(%dma_wait3A_72 : memref<10240x4xf32, #tpu.memory_space<vmem_shared>>)
          tpu.yield
        }) : () -> ()
      } else {
      }
      %jit3A_28 = arith.constant 2 : i32
      %eq3A_29 = arith.constant 0 : i32
      %eq3A_30 = arith.cmpi eq, %jit3A_28, %eq3A_29 : i32
      %jit3A_31 = arith.constant 1 : i32
      %select_n3A_32 = arith.select %eq3A_30, %jit3A_31, %jit3A_28 : i32
      %rem3A_33 = arith.remsi %scan3A_15, %select_n3A_32 : i32
      %ne3A_34 = arith.constant 0 : i32
      %ne3A_35 = arith.cmpi ne, %rem3A_33, %ne3A_34 : i32
      %lt3A_36 = arith.constant 0 : i32
      %lt3A_37 = arith.cmpi slt, %rem3A_33, %lt3A_36 : i32
      %lt3A_38 = arith.constant 0 : i32
      %lt3A_39 = arith.cmpi slt, %select_n3A_32, %lt3A_38 : i32
      %ne3A_40 = arith.xori %lt3A_37, %lt3A_39 : i1
      %and3A_41 = arith.andi %ne3A_40, %ne3A_35 : i1
      %add3A_42 = arith.addi %rem3A_33, %select_n3A_32 : i32
      %select_n3A_43 = arith.select %and3A_41, %add3A_42, %rem3A_33 : i32
      %eq3A_44 = arith.constant 1 : i32
      %eq3A_45 = arith.cmpi eq, %select_n3A_43, %eq3A_44 : i32
      %convert_element_type3A_46 = arith.extui %eq3A_45 : i1 to i32
      %cond3A_47 = arith.constant 0 : i32
      %cond3A_48 = arith.cmpi ne, %convert_element_type3A_46, %cond3A_47 : i32
      scf.if %cond3A_48 {
        %dma_wait3A = arith.constant 0 : i32
        %dma_wait3A_49 = tpu.memref_slice %arg7[%scan3A_15, %dma_wait3A] : memref<80x128xi32, #tpu.memory_space<vmem>> -> memref<1x128xi32, #tpu.memory_space<vmem>>
        %dma_wait3A_50 = tpu.memref_squeeze %dma_wait3A_49 : memref<1x128xi32, #tpu.memory_space<vmem>> -> memref<128xi32, #tpu.memory_space<vmem>>
        %dma_wait3A_51 = arith.constant 0 : i32
        %dma_wait3A_52 = arith.constant 0 : i32
        %dma_wait3A_53 = tpu.memref_slice %arg2[%dma_wait3A_51, %dma_wait3A_52] : memref<10240x4xf32, #tpu.memory_space<hbm>> -> memref<10240x4xf32, #tpu.memory_space<hbm>>
        tpu.wait_indirect_dma semaphore(%arg13 : memref<!tpu.dma_semaphore, #tpu.memory_space<semaphore_mem>>) src(%dma_wait3A_53 : memref<10240x4xf32, #tpu.memory_space<hbm>>) dst(%arg10 : memref<128x4xf32, #tpu.memory_space<vmem>>)
        %add3A_54 = arith.constant 1 : i32
        %add3A_55 = arith.addi %scan3A_15, %add3A_54 : i32
        %lt3A_56 = arith.constant 80 : i32
        %lt3A_57 = arith.cmpi slt, %add3A_55, %lt3A_56 : i32
        %convert_element_type3A_58 = arith.extui %lt3A_57 : i1 to i32
        %cond3A_59 = arith.constant 0 : i32
        %cond3A_60 = arith.cmpi ne, %convert_element_type3A_58, %cond3A_59 : i32
        scf.if %cond3A_60 {
          %add3A_61 = arith.constant 1 : i32
          %add3A_62 = arith.addi %scan3A_15, %add3A_61 : i32
          %dma_start3A_63 = arith.constant 0 : i32
          %dma_start3A_64 = tpu.memref_slice %arg7[%add3A_62, %dma_start3A_63] : memref<80x128xi32, #tpu.memory_space<vmem>> -> memref<1x128xi32, #tpu.memory_space<vmem>>
          %dma_start3A_65 = tpu.memref_squeeze %dma_start3A_64 : memref<1x128xi32, #tpu.memory_space<vmem>> -> memref<128xi32, #tpu.memory_space<vmem>>
          %dma_start3A_66 = arith.constant 0 : i32
          %dma_start3A_67 = arith.constant 0 : i32
          %dma_start3A_68 = tpu.memref_slice %arg2[%dma_start3A_66, %dma_start3A_67] : memref<10240x4xf32, #tpu.memory_space<hbm>> -> memref<10240x4xf32, #tpu.memory_space<hbm>>
          tpu.enqueue_indirect_dma source(%dma_start3A_68 : memref<10240x4xf32, #tpu.memory_space<hbm>>) target(%arg9 : memref<128x4xf32, #tpu.memory_space<vmem>>) offsets(%dma_start3A_65 : memref<128xi32, #tpu.memory_space<vmem>>) semaphore(%arg12 : memref<!tpu.dma_semaphore, #tpu.memory_space<semaphore_mem>>)
        } else {
        }
        "tpu.region"() ({
          %run_scoped3A = tpu.sem_alloc : memref<!tpu.dma_semaphore, #tpu.memory_space<semaphore_mem>>
          %dma_start3A_61 = arith.constant 0 : i32
          %dma_start3A_62 = tpu.memref_slice %arg8[%scan3A_15, %dma_start3A_61] : memref<80x128xi32, #tpu.memory_space<vmem>> -> memref<1x128xi32, #tpu.memory_space<vmem>>
          %dma_start3A_63 = tpu.memref_squeeze %dma_start3A_62 : memref<1x128xi32, #tpu.memory_space<vmem>> -> memref<128xi32, #tpu.memory_space<vmem>>
          %dma_start3A_64 = arith.constant 0 : i32
          %dma_start3A_65 = arith.constant 0 : i32
          %dma_start3A_66 = tpu.memref_slice %arg11[%dma_start3A_64, %dma_start3A_65] : memref<10240x4xf32, #tpu.memory_space<vmem_shared>> -> memref<10240x4xf32, #tpu.memory_space<vmem_shared>>
          tpu.enqueue_indirect_dma source(%arg10 : memref<128x4xf32, #tpu.memory_space<vmem>>) target(%dma_start3A_66 : memref<10240x4xf32, #tpu.memory_space<vmem_shared>>) offsets(%dma_start3A_63 : memref<128xi32, #tpu.memory_space<vmem>>) semaphore(%run_scoped3A : memref<!tpu.dma_semaphore, #tpu.memory_space<semaphore_mem>>) {add = true}
          %dma_wait3A_67 = arith.constant 0 : i32
          %dma_wait3A_68 = tpu.memref_slice %arg8[%scan3A_15, %dma_wait3A_67] : memref<80x128xi32, #tpu.memory_space<vmem>> -> memref<1x128xi32, #tpu.memory_space<vmem>>
          %dma_wait3A_69 = tpu.memref_squeeze %dma_wait3A_68 : memref<1x128xi32, #tpu.memory_space<vmem>> -> memref<128xi32, #tpu.memory_space<vmem>>
          %dma_wait3A_70 = arith.constant 0 : i32
          %dma_wait3A_71 = arith.constant 0 : i32
          %dma_wait3A_72 = tpu.memref_slice %arg11[%dma_wait3A_70, %dma_wait3A_71] : memref<10240x4xf32, #tpu.memory_space<vmem_shared>> -> memref<10240x4xf32, #tpu.memory_space<vmem_shared>>
          tpu.wait_indirect_dma semaphore(%run_scoped3A : memref<!tpu.dma_semaphore, #tpu.memory_space<semaphore_mem>>) src(%arg10 : memref<128x4xf32, #tpu.memory_space<vmem>>) dst(%dma_wait3A_72 : memref<10240x4xf32, #tpu.memory_space<vmem_shared>>)
          tpu.yield
        }) : () -> ()
      } else {
      }
    }
    %scan3A_13 = arith.constant 80 : i32
    %barrier3A_14 = arith.constant 0 : index
    tpu.barrier barrier_id(%barrier3A_14)
    "tpu.region"() ({
      %run_scoped3A = tpu.sem_alloc : memref<!tpu.dma_semaphore, #tpu.memory_space<semaphore_mem>>
      %dma_start3A_15 = arith.constant 0 : i32
      %dma_start3A_16 = tpu.memref_slice %arg6[%arg0, %mul3A_0, %dma_start3A_15] : memref<2x10240x4xf32, #tpu.memory_space<hbm>> -> memref<1x640x4xf32, #tpu.memory_space<hbm>>
      %dma_start3A_17 = tpu.memref_squeeze %dma_start3A_16 : memref<1x640x4xf32, #tpu.memory_space<hbm>> -> memref<640x4xf32, #tpu.memory_space<hbm>>
      %dma_start3A_18 = arith.constant 0 : i32
      %dma_start3A_19 = tpu.memref_slice %arg11[%mul3A_0, %dma_start3A_18] : memref<10240x4xf32, #tpu.memory_space<vmem_shared>> -> memref<640x4xf32, #tpu.memory_space<vmem_shared>>
      tpu.enqueue_dma source(%dma_start3A_19 : memref<640x4xf32, #tpu.memory_space<vmem_shared>>) target(%dma_start3A_17 : memref<640x4xf32, #tpu.memory_space<hbm>>) target_semaphore(%run_scoped3A : memref<!tpu.dma_semaphore, #tpu.memory_space<semaphore_mem>>)
      %dma_wait3A = arith.constant 0 : i32
      %dma_wait3A_20 = tpu.memref_slice %arg6[%arg0, %mul3A_0, %dma_wait3A] : memref<2x10240x4xf32, #tpu.memory_space<hbm>> -> memref<1x640x4xf32, #tpu.memory_space<hbm>>
      %dma_wait3A_21 = tpu.memref_squeeze %dma_wait3A_20 : memref<1x640x4xf32, #tpu.memory_space<hbm>> -> memref<640x4xf32, #tpu.memory_space<hbm>>
      %dma_wait3A_22 = arith.constant 0 : i32
      %dma_wait3A_23 = tpu.memref_slice %arg11[%mul3A_0, %dma_wait3A_22] : memref<10240x4xf32, #tpu.memory_space<vmem_shared>> -> memref<640x4xf32, #tpu.memory_space<vmem_shared>>
      tpu.wait_dma2 semaphore(%run_scoped3A : memref<!tpu.dma_semaphore, #tpu.memory_space<semaphore_mem>>) src(%dma_wait3A_23 : memref<640x4xf32, #tpu.memory_space<vmem_shared>>) dst(%dma_wait3A_21 : memref<640x4xf32, #tpu.memory_space<hbm>>)
      tpu.yield
    }) : () -> ()
    return
  }
}

#map = affine_map<(d0, d1) -> (0, 0)>
#map1 = affine_map<(d0, d1) -> (0, 0, 0)>
module attributes {stable_mosaic.version = 14 : i64} {
  func.func @body(%arg0: i32, %arg1: i32, %arg2: memref<10240x8xf32, #tpu.memory_space<hbm>>, %arg3: memref<32x80x128xi32, #tpu.memory_space<hbm>>, %arg4: memref<32x80x128xi32, #tpu.memory_space<hbm>>, %arg5: memref<10240x8xf32, #tpu.memory_space<hbm>>, %arg6: memref<2x10240x8xf32, #tpu.memory_space<hbm>>, %arg7: memref<80x128xi32, #tpu.memory_space<vmem>>, %arg8: memref<80x128xi32, #tpu.memory_space<vmem>>, %arg9: memref<128x8xf32, #tpu.memory_space<vmem>>, %arg10: memref<128x8xf32, #tpu.memory_space<vmem>>, %arg11: memref<10240x8xf32, #tpu.memory_space<vmem_shared>>, %arg12: memref<!tpu.dma_semaphore, #tpu.memory_space<semaphore_mem>>, %arg13: memref<!tpu.dma_semaphore, #tpu.memory_space<semaphore_mem>>) attributes {dimension_semantics = [#tpu.dimension_semantics<core_parallel>, #tpu.dimension_semantics<subcore_parallel>], iteration_bounds = array<i64: 2, 16>, scalar_prefetch = 0 : i64, scratch_operands = 7 : i64, tpu.core_type = #tpu.core_type<sc_vector_subcore>, window_params = [{transform_indices = #map}, {transform_indices = #map1}, {transform_indices = #map1}, {transform_indices = #map}, {transform_indices = #map1}]} {
    %mul3A = arith.constant 640 : i32
    %mul3A_0 = arith.muli %arg1, %mul3A : i32
    "tpu.region"() ({
      %run_scoped3A = tpu.sem_alloc : memref<!tpu.dma_semaphore, #tpu.memory_space<semaphore_mem>>
      %dma_start3A_15 = arith.constant 0 : i32
      %dma_start3A_16 = tpu.memref_slice %arg11[%mul3A_0, %dma_start3A_15] : memref<10240x8xf32, #tpu.memory_space<vmem_shared>> -> memref<640x8xf32, #tpu.memory_space<vmem_shared>>
      %dma_start3A_17 = arith.constant 0 : i32
      %dma_start3A_18 = tpu.memref_slice %arg5[%mul3A_0, %dma_start3A_17] : memref<10240x8xf32, #tpu.memory_space<hbm>> -> memref<640x8xf32, #tpu.memory_space<hbm>>
      tpu.enqueue_dma source(%dma_start3A_18 : memref<640x8xf32, #tpu.memory_space<hbm>>) target(%dma_start3A_16 : memref<640x8xf32, #tpu.memory_space<vmem_shared>>) target_semaphore(%run_scoped3A : memref<!tpu.dma_semaphore, #tpu.memory_space<semaphore_mem>>)
      %dma_wait3A = arith.constant 0 : i32
      %dma_wait3A_19 = tpu.memref_slice %arg11[%mul3A_0, %dma_wait3A] : memref<10240x8xf32, #tpu.memory_space<vmem_shared>> -> memref<640x8xf32, #tpu.memory_space<vmem_shared>>
      %dma_wait3A_20 = arith.constant 0 : i32
      %dma_wait3A_21 = tpu.memref_slice %arg5[%mul3A_0, %dma_wait3A_20] : memref<10240x8xf32, #tpu.memory_space<hbm>> -> memref<640x8xf32, #tpu.memory_space<hbm>>
      tpu.wait_dma2 semaphore(%run_scoped3A : memref<!tpu.dma_semaphore, #tpu.memory_space<semaphore_mem>>) src(%dma_wait3A_21 : memref<640x8xf32, #tpu.memory_space<hbm>>) dst(%dma_wait3A_19 : memref<640x8xf32, #tpu.memory_space<vmem_shared>>)
      tpu.yield
    }) : () -> ()
    %mul3A_1 = arith.constant 16 : i32
    %mul3A_2 = arith.muli %arg0, %mul3A_1 : i32
    %add3A = arith.addi %mul3A_2, %arg1 : i32
    "tpu.region"() ({
      %run_scoped3A = tpu.sem_alloc : memref<!tpu.dma_semaphore, #tpu.memory_space<semaphore_mem>>
      %dma_start3A_15 = arith.constant 0 : i32
      %dma_start3A_16 = arith.constant 0 : i32
      %dma_start3A_17 = tpu.memref_slice %arg3[%add3A, %dma_start3A_15, %dma_start3A_16] : memref<32x80x128xi32, #tpu.memory_space<hbm>> -> memref<1x80x128xi32, #tpu.memory_space<hbm>>
      %dma_start3A_18 = tpu.memref_squeeze %dma_start3A_17 : memref<1x80x128xi32, #tpu.memory_space<hbm>> -> memref<80x128xi32, #tpu.memory_space<hbm>>
      %dma_start3A_19 = arith.constant 0 : i32
      %dma_start3A_20 = arith.constant 0 : i32
      %dma_start3A_21 = tpu.memref_slice %arg3[%add3A, %dma_start3A_19, %dma_start3A_20] : memref<32x80x128xi32, #tpu.memory_space<hbm>> -> memref<1x80x128xi32, #tpu.memory_space<hbm>>
      %dma_start3A_22 = tpu.memref_squeeze %dma_start3A_21 : memref<1x80x128xi32, #tpu.memory_space<hbm>> -> memref<80x128xi32, #tpu.memory_space<hbm>>
      tpu.enqueue_dma source(%dma_start3A_22 : memref<80x128xi32, #tpu.memory_space<hbm>>) target(%arg7 : memref<80x128xi32, #tpu.memory_space<vmem>>) target_semaphore(%run_scoped3A : memref<!tpu.dma_semaphore, #tpu.memory_space<semaphore_mem>>)
      %dma_wait3A = arith.constant 0 : i32
      %dma_wait3A_23 = arith.constant 0 : i32
      %dma_wait3A_24 = tpu.memref_slice %arg3[%add3A, %dma_wait3A, %dma_wait3A_23] : memref<32x80x128xi32, #tpu.memory_space<hbm>> -> memref<1x80x128xi32, #tpu.memory_space<hbm>>
      %dma_wait3A_25 = tpu.memref_squeeze %dma_wait3A_24 : memref<1x80x128xi32, #tpu.memory_space<hbm>> -> memref<80x128xi32, #tpu.memory_space<hbm>>
      %dma_wait3A_26 = arith.constant 0 : i32
      %dma_wait3A_27 = arith.constant 0 : i32
      %dma_wait3A_28 = tpu.memref_slice %arg3[%add3A, %dma_wait3A_26, %dma_wait3A_27] : memref<32x80x128xi32, #tpu.memory_space<hbm>> -> memref<1x80x128xi32, #tpu.memory_space<hbm>>
      %dma_wait3A_29 = tpu.memref_squeeze %dma_wait3A_28 : memref<1x80x128xi32, #tpu.memory_space<hbm>> -> memref<80x128xi32, #tpu.memory_space<hbm>>
      tpu.wait_dma2 semaphore(%run_scoped3A : memref<!tpu.dma_semaphore, #tpu.memory_space<semaphore_mem>>) src(%dma_wait3A_29 : memref<80x128xi32, #tpu.memory_space<hbm>>) dst(%arg7 : memref<80x128xi32, #tpu.memory_space<vmem>>)
      tpu.yield
    }) : () -> ()
    "tpu.region"() ({
      %run_scoped3A = tpu.sem_alloc : memref<!tpu.dma_semaphore, #tpu.memory_space<semaphore_mem>>
      %dma_start3A_15 = arith.constant 0 : i32
      %dma_start3A_16 = arith.constant 0 : i32
      %dma_start3A_17 = tpu.memref_slice %arg4[%add3A, %dma_start3A_15, %dma_start3A_16] : memref<32x80x128xi32, #tpu.memory_space<hbm>> -> memref<1x80x128xi32, #tpu.memory_space<hbm>>
      %dma_start3A_18 = tpu.memref_squeeze %dma_start3A_17 : memref<1x80x128xi32, #tpu.memory_space<hbm>> -> memref<80x128xi32, #tpu.memory_space<hbm>>
      %dma_start3A_19 = arith.constant 0 : i32
      %dma_start3A_20 = arith.constant 0 : i32
      %dma_start3A_21 = tpu.memref_slice %arg4[%add3A, %dma_start3A_19, %dma_start3A_20] : memref<32x80x128xi32, #tpu.memory_space<hbm>> -> memref<1x80x128xi32, #tpu.memory_space<hbm>>
      %dma_start3A_22 = tpu.memref_squeeze %dma_start3A_21 : memref<1x80x128xi32, #tpu.memory_space<hbm>> -> memref<80x128xi32, #tpu.memory_space<hbm>>
      tpu.enqueue_dma source(%dma_start3A_22 : memref<80x128xi32, #tpu.memory_space<hbm>>) target(%arg8 : memref<80x128xi32, #tpu.memory_space<vmem>>) target_semaphore(%run_scoped3A : memref<!tpu.dma_semaphore, #tpu.memory_space<semaphore_mem>>)
      %dma_wait3A = arith.constant 0 : i32
      %dma_wait3A_23 = arith.constant 0 : i32
      %dma_wait3A_24 = tpu.memref_slice %arg4[%add3A, %dma_wait3A, %dma_wait3A_23] : memref<32x80x128xi32, #tpu.memory_space<hbm>> -> memref<1x80x128xi32, #tpu.memory_space<hbm>>
      %dma_wait3A_25 = tpu.memref_squeeze %dma_wait3A_24 : memref<1x80x128xi32, #tpu.memory_space<hbm>> -> memref<80x128xi32, #tpu.memory_space<hbm>>
      %dma_wait3A_26 = arith.constant 0 : i32
      %dma_wait3A_27 = arith.constant 0 : i32
      %dma_wait3A_28 = tpu.memref_slice %arg4[%add3A, %dma_wait3A_26, %dma_wait3A_27] : memref<32x80x128xi32, #tpu.memory_space<hbm>> -> memref<1x80x128xi32, #tpu.memory_space<hbm>>
      %dma_wait3A_29 = tpu.memref_squeeze %dma_wait3A_28 : memref<1x80x128xi32, #tpu.memory_space<hbm>> -> memref<80x128xi32, #tpu.memory_space<hbm>>
      tpu.wait_dma2 semaphore(%run_scoped3A : memref<!tpu.dma_semaphore, #tpu.memory_space<semaphore_mem>>) src(%dma_wait3A_29 : memref<80x128xi32, #tpu.memory_space<hbm>>) dst(%arg8 : memref<80x128xi32, #tpu.memory_space<vmem>>)
      tpu.yield
    }) : () -> ()
    %barrier3A = arith.constant 0 : index
    tpu.barrier barrier_id(%barrier3A)
    %dma_start3A = arith.constant 0 : i32
    %dma_start3A_3 = arith.constant 0 : i32
    %dma_start3A_4 = tpu.memref_slice %arg7[%dma_start3A, %dma_start3A_3] : memref<80x128xi32, #tpu.memory_space<vmem>> -> memref<1x128xi32, #tpu.memory_space<vmem>>
    %dma_start3A_5 = tpu.memref_squeeze %dma_start3A_4 : memref<1x128xi32, #tpu.memory_space<vmem>> -> memref<128xi32, #tpu.memory_space<vmem>>
    %dma_start3A_6 = arith.constant 0 : i32
    %dma_start3A_7 = arith.constant 0 : i32
    %dma_start3A_8 = tpu.memref_slice %arg2[%dma_start3A_6, %dma_start3A_7] : memref<10240x8xf32, #tpu.memory_space<hbm>> -> memref<10240x8xf32, #tpu.memory_space<hbm>>
    tpu.enqueue_indirect_dma source(%dma_start3A_8 : memref<10240x8xf32, #tpu.memory_space<hbm>>) target(%arg9 : memref<128x8xf32, #tpu.memory_space<vmem>>) offsets(%dma_start3A_5 : memref<128xi32, #tpu.memory_space<vmem>>) semaphore(%arg12 : memref<!tpu.dma_semaphore, #tpu.memory_space<semaphore_mem>>)
    %scan3A = arith.constant 0 : i32
    %scan3A_9 = arith.constant 0 : i32
    %scan3A_10 = arith.constant 80 : i32
    %scan3A_11 = arith.addi %scan3A_9, %scan3A_10 : i32
    %scan3A_12 = arith.constant 1 : i32
    scf.for %scan3A_15 = %scan3A_9 to %scan3A_11 step %scan3A_12  : i32 {
      %jit3A = arith.constant 2 : i32
      %eq3A = arith.constant 0 : i32
      %eq3A_16 = arith.cmpi eq, %jit3A, %eq3A : i32
      %jit3A_17 = arith.constant 1 : i32
      %select_n3A = arith.select %eq3A_16, %jit3A_17, %jit3A : i32
      %rem3A = arith.remsi %scan3A_15, %select_n3A : i32
      %ne3A = arith.constant 0 : i32
      %ne3A_18 = arith.cmpi ne, %rem3A, %ne3A : i32
      %lt3A = arith.constant 0 : i32
      %lt3A_19 = arith.cmpi slt, %rem3A, %lt3A : i32
      %lt3A_20 = arith.constant 0 : i32
      %lt3A_21 = arith.cmpi slt, %select_n3A, %lt3A_20 : i32
      %ne3A_22 = arith.xori %lt3A_19, %lt3A_21 : i1
      %and3A = arith.andi %ne3A_22, %ne3A_18 : i1
      %add3A_23 = arith.addi %rem3A, %select_n3A : i32
      %select_n3A_24 = arith.select %and3A, %add3A_23, %rem3A : i32
      %eq3A_25 = arith.constant 0 : i32
      %eq3A_26 = arith.cmpi eq, %select_n3A_24, %eq3A_25 : i32
      %convert_element_type3A = arith.extui %eq3A_26 : i1 to i32
      %cond3A = arith.constant 0 : i32
      %cond3A_27 = arith.cmpi ne, %convert_element_type3A, %cond3A : i32
      scf.if %cond3A_27 {
        %dma_wait3A = arith.constant 0 : i32
        %dma_wait3A_49 = tpu.memref_slice %arg7[%scan3A_15, %dma_wait3A] : memref<80x128xi32, #tpu.memory_space<vmem>> -> memref<1x128xi32, #tpu.memory_space<vmem>>
        %dma_wait3A_50 = tpu.memref_squeeze %dma_wait3A_49 : memref<1x128xi32, #tpu.memory_space<vmem>> -> memref<128xi32, #tpu.memory_space<vmem>>
        %dma_wait3A_51 = arith.constant 0 : i32
        %dma_wait3A_52 = arith.constant 0 : i32
        %dma_wait3A_53 = tpu.memref_slice %arg2[%dma_wait3A_51, %dma_wait3A_52] : memref<10240x8xf32, #tpu.memory_space<hbm>> -> memref<10240x8xf32, #tpu.memory_space<hbm>>
        tpu.wait_indirect_dma semaphore(%arg12 : memref<!tpu.dma_semaphore, #tpu.memory_space<semaphore_mem>>) src(%dma_wait3A_53 : memref<10240x8xf32, #tpu.memory_space<hbm>>) dst(%arg9 : memref<128x8xf32, #tpu.memory_space<vmem>>)
        %add3A_54 = arith.constant 1 : i32
        %add3A_55 = arith.addi %scan3A_15, %add3A_54 : i32
        %lt3A_56 = arith.constant 80 : i32
        %lt3A_57 = arith.cmpi slt, %add3A_55, %lt3A_56 : i32
        %convert_element_type3A_58 = arith.extui %lt3A_57 : i1 to i32
        %cond3A_59 = arith.constant 0 : i32
        %cond3A_60 = arith.cmpi ne, %convert_element_type3A_58, %cond3A_59 : i32
        scf.if %cond3A_60 {
          %add3A_61 = arith.constant 1 : i32
          %add3A_62 = arith.addi %scan3A_15, %add3A_61 : i32
          %dma_start3A_63 = arith.constant 0 : i32
          %dma_start3A_64 = tpu.memref_slice %arg7[%add3A_62, %dma_start3A_63] : memref<80x128xi32, #tpu.memory_space<vmem>> -> memref<1x128xi32, #tpu.memory_space<vmem>>
          %dma_start3A_65 = tpu.memref_squeeze %dma_start3A_64 : memref<1x128xi32, #tpu.memory_space<vmem>> -> memref<128xi32, #tpu.memory_space<vmem>>
          %dma_start3A_66 = arith.constant 0 : i32
          %dma_start3A_67 = arith.constant 0 : i32
          %dma_start3A_68 = tpu.memref_slice %arg2[%dma_start3A_66, %dma_start3A_67] : memref<10240x8xf32, #tpu.memory_space<hbm>> -> memref<10240x8xf32, #tpu.memory_space<hbm>>
          tpu.enqueue_indirect_dma source(%dma_start3A_68 : memref<10240x8xf32, #tpu.memory_space<hbm>>) target(%arg10 : memref<128x8xf32, #tpu.memory_space<vmem>>) offsets(%dma_start3A_65 : memref<128xi32, #tpu.memory_space<vmem>>) semaphore(%arg13 : memref<!tpu.dma_semaphore, #tpu.memory_space<semaphore_mem>>)
        } else {
        }
        "tpu.region"() ({
          %run_scoped3A = tpu.sem_alloc : memref<!tpu.dma_semaphore, #tpu.memory_space<semaphore_mem>>
          %dma_start3A_61 = arith.constant 0 : i32
          %dma_start3A_62 = tpu.memref_slice %arg8[%scan3A_15, %dma_start3A_61] : memref<80x128xi32, #tpu.memory_space<vmem>> -> memref<1x128xi32, #tpu.memory_space<vmem>>
          %dma_start3A_63 = tpu.memref_squeeze %dma_start3A_62 : memref<1x128xi32, #tpu.memory_space<vmem>> -> memref<128xi32, #tpu.memory_space<vmem>>
          %dma_start3A_64 = arith.constant 0 : i32
          %dma_start3A_65 = arith.constant 0 : i32
          %dma_start3A_66 = tpu.memref_slice %arg11[%dma_start3A_64, %dma_start3A_65] : memref<10240x8xf32, #tpu.memory_space<vmem_shared>> -> memref<10240x8xf32, #tpu.memory_space<vmem_shared>>
          tpu.enqueue_indirect_dma source(%arg9 : memref<128x8xf32, #tpu.memory_space<vmem>>) target(%dma_start3A_66 : memref<10240x8xf32, #tpu.memory_space<vmem_shared>>) offsets(%dma_start3A_63 : memref<128xi32, #tpu.memory_space<vmem>>) semaphore(%run_scoped3A : memref<!tpu.dma_semaphore, #tpu.memory_space<semaphore_mem>>) {add = true}
          %dma_wait3A_67 = arith.constant 0 : i32
          %dma_wait3A_68 = tpu.memref_slice %arg8[%scan3A_15, %dma_wait3A_67] : memref<80x128xi32, #tpu.memory_space<vmem>> -> memref<1x128xi32, #tpu.memory_space<vmem>>
          %dma_wait3A_69 = tpu.memref_squeeze %dma_wait3A_68 : memref<1x128xi32, #tpu.memory_space<vmem>> -> memref<128xi32, #tpu.memory_space<vmem>>
          %dma_wait3A_70 = arith.constant 0 : i32
          %dma_wait3A_71 = arith.constant 0 : i32
          %dma_wait3A_72 = tpu.memref_slice %arg11[%dma_wait3A_70, %dma_wait3A_71] : memref<10240x8xf32, #tpu.memory_space<vmem_shared>> -> memref<10240x8xf32, #tpu.memory_space<vmem_shared>>
          tpu.wait_indirect_dma semaphore(%run_scoped3A : memref<!tpu.dma_semaphore, #tpu.memory_space<semaphore_mem>>) src(%arg9 : memref<128x8xf32, #tpu.memory_space<vmem>>) dst(%dma_wait3A_72 : memref<10240x8xf32, #tpu.memory_space<vmem_shared>>)
          tpu.yield
        }) : () -> ()
      } else {
      }
      %jit3A_28 = arith.constant 2 : i32
      %eq3A_29 = arith.constant 0 : i32
      %eq3A_30 = arith.cmpi eq, %jit3A_28, %eq3A_29 : i32
      %jit3A_31 = arith.constant 1 : i32
      %select_n3A_32 = arith.select %eq3A_30, %jit3A_31, %jit3A_28 : i32
      %rem3A_33 = arith.remsi %scan3A_15, %select_n3A_32 : i32
      %ne3A_34 = arith.constant 0 : i32
      %ne3A_35 = arith.cmpi ne, %rem3A_33, %ne3A_34 : i32
      %lt3A_36 = arith.constant 0 : i32
      %lt3A_37 = arith.cmpi slt, %rem3A_33, %lt3A_36 : i32
      %lt3A_38 = arith.constant 0 : i32
      %lt3A_39 = arith.cmpi slt, %select_n3A_32, %lt3A_38 : i32
      %ne3A_40 = arith.xori %lt3A_37, %lt3A_39 : i1
      %and3A_41 = arith.andi %ne3A_40, %ne3A_35 : i1
      %add3A_42 = arith.addi %rem3A_33, %select_n3A_32 : i32
      %select_n3A_43 = arith.select %and3A_41, %add3A_42, %rem3A_33 : i32
      %eq3A_44 = arith.constant 1 : i32
      %eq3A_45 = arith.cmpi eq, %select_n3A_43, %eq3A_44 : i32
      %convert_element_type3A_46 = arith.extui %eq3A_45 : i1 to i32
      %cond3A_47 = arith.constant 0 : i32
      %cond3A_48 = arith.cmpi ne, %convert_element_type3A_46, %cond3A_47 : i32
      scf.if %cond3A_48 {
        %dma_wait3A = arith.constant 0 : i32
        %dma_wait3A_49 = tpu.memref_slice %arg7[%scan3A_15, %dma_wait3A] : memref<80x128xi32, #tpu.memory_space<vmem>> -> memref<1x128xi32, #tpu.memory_space<vmem>>
        %dma_wait3A_50 = tpu.memref_squeeze %dma_wait3A_49 : memref<1x128xi32, #tpu.memory_space<vmem>> -> memref<128xi32, #tpu.memory_space<vmem>>
        %dma_wait3A_51 = arith.constant 0 : i32
        %dma_wait3A_52 = arith.constant 0 : i32
        %dma_wait3A_53 = tpu.memref_slice %arg2[%dma_wait3A_51, %dma_wait3A_52] : memref<10240x8xf32, #tpu.memory_space<hbm>> -> memref<10240x8xf32, #tpu.memory_space<hbm>>
        tpu.wait_indirect_dma semaphore(%arg13 : memref<!tpu.dma_semaphore, #tpu.memory_space<semaphore_mem>>) src(%dma_wait3A_53 : memref<10240x8xf32, #tpu.memory_space<hbm>>) dst(%arg10 : memref<128x8xf32, #tpu.memory_space<vmem>>)
        %add3A_54 = arith.constant 1 : i32
        %add3A_55 = arith.addi %scan3A_15, %add3A_54 : i32
        %lt3A_56 = arith.constant 80 : i32
        %lt3A_57 = arith.cmpi slt, %add3A_55, %lt3A_56 : i32
        %convert_element_type3A_58 = arith.extui %lt3A_57 : i1 to i32
        %cond3A_59 = arith.constant 0 : i32
        %cond3A_60 = arith.cmpi ne, %convert_element_type3A_58, %cond3A_59 : i32
        scf.if %cond3A_60 {
          %add3A_61 = arith.constant 1 : i32
          %add3A_62 = arith.addi %scan3A_15, %add3A_61 : i32
          %dma_start3A_63 = arith.constant 0 : i32
          %dma_start3A_64 = tpu.memref_slice %arg7[%add3A_62, %dma_start3A_63] : memref<80x128xi32, #tpu.memory_space<vmem>> -> memref<1x128xi32, #tpu.memory_space<vmem>>
          %dma_start3A_65 = tpu.memref_squeeze %dma_start3A_64 : memref<1x128xi32, #tpu.memory_space<vmem>> -> memref<128xi32, #tpu.memory_space<vmem>>
          %dma_start3A_66 = arith.constant 0 : i32
          %dma_start3A_67 = arith.constant 0 : i32
          %dma_start3A_68 = tpu.memref_slice %arg2[%dma_start3A_66, %dma_start3A_67] : memref<10240x8xf32, #tpu.memory_space<hbm>> -> memref<10240x8xf32, #tpu.memory_space<hbm>>
          tpu.enqueue_indirect_dma source(%dma_start3A_68 : memref<10240x8xf32, #tpu.memory_space<hbm>>) target(%arg9 : memref<128x8xf32, #tpu.memory_space<vmem>>) offsets(%dma_start3A_65 : memref<128xi32, #tpu.memory_space<vmem>>) semaphore(%arg12 : memref<!tpu.dma_semaphore, #tpu.memory_space<semaphore_mem>>)
        } else {
        }
        "tpu.region"() ({
          %run_scoped3A = tpu.sem_alloc : memref<!tpu.dma_semaphore, #tpu.memory_space<semaphore_mem>>
          %dma_start3A_61 = arith.constant 0 : i32
          %dma_start3A_62 = tpu.memref_slice %arg8[%scan3A_15, %dma_start3A_61] : memref<80x128xi32, #tpu.memory_space<vmem>> -> memref<1x128xi32, #tpu.memory_space<vmem>>
          %dma_start3A_63 = tpu.memref_squeeze %dma_start3A_62 : memref<1x128xi32, #tpu.memory_space<vmem>> -> memref<128xi32, #tpu.memory_space<vmem>>
          %dma_start3A_64 = arith.constant 0 : i32
          %dma_start3A_65 = arith.constant 0 : i32
          %dma_start3A_66 = tpu.memref_slice %arg11[%dma_start3A_64, %dma_start3A_65] : memref<10240x8xf32, #tpu.memory_space<vmem_shared>> -> memref<10240x8xf32, #tpu.memory_space<vmem_shared>>
          tpu.enqueue_indirect_dma source(%arg10 : memref<128x8xf32, #tpu.memory_space<vmem>>) target(%dma_start3A_66 : memref<10240x8xf32, #tpu.memory_space<vmem_shared>>) offsets(%dma_start3A_63 : memref<128xi32, #tpu.memory_space<vmem>>) semaphore(%run_scoped3A : memref<!tpu.dma_semaphore, #tpu.memory_space<semaphore_mem>>) {add = true}
          %dma_wait3A_67 = arith.constant 0 : i32
          %dma_wait3A_68 = tpu.memref_slice %arg8[%scan3A_15, %dma_wait3A_67] : memref<80x128xi32, #tpu.memory_space<vmem>> -> memref<1x128xi32, #tpu.memory_space<vmem>>
          %dma_wait3A_69 = tpu.memref_squeeze %dma_wait3A_68 : memref<1x128xi32, #tpu.memory_space<vmem>> -> memref<128xi32, #tpu.memory_space<vmem>>
          %dma_wait3A_70 = arith.constant 0 : i32
          %dma_wait3A_71 = arith.constant 0 : i32
          %dma_wait3A_72 = tpu.memref_slice %arg11[%dma_wait3A_70, %dma_wait3A_71] : memref<10240x8xf32, #tpu.memory_space<vmem_shared>> -> memref<10240x8xf32, #tpu.memory_space<vmem_shared>>
          tpu.wait_indirect_dma semaphore(%run_scoped3A : memref<!tpu.dma_semaphore, #tpu.memory_space<semaphore_mem>>) src(%arg10 : memref<128x8xf32, #tpu.memory_space<vmem>>) dst(%dma_wait3A_72 : memref<10240x8xf32, #tpu.memory_space<vmem_shared>>)
          tpu.yield
        }) : () -> ()
      } else {
      }
    }
    %scan3A_13 = arith.constant 80 : i32
    %barrier3A_14 = arith.constant 0 : index
    tpu.barrier barrier_id(%barrier3A_14)
    "tpu.region"() ({
      %run_scoped3A = tpu.sem_alloc : memref<!tpu.dma_semaphore, #tpu.memory_space<semaphore_mem>>
      %dma_start3A_15 = arith.constant 0 : i32
      %dma_start3A_16 = tpu.memref_slice %arg6[%arg0, %mul3A_0, %dma_start3A_15] : memref<2x10240x8xf32, #tpu.memory_space<hbm>> -> memref<1x640x8xf32, #tpu.memory_space<hbm>>
      %dma_start3A_17 = tpu.memref_squeeze %dma_start3A_16 : memref<1x640x8xf32, #tpu.memory_space<hbm>> -> memref<640x8xf32, #tpu.memory_space<hbm>>
      %dma_start3A_18 = arith.constant 0 : i32
      %dma_start3A_19 = tpu.memref_slice %arg11[%mul3A_0, %dma_start3A_18] : memref<10240x8xf32, #tpu.memory_space<vmem_shared>> -> memref<640x8xf32, #tpu.memory_space<vmem_shared>>
      tpu.enqueue_dma source(%dma_start3A_19 : memref<640x8xf32, #tpu.memory_space<vmem_shared>>) target(%dma_start3A_17 : memref<640x8xf32, #tpu.memory_space<hbm>>) target_semaphore(%run_scoped3A : memref<!tpu.dma_semaphore, #tpu.memory_space<semaphore_mem>>)
      %dma_wait3A = arith.constant 0 : i32
      %dma_wait3A_20 = tpu.memref_slice %arg6[%arg0, %mul3A_0, %dma_wait3A] : memref<2x10240x8xf32, #tpu.memory_space<hbm>> -> memref<1x640x8xf32, #tpu.memory_space<hbm>>
      %dma_wait3A_21 = tpu.memref_squeeze %dma_wait3A_20 : memref<1x640x8xf32, #tpu.memory_space<hbm>> -> memref<640x8xf32, #tpu.memory_space<hbm>>
      %dma_wait3A_22 = arith.constant 0 : i32
      %dma_wait3A_23 = tpu.memref_slice %arg11[%mul3A_0, %dma_wait3A_22] : memref<10240x8xf32, #tpu.memory_space<vmem_shared>> -> memref<640x8xf32, #tpu.memory_space<vmem_shared>>
      tpu.wait_dma2 semaphore(%run_scoped3A : memref<!tpu.dma_semaphore, #tpu.memory_space<semaphore_mem>>) src(%dma_wait3A_23 : memref<640x8xf32, #tpu.memory_space<vmem_shared>>) dst(%dma_wait3A_21 : memref<640x8xf32, #tpu.memory_space<hbm>>)
      tpu.yield
    }) : () -> ()
    return
  }
}

#map = affine_map<(d0, d1) -> (0, 0)>
#map1 = affine_map<(d0, d1) -> (0, 0, 0)>
module attributes {stable_mosaic.version = 14 : i64} {
  func.func @body(%arg0: i32, %arg1: i32, %arg2: memref<10240x32xf32, #tpu.memory_space<hbm>>, %arg3: memref<32x80x128xi32, #tpu.memory_space<hbm>>, %arg4: memref<32x80x128xi32, #tpu.memory_space<hbm>>, %arg5: memref<10240x32xf32, #tpu.memory_space<hbm>>, %arg6: memref<2x10240x32xf32, #tpu.memory_space<hbm>>, %arg7: memref<80x128xi32, #tpu.memory_space<vmem>>, %arg8: memref<80x128xi32, #tpu.memory_space<vmem>>, %arg9: memref<128x32xf32, #tpu.memory_space<vmem>>, %arg10: memref<128x32xf32, #tpu.memory_space<vmem>>, %arg11: memref<10240x32xf32, #tpu.memory_space<vmem_shared>>, %arg12: memref<!tpu.dma_semaphore, #tpu.memory_space<semaphore_mem>>, %arg13: memref<!tpu.dma_semaphore, #tpu.memory_space<semaphore_mem>>) attributes {dimension_semantics = [#tpu.dimension_semantics<core_parallel>, #tpu.dimension_semantics<subcore_parallel>], iteration_bounds = array<i64: 2, 16>, scalar_prefetch = 0 : i64, scratch_operands = 7 : i64, tpu.core_type = #tpu.core_type<sc_vector_subcore>, window_params = [{transform_indices = #map}, {transform_indices = #map1}, {transform_indices = #map1}, {transform_indices = #map}, {transform_indices = #map1}]} {
    %mul3A = arith.constant 640 : i32
    %mul3A_0 = arith.muli %arg1, %mul3A : i32
    "tpu.region"() ({
      %run_scoped3A = tpu.sem_alloc : memref<!tpu.dma_semaphore, #tpu.memory_space<semaphore_mem>>
      %dma_start3A_15 = arith.constant 0 : i32
      %dma_start3A_16 = tpu.memref_slice %arg11[%mul3A_0, %dma_start3A_15] : memref<10240x32xf32, #tpu.memory_space<vmem_shared>> -> memref<640x32xf32, #tpu.memory_space<vmem_shared>>
      %dma_start3A_17 = arith.constant 0 : i32
      %dma_start3A_18 = tpu.memref_slice %arg5[%mul3A_0, %dma_start3A_17] : memref<10240x32xf32, #tpu.memory_space<hbm>> -> memref<640x32xf32, #tpu.memory_space<hbm>>
      tpu.enqueue_dma source(%dma_start3A_18 : memref<640x32xf32, #tpu.memory_space<hbm>>) target(%dma_start3A_16 : memref<640x32xf32, #tpu.memory_space<vmem_shared>>) target_semaphore(%run_scoped3A : memref<!tpu.dma_semaphore, #tpu.memory_space<semaphore_mem>>)
      %dma_wait3A = arith.constant 0 : i32
      %dma_wait3A_19 = tpu.memref_slice %arg11[%mul3A_0, %dma_wait3A] : memref<10240x32xf32, #tpu.memory_space<vmem_shared>> -> memref<640x32xf32, #tpu.memory_space<vmem_shared>>
      %dma_wait3A_20 = arith.constant 0 : i32
      %dma_wait3A_21 = tpu.memref_slice %arg5[%mul3A_0, %dma_wait3A_20] : memref<10240x32xf32, #tpu.memory_space<hbm>> -> memref<640x32xf32, #tpu.memory_space<hbm>>
      tpu.wait_dma2 semaphore(%run_scoped3A : memref<!tpu.dma_semaphore, #tpu.memory_space<semaphore_mem>>) src(%dma_wait3A_21 : memref<640x32xf32, #tpu.memory_space<hbm>>) dst(%dma_wait3A_19 : memref<640x32xf32, #tpu.memory_space<vmem_shared>>)
      tpu.yield
    }) : () -> ()
    %mul3A_1 = arith.constant 16 : i32
    %mul3A_2 = arith.muli %arg0, %mul3A_1 : i32
    %add3A = arith.addi %mul3A_2, %arg1 : i32
    "tpu.region"() ({
      %run_scoped3A = tpu.sem_alloc : memref<!tpu.dma_semaphore, #tpu.memory_space<semaphore_mem>>
      %dma_start3A_15 = arith.constant 0 : i32
      %dma_start3A_16 = arith.constant 0 : i32
      %dma_start3A_17 = tpu.memref_slice %arg3[%add3A, %dma_start3A_15, %dma_start3A_16] : memref<32x80x128xi32, #tpu.memory_space<hbm>> -> memref<1x80x128xi32, #tpu.memory_space<hbm>>
      %dma_start3A_18 = tpu.memref_squeeze %dma_start3A_17 : memref<1x80x128xi32, #tpu.memory_space<hbm>> -> memref<80x128xi32, #tpu.memory_space<hbm>>
      %dma_start3A_19 = arith.constant 0 : i32
      %dma_start3A_20 = arith.constant 0 : i32
      %dma_start3A_21 = tpu.memref_slice %arg3[%add3A, %dma_start3A_19, %dma_start3A_20] : memref<32x80x128xi32, #tpu.memory_space<hbm>> -> memref<1x80x128xi32, #tpu.memory_space<hbm>>
      %dma_start3A_22 = tpu.memref_squeeze %dma_start3A_21 : memref<1x80x128xi32, #tpu.memory_space<hbm>> -> memref<80x128xi32, #tpu.memory_space<hbm>>
      tpu.enqueue_dma source(%dma_start3A_22 : memref<80x128xi32, #tpu.memory_space<hbm>>) target(%arg7 : memref<80x128xi32, #tpu.memory_space<vmem>>) target_semaphore(%run_scoped3A : memref<!tpu.dma_semaphore, #tpu.memory_space<semaphore_mem>>)
      %dma_wait3A = arith.constant 0 : i32
      %dma_wait3A_23 = arith.constant 0 : i32
      %dma_wait3A_24 = tpu.memref_slice %arg3[%add3A, %dma_wait3A, %dma_wait3A_23] : memref<32x80x128xi32, #tpu.memory_space<hbm>> -> memref<1x80x128xi32, #tpu.memory_space<hbm>>
      %dma_wait3A_25 = tpu.memref_squeeze %dma_wait3A_24 : memref<1x80x128xi32, #tpu.memory_space<hbm>> -> memref<80x128xi32, #tpu.memory_space<hbm>>
      %dma_wait3A_26 = arith.constant 0 : i32
      %dma_wait3A_27 = arith.constant 0 : i32
      %dma_wait3A_28 = tpu.memref_slice %arg3[%add3A, %dma_wait3A_26, %dma_wait3A_27] : memref<32x80x128xi32, #tpu.memory_space<hbm>> -> memref<1x80x128xi32, #tpu.memory_space<hbm>>
      %dma_wait3A_29 = tpu.memref_squeeze %dma_wait3A_28 : memref<1x80x128xi32, #tpu.memory_space<hbm>> -> memref<80x128xi32, #tpu.memory_space<hbm>>
      tpu.wait_dma2 semaphore(%run_scoped3A : memref<!tpu.dma_semaphore, #tpu.memory_space<semaphore_mem>>) src(%dma_wait3A_29 : memref<80x128xi32, #tpu.memory_space<hbm>>) dst(%arg7 : memref<80x128xi32, #tpu.memory_space<vmem>>)
      tpu.yield
    }) : () -> ()
    "tpu.region"() ({
      %run_scoped3A = tpu.sem_alloc : memref<!tpu.dma_semaphore, #tpu.memory_space<semaphore_mem>>
      %dma_start3A_15 = arith.constant 0 : i32
      %dma_start3A_16 = arith.constant 0 : i32
      %dma_start3A_17 = tpu.memref_slice %arg4[%add3A, %dma_start3A_15, %dma_start3A_16] : memref<32x80x128xi32, #tpu.memory_space<hbm>> -> memref<1x80x128xi32, #tpu.memory_space<hbm>>
      %dma_start3A_18 = tpu.memref_squeeze %dma_start3A_17 : memref<1x80x128xi32, #tpu.memory_space<hbm>> -> memref<80x128xi32, #tpu.memory_space<hbm>>
      %dma_start3A_19 = arith.constant 0 : i32
      %dma_start3A_20 = arith.constant 0 : i32
      %dma_start3A_21 = tpu.memref_slice %arg4[%add3A, %dma_start3A_19, %dma_start3A_20] : memref<32x80x128xi32, #tpu.memory_space<hbm>> -> memref<1x80x128xi32, #tpu.memory_space<hbm>>
      %dma_start3A_22 = tpu.memref_squeeze %dma_start3A_21 : memref<1x80x128xi32, #tpu.memory_space<hbm>> -> memref<80x128xi32, #tpu.memory_space<hbm>>
      tpu.enqueue_dma source(%dma_start3A_22 : memref<80x128xi32, #tpu.memory_space<hbm>>) target(%arg8 : memref<80x128xi32, #tpu.memory_space<vmem>>) target_semaphore(%run_scoped3A : memref<!tpu.dma_semaphore, #tpu.memory_space<semaphore_mem>>)
      %dma_wait3A = arith.constant 0 : i32
      %dma_wait3A_23 = arith.constant 0 : i32
      %dma_wait3A_24 = tpu.memref_slice %arg4[%add3A, %dma_wait3A, %dma_wait3A_23] : memref<32x80x128xi32, #tpu.memory_space<hbm>> -> memref<1x80x128xi32, #tpu.memory_space<hbm>>
      %dma_wait3A_25 = tpu.memref_squeeze %dma_wait3A_24 : memref<1x80x128xi32, #tpu.memory_space<hbm>> -> memref<80x128xi32, #tpu.memory_space<hbm>>
      %dma_wait3A_26 = arith.constant 0 : i32
      %dma_wait3A_27 = arith.constant 0 : i32
      %dma_wait3A_28 = tpu.memref_slice %arg4[%add3A, %dma_wait3A_26, %dma_wait3A_27] : memref<32x80x128xi32, #tpu.memory_space<hbm>> -> memref<1x80x128xi32, #tpu.memory_space<hbm>>
      %dma_wait3A_29 = tpu.memref_squeeze %dma_wait3A_28 : memref<1x80x128xi32, #tpu.memory_space<hbm>> -> memref<80x128xi32, #tpu.memory_space<hbm>>
      tpu.wait_dma2 semaphore(%run_scoped3A : memref<!tpu.dma_semaphore, #tpu.memory_space<semaphore_mem>>) src(%dma_wait3A_29 : memref<80x128xi32, #tpu.memory_space<hbm>>) dst(%arg8 : memref<80x128xi32, #tpu.memory_space<vmem>>)
      tpu.yield
    }) : () -> ()
    %barrier3A = arith.constant 0 : index
    tpu.barrier barrier_id(%barrier3A)
    %dma_start3A = arith.constant 0 : i32
    %dma_start3A_3 = arith.constant 0 : i32
    %dma_start3A_4 = tpu.memref_slice %arg7[%dma_start3A, %dma_start3A_3] : memref<80x128xi32, #tpu.memory_space<vmem>> -> memref<1x128xi32, #tpu.memory_space<vmem>>
    %dma_start3A_5 = tpu.memref_squeeze %dma_start3A_4 : memref<1x128xi32, #tpu.memory_space<vmem>> -> memref<128xi32, #tpu.memory_space<vmem>>
    %dma_start3A_6 = arith.constant 0 : i32
    %dma_start3A_7 = arith.constant 0 : i32
    %dma_start3A_8 = tpu.memref_slice %arg2[%dma_start3A_6, %dma_start3A_7] : memref<10240x32xf32, #tpu.memory_space<hbm>> -> memref<10240x32xf32, #tpu.memory_space<hbm>>
    tpu.enqueue_indirect_dma source(%dma_start3A_8 : memref<10240x32xf32, #tpu.memory_space<hbm>>) target(%arg9 : memref<128x32xf32, #tpu.memory_space<vmem>>) offsets(%dma_start3A_5 : memref<128xi32, #tpu.memory_space<vmem>>) semaphore(%arg12 : memref<!tpu.dma_semaphore, #tpu.memory_space<semaphore_mem>>)
    %scan3A = arith.constant 0 : i32
    %scan3A_9 = arith.constant 0 : i32
    %scan3A_10 = arith.constant 80 : i32
    %scan3A_11 = arith.addi %scan3A_9, %scan3A_10 : i32
    %scan3A_12 = arith.constant 1 : i32
    scf.for %scan3A_15 = %scan3A_9 to %scan3A_11 step %scan3A_12  : i32 {
      %jit3A = arith.constant 2 : i32
      %eq3A = arith.constant 0 : i32
      %eq3A_16 = arith.cmpi eq, %jit3A, %eq3A : i32
      %jit3A_17 = arith.constant 1 : i32
      %select_n3A = arith.select %eq3A_16, %jit3A_17, %jit3A : i32
      %rem3A = arith.remsi %scan3A_15, %select_n3A : i32
      %ne3A = arith.constant 0 : i32
      %ne3A_18 = arith.cmpi ne, %rem3A, %ne3A : i32
      %lt3A = arith.constant 0 : i32
      %lt3A_19 = arith.cmpi slt, %rem3A, %lt3A : i32
      %lt3A_20 = arith.constant 0 : i32
      %lt3A_21 = arith.cmpi slt, %select_n3A, %lt3A_20 : i32
      %ne3A_22 = arith.xori %lt3A_19, %lt3A_21 : i1
      %and3A = arith.andi %ne3A_22, %ne3A_18 : i1
      %add3A_23 = arith.addi %rem3A, %select_n3A : i32
      %select_n3A_24 = arith.select %and3A, %add3A_23, %rem3A : i32
      %eq3A_25 = arith.constant 0 : i32
      %eq3A_26 = arith.cmpi eq, %select_n3A_24, %eq3A_25 : i32
      %convert_element_type3A = arith.extui %eq3A_26 : i1 to i32
      %cond3A = arith.constant 0 : i32
      %cond3A_27 = arith.cmpi ne, %convert_element_type3A, %cond3A : i32
      scf.if %cond3A_27 {
        %dma_wait3A = arith.constant 0 : i32
        %dma_wait3A_49 = tpu.memref_slice %arg7[%scan3A_15, %dma_wait3A] : memref<80x128xi32, #tpu.memory_space<vmem>> -> memref<1x128xi32, #tpu.memory_space<vmem>>
        %dma_wait3A_50 = tpu.memref_squeeze %dma_wait3A_49 : memref<1x128xi32, #tpu.memory_space<vmem>> -> memref<128xi32, #tpu.memory_space<vmem>>
        %dma_wait3A_51 = arith.constant 0 : i32
        %dma_wait3A_52 = arith.constant 0 : i32
        %dma_wait3A_53 = tpu.memref_slice %arg2[%dma_wait3A_51, %dma_wait3A_52] : memref<10240x32xf32, #tpu.memory_space<hbm>> -> memref<10240x32xf32, #tpu.memory_space<hbm>>
        tpu.wait_indirect_dma semaphore(%arg12 : memref<!tpu.dma_semaphore, #tpu.memory_space<semaphore_mem>>) src(%dma_wait3A_53 : memref<10240x32xf32, #tpu.memory_space<hbm>>) dst(%arg9 : memref<128x32xf32, #tpu.memory_space<vmem>>)
        %add3A_54 = arith.constant 1 : i32
        %add3A_55 = arith.addi %scan3A_15, %add3A_54 : i32
        %lt3A_56 = arith.constant 80 : i32
        %lt3A_57 = arith.cmpi slt, %add3A_55, %lt3A_56 : i32
        %convert_element_type3A_58 = arith.extui %lt3A_57 : i1 to i32
        %cond3A_59 = arith.constant 0 : i32
        %cond3A_60 = arith.cmpi ne, %convert_element_type3A_58, %cond3A_59 : i32
        scf.if %cond3A_60 {
          %add3A_61 = arith.constant 1 : i32
          %add3A_62 = arith.addi %scan3A_15, %add3A_61 : i32
          %dma_start3A_63 = arith.constant 0 : i32
          %dma_start3A_64 = tpu.memref_slice %arg7[%add3A_62, %dma_start3A_63] : memref<80x128xi32, #tpu.memory_space<vmem>> -> memref<1x128xi32, #tpu.memory_space<vmem>>
          %dma_start3A_65 = tpu.memref_squeeze %dma_start3A_64 : memref<1x128xi32, #tpu.memory_space<vmem>> -> memref<128xi32, #tpu.memory_space<vmem>>
          %dma_start3A_66 = arith.constant 0 : i32
          %dma_start3A_67 = arith.constant 0 : i32
          %dma_start3A_68 = tpu.memref_slice %arg2[%dma_start3A_66, %dma_start3A_67] : memref<10240x32xf32, #tpu.memory_space<hbm>> -> memref<10240x32xf32, #tpu.memory_space<hbm>>
          tpu.enqueue_indirect_dma source(%dma_start3A_68 : memref<10240x32xf32, #tpu.memory_space<hbm>>) target(%arg10 : memref<128x32xf32, #tpu.memory_space<vmem>>) offsets(%dma_start3A_65 : memref<128xi32, #tpu.memory_space<vmem>>) semaphore(%arg13 : memref<!tpu.dma_semaphore, #tpu.memory_space<semaphore_mem>>)
        } else {
        }
        "tpu.region"() ({
          %run_scoped3A = tpu.sem_alloc : memref<!tpu.dma_semaphore, #tpu.memory_space<semaphore_mem>>
          %dma_start3A_61 = arith.constant 0 : i32
          %dma_start3A_62 = tpu.memref_slice %arg8[%scan3A_15, %dma_start3A_61] : memref<80x128xi32, #tpu.memory_space<vmem>> -> memref<1x128xi32, #tpu.memory_space<vmem>>
          %dma_start3A_63 = tpu.memref_squeeze %dma_start3A_62 : memref<1x128xi32, #tpu.memory_space<vmem>> -> memref<128xi32, #tpu.memory_space<vmem>>
          %dma_start3A_64 = arith.constant 0 : i32
          %dma_start3A_65 = arith.constant 0 : i32
          %dma_start3A_66 = tpu.memref_slice %arg11[%dma_start3A_64, %dma_start3A_65] : memref<10240x32xf32, #tpu.memory_space<vmem_shared>> -> memref<10240x32xf32, #tpu.memory_space<vmem_shared>>
          tpu.enqueue_indirect_dma source(%arg9 : memref<128x32xf32, #tpu.memory_space<vmem>>) target(%dma_start3A_66 : memref<10240x32xf32, #tpu.memory_space<vmem_shared>>) offsets(%dma_start3A_63 : memref<128xi32, #tpu.memory_space<vmem>>) semaphore(%run_scoped3A : memref<!tpu.dma_semaphore, #tpu.memory_space<semaphore_mem>>) {add = true}
          %dma_wait3A_67 = arith.constant 0 : i32
          %dma_wait3A_68 = tpu.memref_slice %arg8[%scan3A_15, %dma_wait3A_67] : memref<80x128xi32, #tpu.memory_space<vmem>> -> memref<1x128xi32, #tpu.memory_space<vmem>>
          %dma_wait3A_69 = tpu.memref_squeeze %dma_wait3A_68 : memref<1x128xi32, #tpu.memory_space<vmem>> -> memref<128xi32, #tpu.memory_space<vmem>>
          %dma_wait3A_70 = arith.constant 0 : i32
          %dma_wait3A_71 = arith.constant 0 : i32
          %dma_wait3A_72 = tpu.memref_slice %arg11[%dma_wait3A_70, %dma_wait3A_71] : memref<10240x32xf32, #tpu.memory_space<vmem_shared>> -> memref<10240x32xf32, #tpu.memory_space<vmem_shared>>
          tpu.wait_indirect_dma semaphore(%run_scoped3A : memref<!tpu.dma_semaphore, #tpu.memory_space<semaphore_mem>>) src(%arg9 : memref<128x32xf32, #tpu.memory_space<vmem>>) dst(%dma_wait3A_72 : memref<10240x32xf32, #tpu.memory_space<vmem_shared>>)
          tpu.yield
        }) : () -> ()
      } else {
      }
      %jit3A_28 = arith.constant 2 : i32
      %eq3A_29 = arith.constant 0 : i32
      %eq3A_30 = arith.cmpi eq, %jit3A_28, %eq3A_29 : i32
      %jit3A_31 = arith.constant 1 : i32
      %select_n3A_32 = arith.select %eq3A_30, %jit3A_31, %jit3A_28 : i32
      %rem3A_33 = arith.remsi %scan3A_15, %select_n3A_32 : i32
      %ne3A_34 = arith.constant 0 : i32
      %ne3A_35 = arith.cmpi ne, %rem3A_33, %ne3A_34 : i32
      %lt3A_36 = arith.constant 0 : i32
      %lt3A_37 = arith.cmpi slt, %rem3A_33, %lt3A_36 : i32
      %lt3A_38 = arith.constant 0 : i32
      %lt3A_39 = arith.cmpi slt, %select_n3A_32, %lt3A_38 : i32
      %ne3A_40 = arith.xori %lt3A_37, %lt3A_39 : i1
      %and3A_41 = arith.andi %ne3A_40, %ne3A_35 : i1
      %add3A_42 = arith.addi %rem3A_33, %select_n3A_32 : i32
      %select_n3A_43 = arith.select %and3A_41, %add3A_42, %rem3A_33 : i32
      %eq3A_44 = arith.constant 1 : i32
      %eq3A_45 = arith.cmpi eq, %select_n3A_43, %eq3A_44 : i32
      %convert_element_type3A_46 = arith.extui %eq3A_45 : i1 to i32
      %cond3A_47 = arith.constant 0 : i32
      %cond3A_48 = arith.cmpi ne, %convert_element_type3A_46, %cond3A_47 : i32
      scf.if %cond3A_48 {
        %dma_wait3A = arith.constant 0 : i32
        %dma_wait3A_49 = tpu.memref_slice %arg7[%scan3A_15, %dma_wait3A] : memref<80x128xi32, #tpu.memory_space<vmem>> -> memref<1x128xi32, #tpu.memory_space<vmem>>
        %dma_wait3A_50 = tpu.memref_squeeze %dma_wait3A_49 : memref<1x128xi32, #tpu.memory_space<vmem>> -> memref<128xi32, #tpu.memory_space<vmem>>
        %dma_wait3A_51 = arith.constant 0 : i32
        %dma_wait3A_52 = arith.constant 0 : i32
        %dma_wait3A_53 = tpu.memref_slice %arg2[%dma_wait3A_51, %dma_wait3A_52] : memref<10240x32xf32, #tpu.memory_space<hbm>> -> memref<10240x32xf32, #tpu.memory_space<hbm>>
        tpu.wait_indirect_dma semaphore(%arg13 : memref<!tpu.dma_semaphore, #tpu.memory_space<semaphore_mem>>) src(%dma_wait3A_53 : memref<10240x32xf32, #tpu.memory_space<hbm>>) dst(%arg10 : memref<128x32xf32, #tpu.memory_space<vmem>>)
        %add3A_54 = arith.constant 1 : i32
        %add3A_55 = arith.addi %scan3A_15, %add3A_54 : i32
        %lt3A_56 = arith.constant 80 : i32
        %lt3A_57 = arith.cmpi slt, %add3A_55, %lt3A_56 : i32
        %convert_element_type3A_58 = arith.extui %lt3A_57 : i1 to i32
        %cond3A_59 = arith.constant 0 : i32
        %cond3A_60 = arith.cmpi ne, %convert_element_type3A_58, %cond3A_59 : i32
        scf.if %cond3A_60 {
          %add3A_61 = arith.constant 1 : i32
          %add3A_62 = arith.addi %scan3A_15, %add3A_61 : i32
          %dma_start3A_63 = arith.constant 0 : i32
          %dma_start3A_64 = tpu.memref_slice %arg7[%add3A_62, %dma_start3A_63] : memref<80x128xi32, #tpu.memory_space<vmem>> -> memref<1x128xi32, #tpu.memory_space<vmem>>
          %dma_start3A_65 = tpu.memref_squeeze %dma_start3A_64 : memref<1x128xi32, #tpu.memory_space<vmem>> -> memref<128xi32, #tpu.memory_space<vmem>>
          %dma_start3A_66 = arith.constant 0 : i32
          %dma_start3A_67 = arith.constant 0 : i32
          %dma_start3A_68 = tpu.memref_slice %arg2[%dma_start3A_66, %dma_start3A_67] : memref<10240x32xf32, #tpu.memory_space<hbm>> -> memref<10240x32xf32, #tpu.memory_space<hbm>>
          tpu.enqueue_indirect_dma source(%dma_start3A_68 : memref<10240x32xf32, #tpu.memory_space<hbm>>) target(%arg9 : memref<128x32xf32, #tpu.memory_space<vmem>>) offsets(%dma_start3A_65 : memref<128xi32, #tpu.memory_space<vmem>>) semaphore(%arg12 : memref<!tpu.dma_semaphore, #tpu.memory_space<semaphore_mem>>)
        } else {
        }
        "tpu.region"() ({
          %run_scoped3A = tpu.sem_alloc : memref<!tpu.dma_semaphore, #tpu.memory_space<semaphore_mem>>
          %dma_start3A_61 = arith.constant 0 : i32
          %dma_start3A_62 = tpu.memref_slice %arg8[%scan3A_15, %dma_start3A_61] : memref<80x128xi32, #tpu.memory_space<vmem>> -> memref<1x128xi32, #tpu.memory_space<vmem>>
          %dma_start3A_63 = tpu.memref_squeeze %dma_start3A_62 : memref<1x128xi32, #tpu.memory_space<vmem>> -> memref<128xi32, #tpu.memory_space<vmem>>
          %dma_start3A_64 = arith.constant 0 : i32
          %dma_start3A_65 = arith.constant 0 : i32
          %dma_start3A_66 = tpu.memref_slice %arg11[%dma_start3A_64, %dma_start3A_65] : memref<10240x32xf32, #tpu.memory_space<vmem_shared>> -> memref<10240x32xf32, #tpu.memory_space<vmem_shared>>
          tpu.enqueue_indirect_dma source(%arg10 : memref<128x32xf32, #tpu.memory_space<vmem>>) target(%dma_start3A_66 : memref<10240x32xf32, #tpu.memory_space<vmem_shared>>) offsets(%dma_start3A_63 : memref<128xi32, #tpu.memory_space<vmem>>) semaphore(%run_scoped3A : memref<!tpu.dma_semaphore, #tpu.memory_space<semaphore_mem>>) {add = true}
          %dma_wait3A_67 = arith.constant 0 : i32
          %dma_wait3A_68 = tpu.memref_slice %arg8[%scan3A_15, %dma_wait3A_67] : memref<80x128xi32, #tpu.memory_space<vmem>> -> memref<1x128xi32, #tpu.memory_space<vmem>>
          %dma_wait3A_69 = tpu.memref_squeeze %dma_wait3A_68 : memref<1x128xi32, #tpu.memory_space<vmem>> -> memref<128xi32, #tpu.memory_space<vmem>>
          %dma_wait3A_70 = arith.constant 0 : i32
          %dma_wait3A_71 = arith.constant 0 : i32
          %dma_wait3A_72 = tpu.memref_slice %arg11[%dma_wait3A_70, %dma_wait3A_71] : memref<10240x32xf32, #tpu.memory_space<vmem_shared>> -> memref<10240x32xf32, #tpu.memory_space<vmem_shared>>
          tpu.wait_indirect_dma semaphore(%run_scoped3A : memref<!tpu.dma_semaphore, #tpu.memory_space<semaphore_mem>>) src(%arg10 : memref<128x32xf32, #tpu.memory_space<vmem>>) dst(%dma_wait3A_72 : memref<10240x32xf32, #tpu.memory_space<vmem_shared>>)
          tpu.yield
        }) : () -> ()
      } else {
      }
    }
    %scan3A_13 = arith.constant 80 : i32
    %barrier3A_14 = arith.constant 0 : index
    tpu.barrier barrier_id(%barrier3A_14)
    "tpu.region"() ({
      %run_scoped3A = tpu.sem_alloc : memref<!tpu.dma_semaphore, #tpu.memory_space<semaphore_mem>>
      %dma_start3A_15 = arith.constant 0 : i32
      %dma_start3A_16 = tpu.memref_slice %arg6[%arg0, %mul3A_0, %dma_start3A_15] : memref<2x10240x32xf32, #tpu.memory_space<hbm>> -> memref<1x640x32xf32, #tpu.memory_space<hbm>>
      %dma_start3A_17 = tpu.memref_squeeze %dma_start3A_16 : memref<1x640x32xf32, #tpu.memory_space<hbm>> -> memref<640x32xf32, #tpu.memory_space<hbm>>
      %dma_start3A_18 = arith.constant 0 : i32
      %dma_start3A_19 = tpu.memref_slice %arg11[%mul3A_0, %dma_start3A_18] : memref<10240x32xf32, #tpu.memory_space<vmem_shared>> -> memref<640x32xf32, #tpu.memory_space<vmem_shared>>
      tpu.enqueue_dma source(%dma_start3A_19 : memref<640x32xf32, #tpu.memory_space<vmem_shared>>) target(%dma_start3A_17 : memref<640x32xf32, #tpu.memory_space<hbm>>) target_semaphore(%run_scoped3A : memref<!tpu.dma_semaphore, #tpu.memory_space<semaphore_mem>>)
      %dma_wait3A = arith.constant 0 : i32
      %dma_wait3A_20 = tpu.memref_slice %arg6[%arg0, %mul3A_0, %dma_wait3A] : memref<2x10240x32xf32, #tpu.memory_space<hbm>> -> memref<1x640x32xf32, #tpu.memory_space<hbm>>
      %dma_wait3A_21 = tpu.memref_squeeze %dma_wait3A_20 : memref<1x640x32xf32, #tpu.memory_space<hbm>> -> memref<640x32xf32, #tpu.memory_space<hbm>>
      %dma_wait3A_22 = arith.constant 0 : i32
      %dma_wait3A_23 = tpu.memref_slice %arg11[%mul3A_0, %dma_wait3A_22] : memref<10240x32xf32, #tpu.memory_space<vmem_shared>> -> memref<640x32xf32, #tpu.memory_space<vmem_shared>>
      tpu.wait_dma2 semaphore(%run_scoped3A : memref<!tpu.dma_semaphore, #tpu.memory_space<semaphore_mem>>) src(%dma_wait3A_23 : memref<640x32xf32, #tpu.memory_space<vmem_shared>>) dst(%dma_wait3A_21 : memref<640x32xf32, #tpu.memory_space<hbm>>)
      tpu.yield
    }) : () -> ()
    return
  }
}

#map = affine_map<(d0, d1) -> (0, 0, 0)>
#map1 = affine_map<(d0, d1) -> (0, 0)>
module attributes {stable_mosaic.version = 14 : i64} {
  func.func @body(%arg0: i32, %arg1: i32, %arg2: memref<2x10240x64xf32, #tpu.memory_space<hbm>>, %arg3: memref<16x160x128xi32, #tpu.memory_space<hbm>>, %arg4: memref<16x160x128xi32, #tpu.memory_space<hbm>>, %arg5: memref<10240x64xf32, #tpu.memory_space<hbm>>, %arg6: memref<2x10240x64xf32, #tpu.memory_space<hbm>>, %arg7: memref<160x128xi32, #tpu.memory_space<vmem>>, %arg8: memref<160x128xi32, #tpu.memory_space<vmem>>, %arg9: memref<128x64xf32, #tpu.memory_space<vmem>>, %arg10: memref<128x64xf32, #tpu.memory_space<vmem>>, %arg11: memref<10240x64xf32, #tpu.memory_space<vmem_shared>>, %arg12: memref<!tpu.dma_semaphore, #tpu.memory_space<semaphore_mem>>, %arg13: memref<!tpu.dma_semaphore, #tpu.memory_space<semaphore_mem>>) attributes {dimension_semantics = [#tpu.dimension_semantics<core_parallel>, #tpu.dimension_semantics<subcore_parallel>], iteration_bounds = array<i64: 2, 16>, scalar_prefetch = 0 : i64, scratch_operands = 7 : i64, tpu.core_type = #tpu.core_type<sc_vector_subcore>, window_params = [{transform_indices = #map}, {transform_indices = #map}, {transform_indices = #map}, {transform_indices = #map1}, {transform_indices = #map}]} {
    %mul3A = arith.constant 640 : i32
    %mul3A_0 = arith.muli %arg1, %mul3A : i32
    "tpu.region"() ({
      %run_scoped3A = tpu.sem_alloc : memref<!tpu.dma_semaphore, #tpu.memory_space<semaphore_mem>>
      %dma_start3A_17 = arith.constant 0 : i32
      %dma_start3A_18 = tpu.memref_slice %arg11[%mul3A_0, %dma_start3A_17] : memref<10240x64xf32, #tpu.memory_space<vmem_shared>> -> memref<640x64xf32, #tpu.memory_space<vmem_shared>>
      %dma_start3A_19 = arith.constant 0 : i32
      %dma_start3A_20 = tpu.memref_slice %arg5[%mul3A_0, %dma_start3A_19] : memref<10240x64xf32, #tpu.memory_space<hbm>> -> memref<640x64xf32, #tpu.memory_space<hbm>>
      tpu.enqueue_dma source(%dma_start3A_20 : memref<640x64xf32, #tpu.memory_space<hbm>>) target(%dma_start3A_18 : memref<640x64xf32, #tpu.memory_space<vmem_shared>>) target_semaphore(%run_scoped3A : memref<!tpu.dma_semaphore, #tpu.memory_space<semaphore_mem>>)
      %dma_wait3A = arith.constant 0 : i32
      %dma_wait3A_21 = tpu.memref_slice %arg11[%mul3A_0, %dma_wait3A] : memref<10240x64xf32, #tpu.memory_space<vmem_shared>> -> memref<640x64xf32, #tpu.memory_space<vmem_shared>>
      %dma_wait3A_22 = arith.constant 0 : i32
      %dma_wait3A_23 = tpu.memref_slice %arg5[%mul3A_0, %dma_wait3A_22] : memref<10240x64xf32, #tpu.memory_space<hbm>> -> memref<640x64xf32, #tpu.memory_space<hbm>>
      tpu.wait_dma2 semaphore(%run_scoped3A : memref<!tpu.dma_semaphore, #tpu.memory_space<semaphore_mem>>) src(%dma_wait3A_23 : memref<640x64xf32, #tpu.memory_space<hbm>>) dst(%dma_wait3A_21 : memref<640x64xf32, #tpu.memory_space<vmem_shared>>)
      tpu.yield
    }) : () -> ()
    "tpu.region"() ({
      %run_scoped3A = tpu.sem_alloc : memref<!tpu.dma_semaphore, #tpu.memory_space<semaphore_mem>>
      %dma_start3A_17 = arith.constant 0 : i32
      %dma_start3A_18 = arith.constant 0 : i32
      %dma_start3A_19 = tpu.memref_slice %arg3[%arg1, %dma_start3A_17, %dma_start3A_18] : memref<16x160x128xi32, #tpu.memory_space<hbm>> -> memref<1x160x128xi32, #tpu.memory_space<hbm>>
      %dma_start3A_20 = tpu.memref_squeeze %dma_start3A_19 : memref<1x160x128xi32, #tpu.memory_space<hbm>> -> memref<160x128xi32, #tpu.memory_space<hbm>>
      %dma_start3A_21 = arith.constant 0 : i32
      %dma_start3A_22 = arith.constant 0 : i32
      %dma_start3A_23 = tpu.memref_slice %arg3[%arg1, %dma_start3A_21, %dma_start3A_22] : memref<16x160x128xi32, #tpu.memory_space<hbm>> -> memref<1x160x128xi32, #tpu.memory_space<hbm>>
      %dma_start3A_24 = tpu.memref_squeeze %dma_start3A_23 : memref<1x160x128xi32, #tpu.memory_space<hbm>> -> memref<160x128xi32, #tpu.memory_space<hbm>>
      tpu.enqueue_dma source(%dma_start3A_24 : memref<160x128xi32, #tpu.memory_space<hbm>>) target(%arg7 : memref<160x128xi32, #tpu.memory_space<vmem>>) target_semaphore(%run_scoped3A : memref<!tpu.dma_semaphore, #tpu.memory_space<semaphore_mem>>)
      %dma_wait3A = arith.constant 0 : i32
      %dma_wait3A_25 = arith.constant 0 : i32
      %dma_wait3A_26 = tpu.memref_slice %arg3[%arg1, %dma_wait3A, %dma_wait3A_25] : memref<16x160x128xi32, #tpu.memory_space<hbm>> -> memref<1x160x128xi32, #tpu.memory_space<hbm>>
      %dma_wait3A_27 = tpu.memref_squeeze %dma_wait3A_26 : memref<1x160x128xi32, #tpu.memory_space<hbm>> -> memref<160x128xi32, #tpu.memory_space<hbm>>
      %dma_wait3A_28 = arith.constant 0 : i32
      %dma_wait3A_29 = arith.constant 0 : i32
      %dma_wait3A_30 = tpu.memref_slice %arg3[%arg1, %dma_wait3A_28, %dma_wait3A_29] : memref<16x160x128xi32, #tpu.memory_space<hbm>> -> memref<1x160x128xi32, #tpu.memory_space<hbm>>
      %dma_wait3A_31 = tpu.memref_squeeze %dma_wait3A_30 : memref<1x160x128xi32, #tpu.memory_space<hbm>> -> memref<160x128xi32, #tpu.memory_space<hbm>>
      tpu.wait_dma2 semaphore(%run_scoped3A : memref<!tpu.dma_semaphore, #tpu.memory_space<semaphore_mem>>) src(%dma_wait3A_31 : memref<160x128xi32, #tpu.memory_space<hbm>>) dst(%arg7 : memref<160x128xi32, #tpu.memory_space<vmem>>)
      tpu.yield
    }) : () -> ()
    "tpu.region"() ({
      %run_scoped3A = tpu.sem_alloc : memref<!tpu.dma_semaphore, #tpu.memory_space<semaphore_mem>>
      %dma_start3A_17 = arith.constant 0 : i32
      %dma_start3A_18 = arith.constant 0 : i32
      %dma_start3A_19 = tpu.memref_slice %arg4[%arg1, %dma_start3A_17, %dma_start3A_18] : memref<16x160x128xi32, #tpu.memory_space<hbm>> -> memref<1x160x128xi32, #tpu.memory_space<hbm>>
      %dma_start3A_20 = tpu.memref_squeeze %dma_start3A_19 : memref<1x160x128xi32, #tpu.memory_space<hbm>> -> memref<160x128xi32, #tpu.memory_space<hbm>>
      %dma_start3A_21 = arith.constant 0 : i32
      %dma_start3A_22 = arith.constant 0 : i32
      %dma_start3A_23 = tpu.memref_slice %arg4[%arg1, %dma_start3A_21, %dma_start3A_22] : memref<16x160x128xi32, #tpu.memory_space<hbm>> -> memref<1x160x128xi32, #tpu.memory_space<hbm>>
      %dma_start3A_24 = tpu.memref_squeeze %dma_start3A_23 : memref<1x160x128xi32, #tpu.memory_space<hbm>> -> memref<160x128xi32, #tpu.memory_space<hbm>>
      tpu.enqueue_dma source(%dma_start3A_24 : memref<160x128xi32, #tpu.memory_space<hbm>>) target(%arg8 : memref<160x128xi32, #tpu.memory_space<vmem>>) target_semaphore(%run_scoped3A : memref<!tpu.dma_semaphore, #tpu.memory_space<semaphore_mem>>)
      %dma_wait3A = arith.constant 0 : i32
      %dma_wait3A_25 = arith.constant 0 : i32
      %dma_wait3A_26 = tpu.memref_slice %arg4[%arg1, %dma_wait3A, %dma_wait3A_25] : memref<16x160x128xi32, #tpu.memory_space<hbm>> -> memref<1x160x128xi32, #tpu.memory_space<hbm>>
      %dma_wait3A_27 = tpu.memref_squeeze %dma_wait3A_26 : memref<1x160x128xi32, #tpu.memory_space<hbm>> -> memref<160x128xi32, #tpu.memory_space<hbm>>
      %dma_wait3A_28 = arith.constant 0 : i32
      %dma_wait3A_29 = arith.constant 0 : i32
      %dma_wait3A_30 = tpu.memref_slice %arg4[%arg1, %dma_wait3A_28, %dma_wait3A_29] : memref<16x160x128xi32, #tpu.memory_space<hbm>> -> memref<1x160x128xi32, #tpu.memory_space<hbm>>
      %dma_wait3A_31 = tpu.memref_squeeze %dma_wait3A_30 : memref<1x160x128xi32, #tpu.memory_space<hbm>> -> memref<160x128xi32, #tpu.memory_space<hbm>>
      tpu.wait_dma2 semaphore(%run_scoped3A : memref<!tpu.dma_semaphore, #tpu.memory_space<semaphore_mem>>) src(%dma_wait3A_31 : memref<160x128xi32, #tpu.memory_space<hbm>>) dst(%arg8 : memref<160x128xi32, #tpu.memory_space<vmem>>)
      tpu.yield
    }) : () -> ()
    %barrier3A = arith.constant 0 : index
    tpu.barrier barrier_id(%barrier3A)
    %dma_start3A = arith.constant 0 : i32
    %dma_start3A_1 = arith.constant 0 : i32
    %dma_start3A_2 = tpu.memref_slice %arg7[%dma_start3A, %dma_start3A_1] : memref<160x128xi32, #tpu.memory_space<vmem>> -> memref<1x128xi32, #tpu.memory_space<vmem>>
    %dma_start3A_3 = tpu.memref_squeeze %dma_start3A_2 : memref<1x128xi32, #tpu.memory_space<vmem>> -> memref<128xi32, #tpu.memory_space<vmem>>
    %dma_start3A_4 = arith.constant 0 : i32
    %dma_start3A_5 = arith.constant 0 : i32
    %dma_start3A_6 = tpu.memref_slice %arg2[%arg0, %dma_start3A_4, %dma_start3A_5] : memref<2x10240x64xf32, #tpu.memory_space<hbm>> -> memref<1x10240x64xf32, #tpu.memory_space<hbm>>
    %dma_start3A_7 = tpu.memref_squeeze %dma_start3A_6 : memref<1x10240x64xf32, #tpu.memory_space<hbm>> -> memref<10240x64xf32, #tpu.memory_space<hbm>>
    %dma_start3A_8 = arith.constant 0 : i32
    %dma_start3A_9 = arith.constant 0 : i32
    %dma_start3A_10 = tpu.memref_slice %dma_start3A_7[%dma_start3A_8, %dma_start3A_9] : memref<10240x64xf32, #tpu.memory_space<hbm>> -> memref<10240x64xf32, #tpu.memory_space<hbm>>
    tpu.enqueue_indirect_dma source(%dma_start3A_10 : memref<10240x64xf32, #tpu.memory_space<hbm>>) target(%arg9 : memref<128x64xf32, #tpu.memory_space<vmem>>) offsets(%dma_start3A_3 : memref<128xi32, #tpu.memory_space<vmem>>) semaphore(%arg12 : memref<!tpu.dma_semaphore, #tpu.memory_space<semaphore_mem>>)
    %scan3A = arith.constant 0 : i32
    %scan3A_11 = arith.constant 0 : i32
    %scan3A_12 = arith.constant 160 : i32
    %scan3A_13 = arith.addi %scan3A_11, %scan3A_12 : i32
    %scan3A_14 = arith.constant 1 : i32
    scf.for %scan3A_17 = %scan3A_11 to %scan3A_13 step %scan3A_14  : i32 {
      %jit3A = arith.constant 2 : i32
      %eq3A = arith.constant 0 : i32
      %eq3A_18 = arith.cmpi eq, %jit3A, %eq3A : i32
      %jit3A_19 = arith.constant 1 : i32
      %select_n3A = arith.select %eq3A_18, %jit3A_19, %jit3A : i32
      %rem3A = arith.remsi %scan3A_17, %select_n3A : i32
      %ne3A = arith.constant 0 : i32
      %ne3A_20 = arith.cmpi ne, %rem3A, %ne3A : i32
      %lt3A = arith.constant 0 : i32
      %lt3A_21 = arith.cmpi slt, %rem3A, %lt3A : i32
      %lt3A_22 = arith.constant 0 : i32
      %lt3A_23 = arith.cmpi slt, %select_n3A, %lt3A_22 : i32
      %ne3A_24 = arith.xori %lt3A_21, %lt3A_23 : i1
      %and3A = arith.andi %ne3A_24, %ne3A_20 : i1
      %add3A = arith.addi %rem3A, %select_n3A : i32
      %select_n3A_25 = arith.select %and3A, %add3A, %rem3A : i32
      %eq3A_26 = arith.constant 0 : i32
      %eq3A_27 = arith.cmpi eq, %select_n3A_25, %eq3A_26 : i32
      %convert_element_type3A = arith.extui %eq3A_27 : i1 to i32
      %cond3A = arith.constant 0 : i32
      %cond3A_28 = arith.cmpi ne, %convert_element_type3A, %cond3A : i32
      scf.if %cond3A_28 {
        %dma_wait3A = arith.constant 0 : i32
        %dma_wait3A_50 = tpu.memref_slice %arg7[%scan3A_17, %dma_wait3A] : memref<160x128xi32, #tpu.memory_space<vmem>> -> memref<1x128xi32, #tpu.memory_space<vmem>>
        %dma_wait3A_51 = tpu.memref_squeeze %dma_wait3A_50 : memref<1x128xi32, #tpu.memory_space<vmem>> -> memref<128xi32, #tpu.memory_space<vmem>>
        %dma_wait3A_52 = arith.constant 0 : i32
        %dma_wait3A_53 = arith.constant 0 : i32
        %dma_wait3A_54 = tpu.memref_slice %arg2[%arg0, %dma_wait3A_52, %dma_wait3A_53] : memref<2x10240x64xf32, #tpu.memory_space<hbm>> -> memref<1x10240x64xf32, #tpu.memory_space<hbm>>
        %dma_wait3A_55 = tpu.memref_squeeze %dma_wait3A_54 : memref<1x10240x64xf32, #tpu.memory_space<hbm>> -> memref<10240x64xf32, #tpu.memory_space<hbm>>
        %dma_wait3A_56 = arith.constant 0 : i32
        %dma_wait3A_57 = arith.constant 0 : i32
        %dma_wait3A_58 = tpu.memref_slice %dma_wait3A_55[%dma_wait3A_56, %dma_wait3A_57] : memref<10240x64xf32, #tpu.memory_space<hbm>> -> memref<10240x64xf32, #tpu.memory_space<hbm>>
        tpu.wait_indirect_dma semaphore(%arg12 : memref<!tpu.dma_semaphore, #tpu.memory_space<semaphore_mem>>) src(%dma_wait3A_58 : memref<10240x64xf32, #tpu.memory_space<hbm>>) dst(%arg9 : memref<128x64xf32, #tpu.memory_space<vmem>>)
        %add3A_59 = arith.constant 1 : i32
        %add3A_60 = arith.addi %scan3A_17, %add3A_59 : i32
        %lt3A_61 = arith.constant 160 : i32
        %lt3A_62 = arith.cmpi slt, %add3A_60, %lt3A_61 : i32
        %convert_element_type3A_63 = arith.extui %lt3A_62 : i1 to i32
        %cond3A_64 = arith.constant 0 : i32
        %cond3A_65 = arith.cmpi ne, %convert_element_type3A_63, %cond3A_64 : i32
        scf.if %cond3A_65 {
          %add3A_66 = arith.constant 1 : i32
          %add3A_67 = arith.addi %scan3A_17, %add3A_66 : i32
          %dma_start3A_68 = arith.constant 0 : i32
          %dma_start3A_69 = tpu.memref_slice %arg7[%add3A_67, %dma_start3A_68] : memref<160x128xi32, #tpu.memory_space<vmem>> -> memref<1x128xi32, #tpu.memory_space<vmem>>
          %dma_start3A_70 = tpu.memref_squeeze %dma_start3A_69 : memref<1x128xi32, #tpu.memory_space<vmem>> -> memref<128xi32, #tpu.memory_space<vmem>>
          %dma_start3A_71 = arith.constant 0 : i32
          %dma_start3A_72 = arith.constant 0 : i32
          %dma_start3A_73 = tpu.memref_slice %arg2[%arg0, %dma_start3A_71, %dma_start3A_72] : memref<2x10240x64xf32, #tpu.memory_space<hbm>> -> memref<1x10240x64xf32, #tpu.memory_space<hbm>>
          %dma_start3A_74 = tpu.memref_squeeze %dma_start3A_73 : memref<1x10240x64xf32, #tpu.memory_space<hbm>> -> memref<10240x64xf32, #tpu.memory_space<hbm>>
          %dma_start3A_75 = arith.constant 0 : i32
          %dma_start3A_76 = arith.constant 0 : i32
          %dma_start3A_77 = tpu.memref_slice %dma_start3A_74[%dma_start3A_75, %dma_start3A_76] : memref<10240x64xf32, #tpu.memory_space<hbm>> -> memref<10240x64xf32, #tpu.memory_space<hbm>>
          tpu.enqueue_indirect_dma source(%dma_start3A_77 : memref<10240x64xf32, #tpu.memory_space<hbm>>) target(%arg10 : memref<128x64xf32, #tpu.memory_space<vmem>>) offsets(%dma_start3A_70 : memref<128xi32, #tpu.memory_space<vmem>>) semaphore(%arg13 : memref<!tpu.dma_semaphore, #tpu.memory_space<semaphore_mem>>)
        } else {
        }
        "tpu.region"() ({
          %run_scoped3A = tpu.sem_alloc : memref<!tpu.dma_semaphore, #tpu.memory_space<semaphore_mem>>
          %dma_start3A_66 = arith.constant 0 : i32
          %dma_start3A_67 = tpu.memref_slice %arg8[%scan3A_17, %dma_start3A_66] : memref<160x128xi32, #tpu.memory_space<vmem>> -> memref<1x128xi32, #tpu.memory_space<vmem>>
          %dma_start3A_68 = tpu.memref_squeeze %dma_start3A_67 : memref<1x128xi32, #tpu.memory_space<vmem>> -> memref<128xi32, #tpu.memory_space<vmem>>
          %dma_start3A_69 = arith.constant 0 : i32
          %dma_start3A_70 = arith.constant 0 : i32
          %dma_start3A_71 = tpu.memref_slice %arg11[%dma_start3A_69, %dma_start3A_70] : memref<10240x64xf32, #tpu.memory_space<vmem_shared>> -> memref<10240x64xf32, #tpu.memory_space<vmem_shared>>
          tpu.enqueue_indirect_dma source(%arg9 : memref<128x64xf32, #tpu.memory_space<vmem>>) target(%dma_start3A_71 : memref<10240x64xf32, #tpu.memory_space<vmem_shared>>) offsets(%dma_start3A_68 : memref<128xi32, #tpu.memory_space<vmem>>) semaphore(%run_scoped3A : memref<!tpu.dma_semaphore, #tpu.memory_space<semaphore_mem>>) {add = true}
          %dma_wait3A_72 = arith.constant 0 : i32
          %dma_wait3A_73 = tpu.memref_slice %arg8[%scan3A_17, %dma_wait3A_72] : memref<160x128xi32, #tpu.memory_space<vmem>> -> memref<1x128xi32, #tpu.memory_space<vmem>>
          %dma_wait3A_74 = tpu.memref_squeeze %dma_wait3A_73 : memref<1x128xi32, #tpu.memory_space<vmem>> -> memref<128xi32, #tpu.memory_space<vmem>>
          %dma_wait3A_75 = arith.constant 0 : i32
          %dma_wait3A_76 = arith.constant 0 : i32
          %dma_wait3A_77 = tpu.memref_slice %arg11[%dma_wait3A_75, %dma_wait3A_76] : memref<10240x64xf32, #tpu.memory_space<vmem_shared>> -> memref<10240x64xf32, #tpu.memory_space<vmem_shared>>
          tpu.wait_indirect_dma semaphore(%run_scoped3A : memref<!tpu.dma_semaphore, #tpu.memory_space<semaphore_mem>>) src(%arg9 : memref<128x64xf32, #tpu.memory_space<vmem>>) dst(%dma_wait3A_77 : memref<10240x64xf32, #tpu.memory_space<vmem_shared>>)
          tpu.yield
        }) : () -> ()
      } else {
      }
      %jit3A_29 = arith.constant 2 : i32
      %eq3A_30 = arith.constant 0 : i32
      %eq3A_31 = arith.cmpi eq, %jit3A_29, %eq3A_30 : i32
      %jit3A_32 = arith.constant 1 : i32
      %select_n3A_33 = arith.select %eq3A_31, %jit3A_32, %jit3A_29 : i32
      %rem3A_34 = arith.remsi %scan3A_17, %select_n3A_33 : i32
      %ne3A_35 = arith.constant 0 : i32
      %ne3A_36 = arith.cmpi ne, %rem3A_34, %ne3A_35 : i32
      %lt3A_37 = arith.constant 0 : i32
      %lt3A_38 = arith.cmpi slt, %rem3A_34, %lt3A_37 : i32
      %lt3A_39 = arith.constant 0 : i32
      %lt3A_40 = arith.cmpi slt, %select_n3A_33, %lt3A_39 : i32
      %ne3A_41 = arith.xori %lt3A_38, %lt3A_40 : i1
      %and3A_42 = arith.andi %ne3A_41, %ne3A_36 : i1
      %add3A_43 = arith.addi %rem3A_34, %select_n3A_33 : i32
      %select_n3A_44 = arith.select %and3A_42, %add3A_43, %rem3A_34 : i32
      %eq3A_45 = arith.constant 1 : i32
      %eq3A_46 = arith.cmpi eq, %select_n3A_44, %eq3A_45 : i32
      %convert_element_type3A_47 = arith.extui %eq3A_46 : i1 to i32
      %cond3A_48 = arith.constant 0 : i32
      %cond3A_49 = arith.cmpi ne, %convert_element_type3A_47, %cond3A_48 : i32
      scf.if %cond3A_49 {
        %dma_wait3A = arith.constant 0 : i32
        %dma_wait3A_50 = tpu.memref_slice %arg7[%scan3A_17, %dma_wait3A] : memref<160x128xi32, #tpu.memory_space<vmem>> -> memref<1x128xi32, #tpu.memory_space<vmem>>
        %dma_wait3A_51 = tpu.memref_squeeze %dma_wait3A_50 : memref<1x128xi32, #tpu.memory_space<vmem>> -> memref<128xi32, #tpu.memory_space<vmem>>
        %dma_wait3A_52 = arith.constant 0 : i32
        %dma_wait3A_53 = arith.constant 0 : i32
        %dma_wait3A_54 = tpu.memref_slice %arg2[%arg0, %dma_wait3A_52, %dma_wait3A_53] : memref<2x10240x64xf32, #tpu.memory_space<hbm>> -> memref<1x10240x64xf32, #tpu.memory_space<hbm>>
        %dma_wait3A_55 = tpu.memref_squeeze %dma_wait3A_54 : memref<1x10240x64xf32, #tpu.memory_space<hbm>> -> memref<10240x64xf32, #tpu.memory_space<hbm>>
        %dma_wait3A_56 = arith.constant 0 : i32
        %dma_wait3A_57 = arith.constant 0 : i32
        %dma_wait3A_58 = tpu.memref_slice %dma_wait3A_55[%dma_wait3A_56, %dma_wait3A_57] : memref<10240x64xf32, #tpu.memory_space<hbm>> -> memref<10240x64xf32, #tpu.memory_space<hbm>>
        tpu.wait_indirect_dma semaphore(%arg13 : memref<!tpu.dma_semaphore, #tpu.memory_space<semaphore_mem>>) src(%dma_wait3A_58 : memref<10240x64xf32, #tpu.memory_space<hbm>>) dst(%arg10 : memref<128x64xf32, #tpu.memory_space<vmem>>)
        %add3A_59 = arith.constant 1 : i32
        %add3A_60 = arith.addi %scan3A_17, %add3A_59 : i32
        %lt3A_61 = arith.constant 160 : i32
        %lt3A_62 = arith.cmpi slt, %add3A_60, %lt3A_61 : i32
        %convert_element_type3A_63 = arith.extui %lt3A_62 : i1 to i32
        %cond3A_64 = arith.constant 0 : i32
        %cond3A_65 = arith.cmpi ne, %convert_element_type3A_63, %cond3A_64 : i32
        scf.if %cond3A_65 {
          %add3A_66 = arith.constant 1 : i32
          %add3A_67 = arith.addi %scan3A_17, %add3A_66 : i32
          %dma_start3A_68 = arith.constant 0 : i32
          %dma_start3A_69 = tpu.memref_slice %arg7[%add3A_67, %dma_start3A_68] : memref<160x128xi32, #tpu.memory_space<vmem>> -> memref<1x128xi32, #tpu.memory_space<vmem>>
          %dma_start3A_70 = tpu.memref_squeeze %dma_start3A_69 : memref<1x128xi32, #tpu.memory_space<vmem>> -> memref<128xi32, #tpu.memory_space<vmem>>
          %dma_start3A_71 = arith.constant 0 : i32
          %dma_start3A_72 = arith.constant 0 : i32
          %dma_start3A_73 = tpu.memref_slice %arg2[%arg0, %dma_start3A_71, %dma_start3A_72] : memref<2x10240x64xf32, #tpu.memory_space<hbm>> -> memref<1x10240x64xf32, #tpu.memory_space<hbm>>
          %dma_start3A_74 = tpu.memref_squeeze %dma_start3A_73 : memref<1x10240x64xf32, #tpu.memory_space<hbm>> -> memref<10240x64xf32, #tpu.memory_space<hbm>>
          %dma_start3A_75 = arith.constant 0 : i32
          %dma_start3A_76 = arith.constant 0 : i32
          %dma_start3A_77 = tpu.memref_slice %dma_start3A_74[%dma_start3A_75, %dma_start3A_76] : memref<10240x64xf32, #tpu.memory_space<hbm>> -> memref<10240x64xf32, #tpu.memory_space<hbm>>
          tpu.enqueue_indirect_dma source(%dma_start3A_77 : memref<10240x64xf32, #tpu.memory_space<hbm>>) target(%arg9 : memref<128x64xf32, #tpu.memory_space<vmem>>) offsets(%dma_start3A_70 : memref<128xi32, #tpu.memory_space<vmem>>) semaphore(%arg12 : memref<!tpu.dma_semaphore, #tpu.memory_space<semaphore_mem>>)
        } else {
        }
        "tpu.region"() ({
          %run_scoped3A = tpu.sem_alloc : memref<!tpu.dma_semaphore, #tpu.memory_space<semaphore_mem>>
          %dma_start3A_66 = arith.constant 0 : i32
          %dma_start3A_67 = tpu.memref_slice %arg8[%scan3A_17, %dma_start3A_66] : memref<160x128xi32, #tpu.memory_space<vmem>> -> memref<1x128xi32, #tpu.memory_space<vmem>>
          %dma_start3A_68 = tpu.memref_squeeze %dma_start3A_67 : memref<1x128xi32, #tpu.memory_space<vmem>> -> memref<128xi32, #tpu.memory_space<vmem>>
          %dma_start3A_69 = arith.constant 0 : i32
          %dma_start3A_70 = arith.constant 0 : i32
          %dma_start3A_71 = tpu.memref_slice %arg11[%dma_start3A_69, %dma_start3A_70] : memref<10240x64xf32, #tpu.memory_space<vmem_shared>> -> memref<10240x64xf32, #tpu.memory_space<vmem_shared>>
          tpu.enqueue_indirect_dma source(%arg10 : memref<128x64xf32, #tpu.memory_space<vmem>>) target(%dma_start3A_71 : memref<10240x64xf32, #tpu.memory_space<vmem_shared>>) offsets(%dma_start3A_68 : memref<128xi32, #tpu.memory_space<vmem>>) semaphore(%run_scoped3A : memref<!tpu.dma_semaphore, #tpu.memory_space<semaphore_mem>>) {add = true}
          %dma_wait3A_72 = arith.constant 0 : i32
          %dma_wait3A_73 = tpu.memref_slice %arg8[%scan3A_17, %dma_wait3A_72] : memref<160x128xi32, #tpu.memory_space<vmem>> -> memref<1x128xi32, #tpu.memory_space<vmem>>
          %dma_wait3A_74 = tpu.memref_squeeze %dma_wait3A_73 : memref<1x128xi32, #tpu.memory_space<vmem>> -> memref<128xi32, #tpu.memory_space<vmem>>
          %dma_wait3A_75 = arith.constant 0 : i32
          %dma_wait3A_76 = arith.constant 0 : i32
          %dma_wait3A_77 = tpu.memref_slice %arg11[%dma_wait3A_75, %dma_wait3A_76] : memref<10240x64xf32, #tpu.memory_space<vmem_shared>> -> memref<10240x64xf32, #tpu.memory_space<vmem_shared>>
          tpu.wait_indirect_dma semaphore(%run_scoped3A : memref<!tpu.dma_semaphore, #tpu.memory_space<semaphore_mem>>) src(%arg10 : memref<128x64xf32, #tpu.memory_space<vmem>>) dst(%dma_wait3A_77 : memref<10240x64xf32, #tpu.memory_space<vmem_shared>>)
          tpu.yield
        }) : () -> ()
      } else {
      }
    }
    %scan3A_15 = arith.constant 160 : i32
    %barrier3A_16 = arith.constant 0 : index
    tpu.barrier barrier_id(%barrier3A_16)
    "tpu.region"() ({
      %run_scoped3A = tpu.sem_alloc : memref<!tpu.dma_semaphore, #tpu.memory_space<semaphore_mem>>
      %dma_start3A_17 = arith.constant 0 : i32
      %dma_start3A_18 = tpu.memref_slice %arg6[%arg0, %mul3A_0, %dma_start3A_17] : memref<2x10240x64xf32, #tpu.memory_space<hbm>> -> memref<1x640x64xf32, #tpu.memory_space<hbm>>
      %dma_start3A_19 = tpu.memref_squeeze %dma_start3A_18 : memref<1x640x64xf32, #tpu.memory_space<hbm>> -> memref<640x64xf32, #tpu.memory_space<hbm>>
      %dma_start3A_20 = arith.constant 0 : i32
      %dma_start3A_21 = tpu.memref_slice %arg11[%mul3A_0, %dma_start3A_20] : memref<10240x64xf32, #tpu.memory_space<vmem_shared>> -> memref<640x64xf32, #tpu.memory_space<vmem_shared>>
      tpu.enqueue_dma source(%dma_start3A_21 : memref<640x64xf32, #tpu.memory_space<vmem_shared>>) target(%dma_start3A_19 : memref<640x64xf32, #tpu.memory_space<hbm>>) target_semaphore(%run_scoped3A : memref<!tpu.dma_semaphore, #tpu.memory_space<semaphore_mem>>)
      %dma_wait3A = arith.constant 0 : i32
      %dma_wait3A_22 = tpu.memref_slice %arg6[%arg0, %mul3A_0, %dma_wait3A] : memref<2x10240x64xf32, #tpu.memory_space<hbm>> -> memref<1x640x64xf32, #tpu.memory_space<hbm>>
      %dma_wait3A_23 = tpu.memref_squeeze %dma_wait3A_22 : memref<1x640x64xf32, #tpu.memory_space<hbm>> -> memref<640x64xf32, #tpu.memory_space<hbm>>
      %dma_wait3A_24 = arith.constant 0 : i32
      %dma_wait3A_25 = tpu.memref_slice %arg11[%mul3A_0, %dma_wait3A_24] : memref<10240x64xf32, #tpu.memory_space<vmem_shared>> -> memref<640x64xf32, #tpu.memory_space<vmem_shared>>
      tpu.wait_dma2 semaphore(%run_scoped3A : memref<!tpu.dma_semaphore, #tpu.memory_space<semaphore_mem>>) src(%dma_wait3A_25 : memref<640x64xf32, #tpu.memory_space<vmem_shared>>) dst(%dma_wait3A_23 : memref<640x64xf32, #tpu.memory_space<hbm>>)
      tpu.yield
    }) : () -> ()
    return
  }
}

module attributes {stable_mosaic.version = 14 : i64} {
  func.func @body(%arg0: memref<10240x128xf32, #tpu.memory_space<vmem>>, %arg1: memref<128x4xf32, #tpu.memory_space<vmem>>, %arg2: memref<2x10240x4xf32, #tpu.memory_space<vmem>>, %arg3: memref<10240x4xf32, #tpu.memory_space<vmem>>, %arg4: memref<10240x1xf32, #tpu.memory_space<vmem>>) attributes {dimension_semantics = [], scalar_prefetch = 0 : i64, scratch_operands = 0 : i64, tpu.core_type = #tpu.core_type<tc>} {
    %get3A = arith.constant 0 : index
    %get3A_0 = arith.constant 0 : index
    %get3A_1 = arith.constant 0 : index
    %get3A_2 = vector.load %arg2[%get3A, %get3A_0, %get3A_1] : memref<2x10240x4xf32, #tpu.memory_space<vmem>>, vector<1x10240x1xf32>
    %get3A_3 = vector.shape_cast %get3A_2 : vector<1x10240x1xf32> to vector<10240x1xf32>
    %get3A_4 = arith.constant 1 : index
    %get3A_5 = arith.constant 0 : index
    %get3A_6 = arith.constant 0 : index
    %get3A_7 = vector.load %arg2[%get3A_4, %get3A_5, %get3A_6] : memref<2x10240x4xf32, #tpu.memory_space<vmem>>, vector<1x10240x1xf32>
    %get3A_8 = vector.shape_cast %get3A_7 : vector<1x10240x1xf32> to vector<10240x1xf32>
    %add3A = arith.addf %get3A_3, %get3A_8 : vector<10240x1xf32>
    %add3A_9 = arith.constant 1.000000e+00 : f32
    %add3A_10 = vector.broadcast %add3A_9 : f32 to vector<10240x1xf32>
    %add3A_11 = arith.addf %add3A, %add3A_10 : vector<10240x1xf32>
    %rsqrt3A = math.rsqrt %add3A_11 : vector<10240x1xf32>
    %get3A_12 = arith.constant 0 : index
    %get3A_13 = arith.constant 0 : index
    %get3A_14 = vector.load %arg0[%get3A_12, %get3A_13] : memref<10240x128xf32, #tpu.memory_space<vmem>>, vector<10240x128xf32>
    %get3A_15 = arith.constant 0 : index
    %get3A_16 = arith.constant 0 : index
    %get3A_17 = vector.load %arg1[%get3A_15, %get3A_16] : memref<128x4xf32, #tpu.memory_space<vmem>>, vector<128x4xf32>
    %dot_general3A = arith.constant dense<0.000000e+00> : vector<10240x4xf32>
    %dot_general3A_18 = tpu.matmul %get3A_14, %get3A_17, %dot_general3A {dimension_numbers = #tpu.dot_dimension_numbers<[1], [0], [0], [1], [0, 0, 1, 1], [], []>, transpose_lhs_hint = false} : vector<10240x128xf32>, vector<128x4xf32>, vector<10240x4xf32> -> vector<10240x4xf32>
    %iota3A = tpu.iota {dimensions = array<i32: 0>} : vector<10240x1xi32>
    %lt3A = arith.constant 10000 : i32
    %lt3A_19 = vector.broadcast %lt3A : i32 to vector<10240x1xi32>
    %lt3A_20 = arith.cmpi slt, %iota3A, %lt3A_19 : vector<10240x1xi32>
    %convert_element_type3A = arith.extui %lt3A_20 : vector<10240x1xi1> to vector<10240x1xi32>
    %convert_element_type3A_21 = arith.sitofp %convert_element_type3A : vector<10240x1xi32> to vector<10240x1xf32>
    %mul3A = vector.broadcast %rsqrt3A : vector<10240x1xf32> to vector<10240x4xf32>
    %mul3A_22 = arith.mulf %mul3A, %dot_general3A_18 : vector<10240x4xf32>
    %mul3A_23 = vector.broadcast %convert_element_type3A_21 : vector<10240x1xf32> to vector<10240x4xf32>
    %mul3A_24 = arith.mulf %mul3A_23, %mul3A_22 : vector<10240x4xf32>
    %swap3A = arith.constant 0 : index
    %swap3A_25 = arith.constant 0 : index
    %swap3A_26 = vector.load %arg3[%swap3A, %swap3A_25] : memref<10240x4xf32, #tpu.memory_space<vmem>>, vector<10240x4xf32>
    tpu.vector_store %arg3[%swap3A, %swap3A_25], %mul3A_24 {strides = array<i32>} : memref<10240x4xf32, #tpu.memory_space<vmem>>, vector<10240x4xf32>,
    %swap3A_27 = arith.constant 0 : index
    %swap3A_28 = arith.constant 0 : index
    %swap3A_29 = vector.load %arg4[%swap3A_27, %swap3A_28] : memref<10240x1xf32, #tpu.memory_space<vmem>>, vector<10240x1xf32>
    tpu.vector_store %arg4[%swap3A_27, %swap3A_28], %rsqrt3A {strides = array<i32>} : memref<10240x1xf32, #tpu.memory_space<vmem>>, vector<10240x1xf32>,
    return
  }
}

module attributes {stable_mosaic.version = 14 : i64} {
  func.func @body(%arg0: memref<2x10240x4xf32, #tpu.memory_space<vmem>>, %arg1: memref<10240x4xf32, #tpu.memory_space<vmem>>, %arg2: memref<10240x1xf32, #tpu.memory_space<vmem>>, %arg3: memref<4x4xf32, #tpu.memory_space<vmem>>, %arg4: memref<1x4xf32, #tpu.memory_space<vmem>>, %arg5: memref<10240x4xf32, #tpu.memory_space<vmem>>) attributes {dimension_semantics = [], scalar_prefetch = 0 : i64, scratch_operands = 0 : i64, tpu.core_type = #tpu.core_type<tc>} {
    %get3A = arith.constant 0 : index
    %get3A_0 = arith.constant 0 : index
    %get3A_1 = vector.load %arg2[%get3A, %get3A_0] : memref<10240x1xf32, #tpu.memory_space<vmem>>, vector<10240x1xf32>
    %get3A_2 = arith.constant 0 : index
    %get3A_3 = arith.constant 0 : index
    %get3A_4 = arith.constant 0 : index
    %get3A_5 = vector.load %arg0[%get3A_2, %get3A_3, %get3A_4] : memref<2x10240x4xf32, #tpu.memory_space<vmem>>, vector<1x10240x4xf32>
    %get3A_6 = vector.shape_cast %get3A_5 : vector<1x10240x4xf32> to vector<10240x4xf32>
    %get3A_7 = arith.constant 1 : index
    %get3A_8 = arith.constant 0 : index
    %get3A_9 = arith.constant 0 : index
    %get3A_10 = vector.load %arg0[%get3A_7, %get3A_8, %get3A_9] : memref<2x10240x4xf32, #tpu.memory_space<vmem>>, vector<1x10240x4xf32>
    %get3A_11 = vector.shape_cast %get3A_10 : vector<1x10240x4xf32> to vector<10240x4xf32>
    %add3A = arith.addf %get3A_6, %get3A_11 : vector<10240x4xf32>
    %get3A_12 = arith.constant 0 : index
    %get3A_13 = arith.constant 0 : index
    %get3A_14 = vector.load %arg1[%get3A_12, %get3A_13] : memref<10240x4xf32, #tpu.memory_space<vmem>>, vector<10240x4xf32>
    %add3A_15 = arith.addf %add3A, %get3A_14 : vector<10240x4xf32>
    %mul3A = vector.broadcast %get3A_1 : vector<10240x1xf32> to vector<10240x4xf32>
    %mul3A_16 = arith.mulf %mul3A, %add3A_15 : vector<10240x4xf32>
    %get3A_17 = arith.constant 0 : index
    %get3A_18 = arith.constant 0 : index
    %get3A_19 = vector.load %arg3[%get3A_17, %get3A_18] : memref<4x4xf32, #tpu.memory_space<vmem>>, vector<4x4xf32>
    %dot_general3A = arith.constant dense<0.000000e+00> : vector<10240x4xf32>
    %dot_general3A_20 = tpu.matmul %mul3A_16, %get3A_19, %dot_general3A {dimension_numbers = #tpu.dot_dimension_numbers<[1], [0], [0], [1], [0, 0, 1, 1], [], []>, transpose_lhs_hint = false} : vector<10240x4xf32>, vector<4x4xf32>, vector<10240x4xf32> -> vector<10240x4xf32>
    %get3A_21 = arith.constant 0 : index
    %get3A_22 = arith.constant 0 : index
    %get3A_23 = vector.load %arg4[%get3A_21, %get3A_22] : memref<1x4xf32, #tpu.memory_space<vmem>>, vector<1x4xf32>
    %add3A_24 = vector.broadcast %get3A_23 : vector<1x4xf32> to vector<10240x4xf32>
    %add3A_25 = arith.addf %dot_general3A_20, %add3A_24 : vector<10240x4xf32>
    %max3A = arith.constant 0.000000e+00 : f32
    %max3A_26 = vector.broadcast %max3A : f32 to vector<10240x4xf32>
    %max3A_27 = arith.maximumf %add3A_25, %max3A_26 : vector<10240x4xf32>
    %iota3A = tpu.iota {dimensions = array<i32: 0>} : vector<10240x1xi32>
    %lt3A = arith.constant 10000 : i32
    %lt3A_28 = vector.broadcast %lt3A : i32 to vector<10240x1xi32>
    %lt3A_29 = arith.cmpi slt, %iota3A, %lt3A_28 : vector<10240x1xi32>
    %convert_element_type3A = arith.extui %lt3A_29 : vector<10240x1xi1> to vector<10240x1xi32>
    %convert_element_type3A_30 = arith.sitofp %convert_element_type3A : vector<10240x1xi32> to vector<10240x1xf32>
    %mul3A_31 = vector.broadcast %get3A_1 : vector<10240x1xf32> to vector<10240x4xf32>
    %mul3A_32 = arith.mulf %mul3A_31, %max3A_27 : vector<10240x4xf32>
    %mul3A_33 = vector.broadcast %convert_element_type3A_30 : vector<10240x1xf32> to vector<10240x4xf32>
    %mul3A_34 = arith.mulf %mul3A_33, %mul3A_32 : vector<10240x4xf32>
    %swap3A = arith.constant 0 : index
    %swap3A_35 = arith.constant 0 : index
    %swap3A_36 = vector.load %arg5[%swap3A, %swap3A_35] : memref<10240x4xf32, #tpu.memory_space<vmem>>, vector<10240x4xf32>
    tpu.vector_store %arg5[%swap3A, %swap3A_35], %mul3A_34 {strides = array<i32>} : memref<10240x4xf32, #tpu.memory_space<vmem>>, vector<10240x4xf32>,
    return
  }
}

module attributes {stable_mosaic.version = 14 : i64} {
  func.func @body(%arg0: memref<2x10240x4xf32, #tpu.memory_space<vmem>>, %arg1: memref<10240x4xf32, #tpu.memory_space<vmem>>, %arg2: memref<10240x1xf32, #tpu.memory_space<vmem>>, %arg3: memref<4x8xf32, #tpu.memory_space<vmem>>, %arg4: memref<1x8xf32, #tpu.memory_space<vmem>>, %arg5: memref<10240x8xf32, #tpu.memory_space<vmem>>) attributes {dimension_semantics = [], scalar_prefetch = 0 : i64, scratch_operands = 0 : i64, tpu.core_type = #tpu.core_type<tc>} {
    %get3A = arith.constant 0 : index
    %get3A_0 = arith.constant 0 : index
    %get3A_1 = vector.load %arg2[%get3A, %get3A_0] : memref<10240x1xf32, #tpu.memory_space<vmem>>, vector<10240x1xf32>
    %get3A_2 = arith.constant 0 : index
    %get3A_3 = arith.constant 0 : index
    %get3A_4 = arith.constant 0 : index
    %get3A_5 = vector.load %arg0[%get3A_2, %get3A_3, %get3A_4] : memref<2x10240x4xf32, #tpu.memory_space<vmem>>, vector<1x10240x4xf32>
    %get3A_6 = vector.shape_cast %get3A_5 : vector<1x10240x4xf32> to vector<10240x4xf32>
    %get3A_7 = arith.constant 1 : index
    %get3A_8 = arith.constant 0 : index
    %get3A_9 = arith.constant 0 : index
    %get3A_10 = vector.load %arg0[%get3A_7, %get3A_8, %get3A_9] : memref<2x10240x4xf32, #tpu.memory_space<vmem>>, vector<1x10240x4xf32>
    %get3A_11 = vector.shape_cast %get3A_10 : vector<1x10240x4xf32> to vector<10240x4xf32>
    %add3A = arith.addf %get3A_6, %get3A_11 : vector<10240x4xf32>
    %get3A_12 = arith.constant 0 : index
    %get3A_13 = arith.constant 0 : index
    %get3A_14 = vector.load %arg1[%get3A_12, %get3A_13] : memref<10240x4xf32, #tpu.memory_space<vmem>>, vector<10240x4xf32>
    %add3A_15 = arith.addf %add3A, %get3A_14 : vector<10240x4xf32>
    %mul3A = vector.broadcast %get3A_1 : vector<10240x1xf32> to vector<10240x4xf32>
    %mul3A_16 = arith.mulf %mul3A, %add3A_15 : vector<10240x4xf32>
    %get3A_17 = arith.constant 0 : index
    %get3A_18 = arith.constant 0 : index
    %get3A_19 = vector.load %arg3[%get3A_17, %get3A_18] : memref<4x8xf32, #tpu.memory_space<vmem>>, vector<4x8xf32>
    %dot_general3A = arith.constant dense<0.000000e+00> : vector<10240x8xf32>
    %dot_general3A_20 = tpu.matmul %mul3A_16, %get3A_19, %dot_general3A {dimension_numbers = #tpu.dot_dimension_numbers<[1], [0], [0], [1], [0, 0, 1, 1], [], []>, transpose_lhs_hint = false} : vector<10240x4xf32>, vector<4x8xf32>, vector<10240x8xf32> -> vector<10240x8xf32>
    %get3A_21 = arith.constant 0 : index
    %get3A_22 = arith.constant 0 : index
    %get3A_23 = vector.load %arg4[%get3A_21, %get3A_22] : memref<1x8xf32, #tpu.memory_space<vmem>>, vector<1x8xf32>
    %add3A_24 = vector.broadcast %get3A_23 : vector<1x8xf32> to vector<10240x8xf32>
    %add3A_25 = arith.addf %dot_general3A_20, %add3A_24 : vector<10240x8xf32>
    %max3A = arith.constant 0.000000e+00 : f32
    %max3A_26 = vector.broadcast %max3A : f32 to vector<10240x8xf32>
    %max3A_27 = arith.maximumf %add3A_25, %max3A_26 : vector<10240x8xf32>
    %iota3A = tpu.iota {dimensions = array<i32: 0>} : vector<10240x1xi32>
    %lt3A = arith.constant 10000 : i32
    %lt3A_28 = vector.broadcast %lt3A : i32 to vector<10240x1xi32>
    %lt3A_29 = arith.cmpi slt, %iota3A, %lt3A_28 : vector<10240x1xi32>
    %convert_element_type3A = arith.extui %lt3A_29 : vector<10240x1xi1> to vector<10240x1xi32>
    %convert_element_type3A_30 = arith.sitofp %convert_element_type3A : vector<10240x1xi32> to vector<10240x1xf32>
    %mul3A_31 = vector.broadcast %get3A_1 : vector<10240x1xf32> to vector<10240x8xf32>
    %mul3A_32 = arith.mulf %mul3A_31, %max3A_27 : vector<10240x8xf32>
    %mul3A_33 = vector.broadcast %convert_element_type3A_30 : vector<10240x1xf32> to vector<10240x8xf32>
    %mul3A_34 = arith.mulf %mul3A_33, %mul3A_32 : vector<10240x8xf32>
    %swap3A = arith.constant 0 : index
    %swap3A_35 = arith.constant 0 : index
    %swap3A_36 = vector.load %arg5[%swap3A, %swap3A_35] : memref<10240x8xf32, #tpu.memory_space<vmem>>, vector<10240x8xf32>
    tpu.vector_store %arg5[%swap3A, %swap3A_35], %mul3A_34 {strides = array<i32>} : memref<10240x8xf32, #tpu.memory_space<vmem>>, vector<10240x8xf32>,
    return
  }
}

module attributes {stable_mosaic.version = 14 : i64} {
  func.func @body(%arg0: memref<2x10240x8xf32, #tpu.memory_space<vmem>>, %arg1: memref<10240x8xf32, #tpu.memory_space<vmem>>, %arg2: memref<10240x1xf32, #tpu.memory_space<vmem>>, %arg3: memref<8x32xf32, #tpu.memory_space<vmem>>, %arg4: memref<1x32xf32, #tpu.memory_space<vmem>>, %arg5: memref<10240x32xf32, #tpu.memory_space<vmem>>) attributes {dimension_semantics = [], scalar_prefetch = 0 : i64, scratch_operands = 0 : i64, tpu.core_type = #tpu.core_type<tc>} {
    %get3A = arith.constant 0 : index
    %get3A_0 = arith.constant 0 : index
    %get3A_1 = vector.load %arg2[%get3A, %get3A_0] : memref<10240x1xf32, #tpu.memory_space<vmem>>, vector<10240x1xf32>
    %get3A_2 = arith.constant 0 : index
    %get3A_3 = arith.constant 0 : index
    %get3A_4 = arith.constant 0 : index
    %get3A_5 = vector.load %arg0[%get3A_2, %get3A_3, %get3A_4] : memref<2x10240x8xf32, #tpu.memory_space<vmem>>, vector<1x10240x8xf32>
    %get3A_6 = vector.shape_cast %get3A_5 : vector<1x10240x8xf32> to vector<10240x8xf32>
    %get3A_7 = arith.constant 1 : index
    %get3A_8 = arith.constant 0 : index
    %get3A_9 = arith.constant 0 : index
    %get3A_10 = vector.load %arg0[%get3A_7, %get3A_8, %get3A_9] : memref<2x10240x8xf32, #tpu.memory_space<vmem>>, vector<1x10240x8xf32>
    %get3A_11 = vector.shape_cast %get3A_10 : vector<1x10240x8xf32> to vector<10240x8xf32>
    %add3A = arith.addf %get3A_6, %get3A_11 : vector<10240x8xf32>
    %get3A_12 = arith.constant 0 : index
    %get3A_13 = arith.constant 0 : index
    %get3A_14 = vector.load %arg1[%get3A_12, %get3A_13] : memref<10240x8xf32, #tpu.memory_space<vmem>>, vector<10240x8xf32>
    %add3A_15 = arith.addf %add3A, %get3A_14 : vector<10240x8xf32>
    %mul3A = vector.broadcast %get3A_1 : vector<10240x1xf32> to vector<10240x8xf32>
    %mul3A_16 = arith.mulf %mul3A, %add3A_15 : vector<10240x8xf32>
    %get3A_17 = arith.constant 0 : index
    %get3A_18 = arith.constant 0 : index
    %get3A_19 = vector.load %arg3[%get3A_17, %get3A_18] : memref<8x32xf32, #tpu.memory_space<vmem>>, vector<8x32xf32>
    %dot_general3A = arith.constant dense<0.000000e+00> : vector<10240x32xf32>
    %dot_general3A_20 = tpu.matmul %mul3A_16, %get3A_19, %dot_general3A {dimension_numbers = #tpu.dot_dimension_numbers<[1], [0], [0], [1], [0, 0, 1, 1], [], []>, transpose_lhs_hint = false} : vector<10240x8xf32>, vector<8x32xf32>, vector<10240x32xf32> -> vector<10240x32xf32>
    %get3A_21 = arith.constant 0 : index
    %get3A_22 = arith.constant 0 : index
    %get3A_23 = vector.load %arg4[%get3A_21, %get3A_22] : memref<1x32xf32, #tpu.memory_space<vmem>>, vector<1x32xf32>
    %add3A_24 = vector.broadcast %get3A_23 : vector<1x32xf32> to vector<10240x32xf32>
    %add3A_25 = arith.addf %dot_general3A_20, %add3A_24 : vector<10240x32xf32>
    %max3A = arith.constant 0.000000e+00 : f32
    %max3A_26 = vector.broadcast %max3A : f32 to vector<10240x32xf32>
    %max3A_27 = arith.maximumf %add3A_25, %max3A_26 : vector<10240x32xf32>
    %iota3A = tpu.iota {dimensions = array<i32: 0>} : vector<10240x1xi32>
    %lt3A = arith.constant 10000 : i32
    %lt3A_28 = vector.broadcast %lt3A : i32 to vector<10240x1xi32>
    %lt3A_29 = arith.cmpi slt, %iota3A, %lt3A_28 : vector<10240x1xi32>
    %convert_element_type3A = arith.extui %lt3A_29 : vector<10240x1xi1> to vector<10240x1xi32>
    %convert_element_type3A_30 = arith.sitofp %convert_element_type3A : vector<10240x1xi32> to vector<10240x1xf32>
    %mul3A_31 = vector.broadcast %get3A_1 : vector<10240x1xf32> to vector<10240x32xf32>
    %mul3A_32 = arith.mulf %mul3A_31, %max3A_27 : vector<10240x32xf32>
    %mul3A_33 = vector.broadcast %convert_element_type3A_30 : vector<10240x1xf32> to vector<10240x32xf32>
    %mul3A_34 = arith.mulf %mul3A_33, %mul3A_32 : vector<10240x32xf32>
    %swap3A = arith.constant 0 : index
    %swap3A_35 = arith.constant 0 : index
    %swap3A_36 = vector.load %arg5[%swap3A, %swap3A_35] : memref<10240x32xf32, #tpu.memory_space<vmem>>, vector<10240x32xf32>
    tpu.vector_store %arg5[%swap3A, %swap3A_35], %mul3A_34 {strides = array<i32>} : memref<10240x32xf32, #tpu.memory_space<vmem>>, vector<10240x32xf32>,
    return
  }
}

module attributes {stable_mosaic.version = 14 : i64} {
  func.func @body(%arg0: memref<2x10240x32xf32, #tpu.memory_space<vmem>>, %arg1: memref<10240x32xf32, #tpu.memory_space<vmem>>, %arg2: memref<10240x1xf32, #tpu.memory_space<vmem>>, %arg3: memref<32x128xf32, #tpu.memory_space<vmem>>, %arg4: memref<1x128xf32, #tpu.memory_space<vmem>>, %arg5: memref<2x10240x64xf32, #tpu.memory_space<vmem>>) attributes {dimension_semantics = [], scalar_prefetch = 0 : i64, scratch_operands = 0 : i64, tpu.core_type = #tpu.core_type<tc>} {
    %get3A = arith.constant 0 : index
    %get3A_0 = arith.constant 0 : index
    %get3A_1 = vector.load %arg2[%get3A, %get3A_0] : memref<10240x1xf32, #tpu.memory_space<vmem>>, vector<10240x1xf32>
    %get3A_2 = arith.constant 0 : index
    %get3A_3 = arith.constant 0 : index
    %get3A_4 = arith.constant 0 : index
    %get3A_5 = vector.load %arg0[%get3A_2, %get3A_3, %get3A_4] : memref<2x10240x32xf32, #tpu.memory_space<vmem>>, vector<1x10240x32xf32>
    %get3A_6 = vector.shape_cast %get3A_5 : vector<1x10240x32xf32> to vector<10240x32xf32>
    %get3A_7 = arith.constant 1 : index
    %get3A_8 = arith.constant 0 : index
    %get3A_9 = arith.constant 0 : index
    %get3A_10 = vector.load %arg0[%get3A_7, %get3A_8, %get3A_9] : memref<2x10240x32xf32, #tpu.memory_space<vmem>>, vector<1x10240x32xf32>
    %get3A_11 = vector.shape_cast %get3A_10 : vector<1x10240x32xf32> to vector<10240x32xf32>
    %add3A = arith.addf %get3A_6, %get3A_11 : vector<10240x32xf32>
    %get3A_12 = arith.constant 0 : index
    %get3A_13 = arith.constant 0 : index
    %get3A_14 = vector.load %arg1[%get3A_12, %get3A_13] : memref<10240x32xf32, #tpu.memory_space<vmem>>, vector<10240x32xf32>
    %add3A_15 = arith.addf %add3A, %get3A_14 : vector<10240x32xf32>
    %mul3A = vector.broadcast %get3A_1 : vector<10240x1xf32> to vector<10240x32xf32>
    %mul3A_16 = arith.mulf %mul3A, %add3A_15 : vector<10240x32xf32>
    %get3A_17 = arith.constant 0 : index
    %get3A_18 = arith.constant 0 : index
    %get3A_19 = vector.load %arg3[%get3A_17, %get3A_18] : memref<32x128xf32, #tpu.memory_space<vmem>>, vector<32x128xf32>
    %dot_general3A = arith.constant dense<0.000000e+00> : vector<10240x128xf32>
    %dot_general3A_20 = tpu.matmul %mul3A_16, %get3A_19, %dot_general3A {dimension_numbers = #tpu.dot_dimension_numbers<[1], [0], [0], [1], [0, 0, 1, 1], [], []>, transpose_lhs_hint = false} : vector<10240x32xf32>, vector<32x128xf32>, vector<10240x128xf32> -> vector<10240x128xf32>
    %get3A_21 = arith.constant 0 : index
    %get3A_22 = arith.constant 0 : index
    %get3A_23 = vector.load %arg4[%get3A_21, %get3A_22] : memref<1x128xf32, #tpu.memory_space<vmem>>, vector<1x128xf32>
    %add3A_24 = vector.broadcast %get3A_23 : vector<1x128xf32> to vector<10240x128xf32>
    %add3A_25 = arith.addf %dot_general3A_20, %add3A_24 : vector<10240x128xf32>
    %max3A = arith.constant 0.000000e+00 : f32
    %max3A_26 = vector.broadcast %max3A : f32 to vector<10240x128xf32>
    %max3A_27 = arith.maximumf %add3A_25, %max3A_26 : vector<10240x128xf32>
    %iota3A = tpu.iota {dimensions = array<i32: 0>} : vector<10240x1xi32>
    %lt3A = arith.constant 10000 : i32
    %lt3A_28 = vector.broadcast %lt3A : i32 to vector<10240x1xi32>
    %lt3A_29 = arith.cmpi slt, %iota3A, %lt3A_28 : vector<10240x1xi32>
    %convert_element_type3A = arith.extui %lt3A_29 : vector<10240x1xi1> to vector<10240x1xi32>
    %convert_element_type3A_30 = arith.sitofp %convert_element_type3A : vector<10240x1xi32> to vector<10240x1xf32>
    %mul3A_31 = vector.broadcast %get3A_1 : vector<10240x1xf32> to vector<10240x128xf32>
    %mul3A_32 = arith.mulf %mul3A_31, %max3A_27 : vector<10240x128xf32>
    %mul3A_33 = vector.broadcast %convert_element_type3A_30 : vector<10240x1xf32> to vector<10240x128xf32>
    %mul3A_34 = arith.mulf %mul3A_33, %mul3A_32 : vector<10240x128xf32>
    %slice3A = vector.extract_strided_slice %mul3A_34 {offsets = [0, 0], sizes = [10240, 64], strides = [1, 1]} : vector<10240x128xf32> to vector<10240x64xf32>
    %swap3A = arith.constant 0 : index
    %swap3A_35 = arith.constant 0 : index
    %swap3A_36 = arith.constant 0 : index
    %swap3A_37 = vector.load %arg5[%swap3A, %swap3A_35, %swap3A_36] : memref<2x10240x64xf32, #tpu.memory_space<vmem>>, vector<1x10240x64xf32>
    %swap3A_38 = vector.shape_cast %swap3A_37 : vector<1x10240x64xf32> to vector<10240x64xf32>
    %swap3A_39 = vector.shape_cast %slice3A : vector<10240x64xf32> to vector<1x10240x64xf32>
    tpu.vector_store %arg5[%swap3A, %swap3A_35, %swap3A_36], %swap3A_39 {strides = array<i32>} : memref<2x10240x64xf32, #tpu.memory_space<vmem>>, vector<1x10240x64xf32>,
    %slice3A_40 = vector.extract_strided_slice %mul3A_34 {offsets = [0, 64], sizes = [10240, 64], strides = [1, 1]} : vector<10240x128xf32> to vector<10240x64xf32>
    %swap3A_41 = arith.constant 1 : index
    %swap3A_42 = arith.constant 0 : index
    %swap3A_43 = arith.constant 0 : index
    %swap3A_44 = vector.load %arg5[%swap3A_41, %swap3A_42, %swap3A_43] : memref<2x10240x64xf32, #tpu.memory_space<vmem>>, vector<1x10240x64xf32>
    %swap3A_45 = vector.shape_cast %swap3A_44 : vector<1x10240x64xf32> to vector<10240x64xf32>
    %swap3A_46 = vector.shape_cast %slice3A_40 : vector<10240x64xf32> to vector<1x10240x64xf32>
    tpu.vector_store %arg5[%swap3A_41, %swap3A_42, %swap3A_43], %swap3A_46 {strides = array<i32>} : memref<2x10240x64xf32, #tpu.memory_space<vmem>>, vector<1x10240x64xf32>,
    return
  }
}

module attributes {stable_mosaic.version = 14 : i64} {
  func.func @body(%arg0: memref<2x10240x64xf32, #tpu.memory_space<vmem>>, %arg1: memref<2x10240x64xf32, #tpu.memory_space<vmem>>, %arg2: memref<10240x1xf32, #tpu.memory_space<vmem>>, %arg3: memref<128x256xf32, #tpu.memory_space<vmem>>, %arg4: memref<1x256xf32, #tpu.memory_space<vmem>>, %arg5: memref<10240x1xi32, #tpu.memory_space<vmem>>, %arg6: memref<64x256xf32, #tpu.memory_space<vmem>>) attributes {dimension_semantics = [], scalar_prefetch = 0 : i64, scratch_operands = 0 : i64, tpu.core_type = #tpu.core_type<tc>} {
    %get3A = arith.constant 0 : index
    %get3A_0 = arith.constant 0 : index
    %get3A_1 = vector.load %arg2[%get3A, %get3A_0] : memref<10240x1xf32, #tpu.memory_space<vmem>>, vector<10240x1xf32>
    %get3A_2 = arith.constant 0 : index
    %get3A_3 = arith.constant 0 : index
    %get3A_4 = arith.constant 0 : index
    %get3A_5 = vector.load %arg0[%get3A_2, %get3A_3, %get3A_4] : memref<2x10240x64xf32, #tpu.memory_space<vmem>>, vector<2x10240x64xf32>
    %get3A_6 = arith.constant 0 : index
    %get3A_7 = arith.constant 0 : index
    %get3A_8 = arith.constant 0 : index
    %get3A_9 = vector.load %arg1[%get3A_6, %get3A_7, %get3A_8] : memref<2x10240x64xf32, #tpu.memory_space<vmem>>, vector<2x10240x64xf32>
    %add3A = arith.addf %get3A_5, %get3A_9 : vector<2x10240x64xf32>
    %broadcast_in_dim3A = vector.shape_cast %get3A_1 : vector<10240x1xf32> to vector<1x10240x1xf32>
    %mul3A = vector.broadcast %broadcast_in_dim3A : vector<1x10240x1xf32> to vector<2x10240x64xf32>
    %mul3A_10 = arith.mulf %mul3A, %add3A : vector<2x10240x64xf32>
    %slice3A = vector.extract_strided_slice %mul3A_10 {offsets = [0, 0, 0], sizes = [1, 10240, 64], strides = [1, 1, 1]} : vector<2x10240x64xf32> to vector<1x10240x64xf32>
    %squeeze3A = vector.shape_cast %slice3A : vector<1x10240x64xf32> to vector<10240x64xf32>
    %slice3A_11 = vector.extract_strided_slice %mul3A_10 {offsets = [1, 0, 0], sizes = [1, 10240, 64], strides = [1, 1, 1]} : vector<2x10240x64xf32> to vector<1x10240x64xf32>
    %squeeze3A_12 = vector.shape_cast %slice3A_11 : vector<1x10240x64xf32> to vector<10240x64xf32>
    %concatenate3A = tpu.concatenate %squeeze3A, %squeeze3A_12 in 1 : vector<10240x64xf32>, vector<10240x64xf32> -> vector<10240x128xf32>
    %get3A_13 = arith.constant 0 : index
    %get3A_14 = arith.constant 0 : index
    %get3A_15 = vector.load %arg3[%get3A_13, %get3A_14] : memref<128x256xf32, #tpu.memory_space<vmem>>, vector<128x256xf32>
    %dot_general3A = arith.constant dense<0.000000e+00> : vector<10240x256xf32>
    %dot_general3A_16 = tpu.matmul %concatenate3A, %get3A_15, %dot_general3A {dimension_numbers = #tpu.dot_dimension_numbers<[1], [0], [0], [1], [0, 0, 1, 1], [], []>, transpose_lhs_hint = false} : vector<10240x128xf32>, vector<128x256xf32>, vector<10240x256xf32> -> vector<10240x256xf32>
    %get3A_17 = arith.constant 0 : index
    %get3A_18 = arith.constant 0 : index
    %get3A_19 = vector.load %arg4[%get3A_17, %get3A_18] : memref<1x256xf32, #tpu.memory_space<vmem>>, vector<1x256xf32>
    %add3A_20 = vector.broadcast %get3A_19 : vector<1x256xf32> to vector<10240x256xf32>
    %add3A_21 = arith.addf %dot_general3A_16, %add3A_20 : vector<10240x256xf32>
    %max3A = arith.constant 0.000000e+00 : f32
    %max3A_22 = vector.broadcast %max3A : f32 to vector<10240x256xf32>
    %max3A_23 = arith.maximumf %add3A_21, %max3A_22 : vector<10240x256xf32>
    %iota3A = tpu.iota {dimensions = array<i32: 1>} : vector<10240x64xi32>
    %iota3A_24 = tpu.iota {dimensions = array<i32: 0>} : vector<10240x64xi32>
    %get3A_25 = arith.constant 0 : index
    %get3A_26 = arith.constant 0 : index
    %get3A_27 = vector.load %arg5[%get3A_25, %get3A_26] : memref<10240x1xi32, #tpu.memory_space<vmem>>, vector<10240x1xi32>
    %eq3A = vector.broadcast %get3A_27 : vector<10240x1xi32> to vector<10240x64xi32>
    %eq3A_28 = arith.cmpi eq, %eq3A, %iota3A : vector<10240x64xi32>
    %lt3A = arith.constant 10000 : i32
    %lt3A_29 = vector.broadcast %lt3A : i32 to vector<10240x64xi32>
    %lt3A_30 = arith.cmpi slt, %iota3A_24, %lt3A_29 : vector<10240x64xi32>
    %and3A = arith.andi %eq3A_28, %lt3A_30 : vector<10240x64xi1>
    %convert_element_type3A = arith.extui %and3A : vector<10240x64xi1> to vector<10240x64xi32>
    %convert_element_type3A_31 = arith.sitofp %convert_element_type3A : vector<10240x64xi32> to vector<10240x64xf32>
    %dot_general3A_32 = arith.constant dense<0.000000e+00> : vector<64x256xf32>
    %dot_general3A_33 = tpu.matmul %convert_element_type3A_31, %max3A_23, %dot_general3A_32 {dimension_numbers = #tpu.dot_dimension_numbers<[0], [0], [1], [1], [0, 1, 1, 1], [], []>, transpose_lhs_hint = false} : vector<10240x64xf32>, vector<10240x256xf32>, vector<64x256xf32> -> vector<64x256xf32>
    %reduce_sum3A = arith.constant dense<0.000000e+00> : vector<64xf32>
    %reduce_sum3A_34 = vector.multi_reduction <add>, %convert_element_type3A_31, %reduce_sum3A [0] : vector<10240x64xf32> to vector<64xf32>
    %broadcast_in_dim3A_35 = vector.shape_cast %reduce_sum3A_34 : vector<64xf32> to vector<64x1xf32>
    %max3A_36 = arith.constant 1.000000e+00 : f32
    %max3A_37 = vector.broadcast %max3A_36 : f32 to vector<64x1xf32>
    %max3A_38 = arith.maximumf %broadcast_in_dim3A_35, %max3A_37 : vector<64x1xf32>
    %div3A = vector.broadcast %max3A_38 : vector<64x1xf32> to vector<64x256xf32>
    %div3A_39 = arith.divf %dot_general3A_33, %div3A : vector<64x256xf32>
    %swap3A = arith.constant 0 : index
    %swap3A_40 = arith.constant 0 : index
    %swap3A_41 = vector.load %arg6[%swap3A, %swap3A_40] : memref<64x256xf32, #tpu.memory_space<vmem>>, vector<64x256xf32>
    tpu.vector_store %arg6[%swap3A, %swap3A_40], %div3A_39 {strides = array<i32>} : memref<64x256xf32, #tpu.memory_space<vmem>>, vector<64x256xf32>,
    return
  }
}

</mosaic_0001>

<sc_bundles>
// kernel: kernel.14.cloned.1.call-start
scs
__scs_entry_jumppad:
0x0: {  	(pc) =	sbr.rel $0x88, $3  }
0x1: {  	(tag) =	ssettag $0x0;
	lr =	simm.s32 $0x1  }
0x2: {  	[smem:$0x3F94] =	sst lr;
	_ =	strace $0xD0000000  }
0x3: {  	_ = 	snop  }
0x4: {  	_ = 	snop  }
0x5: {  	_ = 	snop  }
0x6: {  	_ = 	snop  }
0x7: {  	_ = 	snop  }
__scs_overlays_trampoline_lowered:
0x8: {  	[smem:$0x3FA3] =	sst s0  }
0x9: {  	[smem:$0x3FA4] =	sst s1  }
0xa: {  	[smem:$0x3FA5] =	sst s2  }
0xb: {  	[smem:$0x3FA6] =	sst s3  }
0xc: {  	[smem:$0x3FA7] =	sst s4  }
0xd: {  	[smem:$0x3FA8] =	sst s5  }
0xe: {  	[smem:$0x3FA9] =	sst s6  }
0xf: {  	[smem:$0x3FAA] =	sst s7  }
0x10: {  	[smem:$0x3FAB] =	sst s8  }
0x11: {  	[smem:$0x3FAC] =	sst s9;
	s0 =	simm.s32 @!p0 $0x0  }
0x12: {  	s1 =	sld [smem:$0x3F92];
	s0 =	simm.s32 @p0 $0x1  }
0x13: {  	[smem:$0x3FAD] =	sst s0;
	s0 =	simm.s32 @!p1 $0x0  }
0x14: {  	s2 =	sld [smem:$0x3F91];
	s0 =	simm.s32 @p1 $0x1  }
0x15: {  	[smem:$0x3FAE] =	sst s0;
	s0 =	simm.s32 @!p2 $0x0  }
0x16: {  	s3 =	sld [smem:$0x3FDB];
	s0 =	simm.s32 @p2 $0x1  }
0x17: {  	s4 =	simm.s32 $0x1BF5;
	[smem:$0x3FB0] =	sst s0  }
0x18: {  	s0 =	sld [smem:$0x3F93];
	_ =	swait.ge [sflag:s4], $0x0  }
0x19: {  	s7 =	sld [smem:$0x3F94]  }
0x1a: {  	s8 =	sadd.s32 $0xFFFFE003, lr  }
0x1b: {  	s9 =	sadd.s32 $0xFFFFFEF7, lr;
	s5 =	simm.s32 $0xFFFFFFFF;
	p2 =	slt.u32 s8, $0xFFFFF086  }
0x1c: {  	p1 =	slt.u32 s9, $0xF7A;
	s5 =	simm.s32 @!p2 $0x0  }
0x1d: {  	s5 =	simm.s32 @p1 $0x1;
	p0 =	seq.s32 s7, s2  }
0x1e: {  	s7 =	smul.u32 @!p0 $0xF7A, s2;
	p2 =	seq.s32 @!p0 s5, $0x0  }
0x1f: {  	s9 =	smul.u32 $0xF7A, s1;
	s8 =	simm.s32 @!p0 $0x1BF5;
	p2 =	por !p2, p0  }
0x20: {  	[sflag:s8] =	ssyncset.s32 @!p0 $0xFFFFF086;
	s6 =	sadd.s32 @!p0 s3, s7;
	s7 =	simm.s32 @!p0 $0x108  }
0x21: {  	s3 =	sadd.s32 s3, s9;
	s6 =	sadd.s32 @!p0 $0x88, s6;
	s7 =	simm.s32 @p2 $0x1082  }
0x22: {  	[simem:s7], [sflag:s8] =	dma.local @!p0 [hbm:s6], $0xF7A  }
0x23: {  	s9 =	sor.u32 $0xD0000000, s2;
	s6 =	simm.s32 $0x108;
	_ =	swait.ge @!p0 [sflag:s8], $0x0  }
0x24: {  	s3 =	sadd.s32 $0x88, s3;
	s6 =	simm.s32 @!p1 $0x1082;
	[sflag:s4] =	ssyncset.s32 $0xFFFFF086  }
0x25: {  	[simem:s6], [sflag:s4] =	dma.local [hbm:s3], $0xF7A  }
0x26: {  	[smem:$0x3F94] =	sst s1;
	(tag) =	ssettag s2;
	_ =	strace s9  }
0x27: {  	s1 =	sld [smem:$0x3FA4]  }
0x28: {  	s2 =	sld [smem:$0x3FA5]  }
0x29: {  	s4 =	sld [smem:$0x3FA7]  }
0x2a: {  	p0 =	seq.s32 s5, $0x0;
	s5 =	sld [smem:$0x3FA8]  }
0x2b: {  	s6 =	sld [smem:$0x3FA9]  }
0x2c: {  	s7 =	sld [smem:$0x3FAA]  }
0x2d: {  	s3 =	simm.s32 $0x108;
	s8 =	sld [smem:$0x3FAB]  }
0x2e: {  	s3 =	simm.s32 @!p0 $0x1082;
	s9 =	sld [smem:$0x3FAC]  }
0x2f: {  	lr =	sadd.s32 s0, s3;
	s0 =	sld [smem:$0x3FA3]  }
0x30: {  	s3 =	sld [smem:$0x3FA6]  }
0x31: {  	[smem:$0x3FAF] =	sst s10  }
0x32: {  	s10 =	sld [smem:$0x3FAD];
	_ =	sdelay $0x3  }
0x33: {  	p0 =	seq.s32 s10, $0x1;
	s10 =	sld [smem:$0x3FAF];
	_ =	sdelay $0x3  }
0x34: {  	[smem:$0x3FAF] =	sst s10  }
0x35: {  	s10 =	sld [smem:$0x3FAE];
	_ =	sdelay $0x3  }
0x36: {  	p1 =	seq.s32 s10, $0x1;
	s10 =	sld [smem:$0x3FAF];
	_ =	sdelay $0x3  }
0x37: {  	[smem:$0x3FAF] =	sst s10  }
0x38: {  	s10 =	sld [smem:$0x3FB0]  }
0x39: {  	_ = 	snop;
	(pc) =	sbr.ind lr, $3  }
0x3a: {  	_ = 	snop  }
0x3b: {  	_ = 	snop  }
0x3c: {  	p2 =	seq.s32 s10, $0x1;
	s10 =	sld [smem:$0x3FAF]  }
0x3d: {  	_ =	shalt  }
0x3e: {  	_ =	shalt  }
0x3f: {  	_ =	shalt  }
0x40: {  	_ =	shalt  }
0x41: {  	_ =	shalt  }
0x42: {  	_ =	shalt  }
0x43: {  	_ =	shalt  }
0x44: {  	_ =	shalt  }
0x45: {  	_ =	shalt  }
0x46: {  	_ =	shalt  }
0x47: {  	_ =	shalt  }
0x48: {  	_ =	shalt  }
0x49: {  	_ =	shalt  }
0x4a: {  	_ =	shalt  }
0x4b: {  	_ =	shalt  }
0x4c: {  	_ =	shalt  }
0x4d: {  	_ =	shalt  }
0x4e: {  	_ =	shalt  }
0x4f: {  	_ =	shalt  }
0x50: {  	_ =	shalt  }
0x51: {  	_ =	shalt  }
0x52: {  	_ =	shalt  }
0x53: {  	_ =	shalt  }
0x54: {  	_ =	shalt  }
0x55: {  	_ =	shalt  }
0x56: {  	_ =	shalt  }
0x57: {  	_ =	shalt  }
0x58: {  	_ =	shalt  }
0x59: {  	_ =	shalt  }
0x5a: {  	_ =	shalt  }
0x5b: {  	_ =	shalt  }
0x5c: {  	_ =	shalt  }
0x5d: {  	_ =	shalt  }
0x5e: {  	_ =	shalt  }
0x5f: {  	_ =	shalt  }
0x60: {  	_ =	shalt  }
0x61: {  	_ =	shalt  }
0x62: {  	_ =	shalt  }
0x63: {  	_ =	shalt  }
0x64: {  	_ =	shalt  }
0x65: {  	_ =	shalt  }
0x66: {  	_ =	shalt  }
0x67: {  	_ =	shalt  }
0x68: {  	_ =	shalt  }
0x69: {  	_ =	shalt  }
0x6a: {  	_ =	shalt  }
0x6b: {  	_ =	shalt  }
0x6c: {  	_ =	shalt  }
0x6d: {  	_ =	shalt  }
0x6e: {  	_ =	shalt  }
0x6f: {  	_ =	shalt  }
0x70: {  	_ =	shalt  }
0x71: {  	_ =	shalt  }
0x72: {  	_ =	shalt  }
0x73: {  	_ =	shalt  }
0x74: {  	_ =	shalt  }
0x75: {  	_ =	shalt  }
0x76: {  	_ =	shalt  }
0x77: {  	_ =	shalt  }
0x78: {  	_ =	shalt  }
0x79: {  	_ =	shalt  }
0x7a: {  	_ =	shalt  }
0x7b: {  	_ =	shalt  }
0x7c: {  	_ =	shalt  }
0x7d: {  	_ =	shalt  }
0x7e: {  	_ =	shalt  }
0x7f: {  	_ =	shalt  }
0x80: {  	_ =	shalt  }
0x81: {  	_ =	shalt  }
0x82: {  	_ =	shalt  }
0x83: {  	_ =	shalt  }
0x84: {  	_ =	shalt  }
0x85: {  	_ =	shalt  }
0x86: {  	_ =	shalt  }
0x87: {  	_ =	shalt  }
.Lfunc_end0:
.L_simem_size_0:
called_computation_lowered:
.L_overlay_start_0:
0x88: {  	s2 =	sld [smem:$0x3FD9]  }
0x89: {  	s3 =	sld [smem:$0x3FFE];
	_ =	sdelay $0x1  }
0x8a: {  	s1 =	srdreg.scid  }
0x8b: {  	s0 =	sand.u32 $0x1, s1  }
0x8c: {  	s16 =	sshll.u32 s0, $0xA;
	s2 =	sadd.s32 s3, s2  }
0x8d: {  	s2 =	sadd.s32 s2, s16  }
0x8e: {  	[smem:$0x3FBB] =	sst s2  }
0x8f: {  	_ = 	snop  }
0x90: {  	(tm) =	ssettm $0x1  }
0x91: {  	s17 =	sld [smem:$0x3FFB];
	_ =	sdelay $0x3  }
0x92: {  	_ =	strace s17  }
0x93: {  	s2 =	sld [smem:$0x3FFC];
	_ =	sdelay $0x3  }
0x94: {  	_ =	strace s2  }
0x95: {  	s2 =	sld [smem:$0x3FFD];
	_ =	sdelay $0x3  }
0x96: {  	_ =	strace s2  }
0x97: {  	_ =	strace $0x8FFFFFFF  }
0x98: {  	s18 =	sld [smem:$0x3FDB];
	_ =	sdelay $0x1  }
0x99: {  	s19 =	simm.s32 $_scs_section_size  }
0x9a: {  	s4 =	simm.s32 $_size__tile_overlayer_lowered;
	s5 =	simm.s32 $_tile_overlayer_lowered  }
0x9b: {  	s22 =	simm.s32 $0x1BFF;
	s21 =	sshll.u32 s5, $0x1;
	s2 =	sadd.s32 s19, s18  }
0x9c: {  	s6 =	simm.s32 $0x0;
	s20 =	sshll.u32 s4, $0x1;
	s4 =	sadd.s32 s21, s2  }
0x9d: {  	[timem:s6], [sflag:s22] =	dma.local [hbm:s4], s20  }
0x9e: {  	_ =	swait.ge [sflag:s22], s20  }
0x9f: {  	s3 =	ssub.s32 $0x0, s20;
	[sflag:s22] =	ssyncset.done $0x0  }
0xa0: {  	[sflag:s22] =	ssyncadd.s32 s3;
	_ =	sdelay $0x1  }
0xa1: {  	s23 =	simm.s32 $0x1B8B  }
0xa2: {  	_ =	swait.ge [sflag:s23], $0x1  }
0xa3: {  	[sflag:s23] =	ssyncset.done $0x0  }
0xa4: {  	s25 =	simm.s32 $0x1B8E;
	s24 =	sld [smem:$0x3FFE];
	[sflag:s23] =	ssyncadd.s32 $0xFFFFFFFF  }
0xa5: {  	s26 =	simm.s32 $execute0_lowered;
	[smem:$0x3FD2] =	sst s25  }
0xa6: {  	s4 =	sshll.u32 s26, $0x1;
	_ =	strace $0x80000046;
	[dreg:$0x1] =	wrdreg $0xFFFFFFFF  }
0xa7: {  	s28 =	simm.s32 $_size_execute0_lowered;
	s2 =	sadd.s32 s2, s4;
	[dreg:$0x0] =	wrdreg $0x0  }
0xa8: {  	s4 =	sshll.u32 s28, $0x1;
	[dreg:$0x2] =	wrdreg s2  }
0xa9: {  	[dreg:$0x3] =	wrdreg s4  }
0xaa: {  	[dreg:$0x4] =	wrdreg $0xC0  }
0xab: {  	_ =	task [dreg:s6], $0x5FFFF  }
0xac: {  	[dreg:$0x1] =	wrdreg $0xFFFFFFFF  }
0xad: {  	[dreg:$0x0] =	wrdreg $0x60  }
0xae: {  	[dreg:$0x2] =	wrdreg s24  }
0xaf: {  	[dreg:$0x3] =	wrdreg $0x58000  }
0xb0: {  	[dreg:$0x4] =	wrdreg $0x9  }
0xb1: {  	_ =	task.clear_ibuf [dreg:s6], $0x5FFFF;
	_ =	strace $0x90000046  }
0xb2: {  	s29 =	simm.s32 $0x9;
	_ =	strace $0x80000048  }
0xb3: {  	_ =	swait.ge [sflag:s29], $0x1  }
0xb4: {  	[sflag:s29] =	ssyncadd.s32 $0xFFFFFFFF  }
0xb5: {  	_ =	strace $0x90000048  }
0xb6: {  	_ =	sfence  }
0xb7: {  	s30 =	sld [smem:$0x0];
	_ =	sdelay $0x2  }
0xb8: {  	s31 =	sshll.u32 s1, $0xD;
	s1 =	sshrl.u32 s1, $0x2  }
0xb9: {  	s3 =	sand.u32 $0x4000, s31;
	s1 =	sadd.s32 s1, s30  }
0xba: {  	s0 =	sor.u32 s3, s0;
	s1 =	sshll.u32 s1, $0x11  }
0xbb: {  	s0 =	sor.u32 s1, s0  }
0xbc: {  	s0 =	sadd.s32 $0x8F2B, s0  }
0xbd: {  	[sflag:s0] =	ssyncadd.remote.s32 $0x1  }
0xbe: {  	_ =	sfence.sel $0xFFFF  }
0xbf: {  	[dreg:$0x0] =	wrdreg $0xFFFFFFFF;
	(pc) =	sbr.abs _section_cstart, $3  }
0xc0: {  	[dreg:$0x1] =	wrdreg $0xFFFFFFFF  }
0xc1: {  	_ =	task.clear_ibuf [dreg:s6], $0x2FFFF;
	_ =	strace $0x9FFFFFFF  }
0xc2: {  	(tm) =	ssettm $0x7FFFFFFF  }
0xc3: {  	_ =	shalt  }
tec
execute0_lowered:
.L_overlay_start_1:
0x0: {  	(tag) =	ssettag $0x1  }
0x1: {  	s6 =	rddreg [dreg:$0x0]  }
0x2: {  	s0 =	srdreg.scid;
	s2 =	rddreg [dreg:$0x1];
	s3 =	simm.s32 $0x0  }
0x3: {  	s13 =	simm.s32 $0x5000;
	s14 =	simm.s32 $0x2;
	s15 =	simm.s32 $0x80  }
0x4: {  	s16 =	simm.s32 $0x4F80;
	s17 =	simm.s32 $0x5400;
	s18 =	simm.s32 $0x0  }
0x5: {  	s5 =	sand.u32 $0x1, s0;
	s0 =	stileid.u32;
	[smem:$0x7FF] =	sst s3  }
0x6: {  	s4 =	sadd.s32 $0x19A00, s6;
	s1 =	sshll.u32 s5, $0x4;
	s8 =	smul.u32 $0x1400, s0  }
0x7: {  	s9 =	smul.u32 $0x14000, s5;
	s5 =	ssub.s32 $0x2, s5;
	s1 =	sor.u32 s0, s1  }
0x8: {  	s31 =	sshll.u32 s0, $0x6;
	s11 =	sshrl.u32 s5, $0x1;
	s7 =	smul.u32 $0x500, s1  }
0x9: {  	s1 =	rddreg [dreg:$0x2];
	_ =	strace $0x80000047;
	s30 =	sshrl.u32 s8, $0x3  }
0xa: {  	s9 =	sadd.s32 s8, s9;
	s11 =	ssub.s32 s5, s11;
	s12 =	sadd.s32 s8, s2  }
0xb: {  	s9 =	sshrl.u32 s9, $0x3;
	s10 =	sadd.s32 s7, s6;
	s7 =	sadd.s32 s30, s6  }
0xc: {  	s9 =	sadd.s32 s9, s6;
	s6 =	sor.u32 $0x1C03, s31;
	s5 =	sadd.s32 $0x17200, s7  }
0xd: {  	s7 =	sadd.s32 $0xD200, s10;
	s8 =	sadd.s32 $0x3200, s10;
	s9 =	sadd.s32 $0x1C200, s9  }
0xe: {  	s10 =	smax.u32 s11, $0x1;
	s11 =	sshrl.u32 s12, $0x3;
	s12 =	simm.s32 $0x3  }
.LBB2_1:
0xf: {  	[spmem:s11], [sflag:s6] =	dma.local [hbm:s5], $0x280  }
0x10: {  	_ =	swait.ge [sflag:s12], $0x280  }
0x11: {  	[sflag:s12] =	ssyncset.done $0x0  }
0x12: {  	[sflag:s12] =	ssyncadd.s32 $0xFFFFFD80  }
0x13: {  	[tilespmem:s3], [sflag:$0x3] =	stream.linear.gather [hbm4b:s7+s3], $0x2800, $0x38;
	[tilespmem:$0x6200] =	vst v63  }
0x14: {  	_ =	swait.ge [sflag:s12], $0x2800  }
0x15: {  	[sflag:s12] =	ssyncset.done $0x0  }
0x16: {  	s19 =	simm.s32 $0x2800;
	[sflag:s12] =	ssyncadd.s32 $0xFFFFD800  }
0x17: {  	[tilespmem:s19], [sflag:$0x3] =	stream.linear.gather [hbm4b:s8+s3], $0x2800, $0x38;
	[tilespmem:$0x6200] =	vst v63  }
0x18: {  	_ =	swait.ge [sflag:s12], $0x2800  }
0x19: {  	s20 =	sand.u32 $0x1, s3;
	[sflag:s12] =	ssyncset.done $0x0  }
0x1a: {  	p0 =	seq.s32 s20, $0x1;
	[sflag:s12] =	ssyncadd.s32 $0xFFFFD800  }
0x1b: {  	s20 =	simm.s32 @p0 $0x2;
	[bflag:$0x0] =	sbarrier.arrive $0xFFFF  }
0x1c: {  	[tilespmem:s13], [sflag:$0x1] =	stream.indirect.gather [hbm4b:s4+s15], $0x4, s3, s15, $0xb8;
	[tilespmem:$0x6200] =	vst v63  }
0x1d: {  	_ =	swait.ge @p0 [sflag:s20], $0x200  }
0x1e: {  	[sflag:s20] =	ssyncset.done @p0 $0x0  }
0x1f: {  	s21 =	simm.s32 @p0 $0x5000;
	[sflag:s20] =	ssyncadd.s32 @p0 $0xFFFFFE00;
	s20 =	simm.s32 @p0 $0x80  }
0x20: {  	[tilespmem:s21], [sflag:$0x1] =	stream.indirect.gather @p0 [hbm4b:s4+s20], $0x4, s15, s20, $0xb8;
	[tilespmem:$0x6200] =	vst v63  }
0x21: {  	s22 =	simm.s32 @!p0 $0x1;
	s21 =	simm.s32 @p0 $0x5400  }
0x22: {  	[spmem:s2] =	stream.indirect.scatter.add.f32 @p0 [tilespmem:s21], [sflag:$0x3], $0x4, s19, s20, $0xb8;
	[tilespmem:$0x6200] =	vst v63  }
0x23: {  	_ =	swait.ge @!p0 [sflag:s22], $0x200  }
0x24: {  	s21 =	simm.s32 @!p0 $0x4;
	[sflag:s22] =	ssyncset.done @!p0 $0x0  }
0x25: {  	s20 =	simm.s32 @!p0 $0x80;
	[sflag:s22] =	ssyncadd.s32 @!p0 $0xFFFFFE00;
	s22 =	simm.s32 @!p0 $0x5400  }
0x26: {  	[tilespmem:s22], [sflag:$0x2] =	stream.indirect.gather @!p0 [hbm4b:s4+s20], $0x4, s15, s20, $0xb8;
	[tilespmem:$0x6200] =	vst v63  }
0x27: {  	s23 =	simm.s32 $0x1;
	s21 =	simm.s32 @p0 $0x3;
	s22 =	simm.s32 @!p0 $0x5000  }
0x28: {  	[spmem:s2] =	stream.indirect.scatter.add.f32 @!p0 [tilespmem:s22], [sflag:$0x4], $0x4, s19, s20, $0xb8;
	[tilespmem:$0x6200] =	vst v63  }
0x29: {  	s23 =	sand.u32 $0x1, s23;
	s22 =	simm.s32 $0x2;
	_ =	swait.ge [sflag:s21], $0x200  }
0x2a: {  	s19 =	simm.s32 $0x100;
	s20 =	simm.s32 $0x2880;
	[sflag:s21] =	ssyncset.done $0x0  }
.LBB2_2:
0x2b: {  	p1 =	seq.s32 s23, $0x1  }
0x2c: {  	[sflag:s21] =	ssyncadd.s32 $0xFFFFFE00;
	s23 =	smov.u32 s22;
	s22 =	sadd.s32 $0x1, s22  }
0x2d: {  	p0 =	sne.s32 s22, $0x4F;
	s24 =	simm.s32 @p1 $0x2;
	s21 =	simm.s32 @!p1 $0x4  }
0x2e: {  	_ =	swait.ge @p1 [sflag:s24], $0x200  }
0x2f: {  	[sflag:s24] =	ssyncset.done @p1 $0x0  }
0x30: {  	s25 =	simm.s32 @p1 $0x5000;
	[sflag:s24] =	ssyncadd.s32 @p1 $0xFFFFFE00;
	s24 =	simm.s32 @p1 $0x80  }
0x31: {  	[tilespmem:s25], [sflag:$0x1] =	stream.indirect.gather @p1 [hbm4b:s4+s24], $0x4, s19, s24, $0xb8;
	[tilespmem:$0x6200] =	vst v63  }
0x32: {  	s26 =	simm.s32 @!p1 $0x1;
	s25 =	simm.s32 @p1 $0x5400  }
0x33: {  	[spmem:s2] =	stream.indirect.scatter.add.f32 @p1 [tilespmem:s25], [sflag:$0x3], $0x4, s20, s24, $0xb8;
	[tilespmem:$0x6200] =	vst v63  }
0x34: {  	_ =	swait.ge @!p1 [sflag:s26], $0x200  }
0x35: {  	[sflag:s26] =	ssyncset.done @!p1 $0x0  }
0x36: {  	s24 =	simm.s32 @!p1 $0x80;
	s25 =	simm.s32 @!p1 $0x5400;
	[sflag:s26] =	ssyncadd.s32 @!p1 $0xFFFFFE00  }
0x37: {  	[tilespmem:s25], [sflag:$0x2] =	stream.indirect.gather @!p1 [hbm4b:s4+s24], $0x4, s19, s24, $0xb8;
	[tilespmem:$0x6200] =	vst v63  }
.Ltmp0:
0x38: {  	_ = 	snop;
	(pc) =	sbr.rel @p0 .LBB2_2-.Ltmp0, $4  }
0x39: {  	s21 =	simm.s32 @p1 $0x3;
	s25 =	simm.s32 @!p1 $0x5000  }
0x3a: {  	[spmem:s2] =	stream.indirect.scatter.add.f32 @!p1 [tilespmem:s25], [sflag:$0x4], $0x4, s20, s24, $0xb8;
	[tilespmem:$0x6200] =	vst v63  }
0x3b: {  	s19 =	sadd.s32 $0x80, s19;
	_ =	swait.ge [sflag:s21], $0x200  }
0x3c: {  	s23 =	sand.u32 $0x1, s23;
	s20 =	sadd.s32 $0x80, s20;
	[sflag:s21] =	ssyncset.done $0x0  }
0x3d: {  	p0 =	seq.s32 s23, $0x1  }
0x3e: {  	[sflag:s21] =	ssyncadd.s32 $0xFFFFFE00;
	s21 =	simm.s32 @p0 $0x2  }
0x3f: {  	_ =	swait.ge @p0 [sflag:s21], $0x200  }
0x40: {  	[sflag:s21] =	ssyncset.done @p0 $0x0  }
0x41: {  	s22 =	simm.s32 @p0 $0x5000;
	[sflag:s21] =	ssyncadd.s32 @p0 $0xFFFFFE00;
	s21 =	simm.s32 @p0 $0x80  }
0x42: {  	[tilespmem:s22], [sflag:$0x1] =	stream.indirect.gather @p0 [hbm4b:s4+s21], $0x4, s19, s21, $0xb8;
	[tilespmem:$0x6200] =	vst v63  }
0x43: {  	s23 =	simm.s32 @!p0 $0x1;
	s22 =	simm.s32 @p0 $0x5400  }
0x44: {  	[spmem:s2] =	stream.indirect.scatter.add.f32 @p0 [tilespmem:s22], [sflag:$0x3], $0x4, s20, s21, $0xb8;
	[tilespmem:$0x6200] =	vst v63  }
0x45: {  	_ =	swait.ge @!p0 [sflag:s23], $0x200  }
0x46: {  	s21 =	simm.s32 @!p0 $0x4;
	[sflag:s23] =	ssyncset.done @!p0 $0x0  }
0x47: {  	s22 =	simm.s32 @!p0 $0x80;
	[sflag:s23] =	ssyncadd.s32 @!p0 $0xFFFFFE00;
	s23 =	simm.s32 @!p0 $0x5400  }
0x48: {  	[tilespmem:s23], [sflag:$0x2] =	stream.indirect.gather @!p0 [hbm4b:s4+s22], $0x4, s19, s22, $0xb8;
	[tilespmem:$0x6200] =	vst v63  }
0x49: {  	s21 =	simm.s32 @p0 $0x3;
	s19 =	simm.s32 @!p0 $0x5000  }
0x4a: {  	[spmem:s2] =	stream.indirect.scatter.add.f32 @!p0 [tilespmem:s19], [sflag:$0x4], $0x4, s20, s22, $0xb8;
	[tilespmem:$0x6200] =	vst v63  }
0x4b: {  	_ =	swait.ge [sflag:s21], $0x200  }
0x4c: {  	[sflag:s21] =	ssyncset.done $0x0  }
0x4d: {  	[sflag:s21] =	ssyncadd.s32 $0xFFFFFE00  }
0x4e: {  	_ =	swait.ge [sflag:s14], $0x200  }
0x4f: {  	[sflag:s14] =	ssyncset.done $0x0  }
0x50: {  	[sflag:s14] =	ssyncadd.s32 $0xFFFFFE00  }
0x51: {  	[spmem:s2] =	stream.indirect.scatter.add.f32 [tilespmem:s17], [sflag:$0x3], $0x4, s16, s15, $0xb8;
	[tilespmem:$0x6200] =	vst v63  }
0x52: {  	_ =	swait.ge [sflag:s12], $0x200  }
0x53: {  	s18 =	sadd.s32 $0x1, s18;
	[sflag:s12] =	ssyncset.done $0x0  }
0x54: {  	p0 =	sne.s32 s18, s10;
	[sflag:s12] =	ssyncadd.s32 $0xFFFFFE00  }
.Ltmp1:
0x55: {  	[bflag:$0x0] =	sbarrier.arrive $0xFFFF;
	(pc) =	sbr.rel @p0 .LBB2_1-.Ltmp1, $4  }
0x56: {  	[hbm:s9], [sflag:s6] =	dma.local [spmem:s11], $0x280  }
0x57: {  	_ =	swait.ge [sflag:s12], $0x280  }
0x58: {  	[sflag:s12] =	ssyncset.done $0x0  }
0x59: {  	[sflag:s12] =	ssyncadd.s32 $0xFFFFFD80  }
0x5a: {  	_ =	sfence.sel $0x180000  }
0x5b: {  	[bflag:$0x0] =	sbarrier.arrive $0xFFFF  }
0x5c: {  	p0 =	sne.s32 s0, $0x0;
	_ =	strace $0x90000047  }
0x5d: {  	s0 =	sadd.s32 @!p0 $0x100000, s1;
	[bflag:$0x2] =	sbarrier.arrive $0xFFFF  }
0x5e: {  	[sflag:s0] =	ssyncadd.tile.s32 @!p0 $0x1;
	_ =	shalt  }
.Lfunc_end2:
_tile_overlayer_lowered:
.L_overlay_start_2:
0x5f: {  	(tag) =	ssettag $0x2  }
0x60: {  	s0 =	rddreg [dreg:$0x0];
	s2 =	stileid.u32  }
0x61: {  	s1 =	rddreg [dreg:$0x1];
	p0 =	sne.s32 s2, $0x0  }
0x62: {  	s3 =	rddreg [dreg:$0x2];
	[bflag:$0x3] =	sbarrier.arrive $0xFFFF;
	s2 =	simm.s32 @!p0 $0x1C03  }
0x63: {  	[timem:s3], [sflag:s2] =	dma.local @!p0 [hbm:s0], s1  }
0x64: {  	s0 =	simm.s32 @!p0 $0x3  }
0x65: {  	_ =	swait.ge @!p0 [sflag:s0], s1  }
0x66: {  	s1 =	ssub.s32 @!p0 $0x0, s1;
	[sflag:s0] =	ssyncset.done @!p0 $0x0  }
0x67: {  	[sflag:s0] =	ssyncadd.s32 @!p0 s1  }
0x68: {  	[bflag:$0x3] =	sbarrier.arrive $0xFFFF  }
0x69: {  	_ =	shalt  }

// kernel: kernel.17.cloned.1.call-start
scs
__scs_entry_jumppad:
0x0: {  	(pc) =	sbr.rel $0x88, $3  }
0x1: {  	(tag) =	ssettag $0x0;
	lr =	simm.s32 $0x1  }
0x2: {  	[smem:$0x3F94] =	sst lr;
	_ =	strace $0xD0000000  }
0x3: {  	_ = 	snop  }
0x4: {  	_ = 	snop  }
0x5: {  	_ = 	snop  }
0x6: {  	_ = 	snop  }
0x7: {  	_ = 	snop  }
__scs_overlays_trampoline_lowered:
0x8: {  	[smem:$0x3FA3] =	sst s0  }
0x9: {  	[smem:$0x3FA4] =	sst s1  }
0xa: {  	[smem:$0x3FA5] =	sst s2  }
0xb: {  	[smem:$0x3FA6] =	sst s3  }
0xc: {  	[smem:$0x3FA7] =	sst s4  }
0xd: {  	[smem:$0x3FA8] =	sst s5  }
0xe: {  	[smem:$0x3FA9] =	sst s6  }
0xf: {  	[smem:$0x3FAA] =	sst s7  }
0x10: {  	[smem:$0x3FAB] =	sst s8  }
0x11: {  	[smem:$0x3FAC] =	sst s9;
	s0 =	simm.s32 @!p0 $0x0  }
0x12: {  	s1 =	sld [smem:$0x3F92];
	s0 =	simm.s32 @p0 $0x1  }
0x13: {  	[smem:$0x3FAD] =	sst s0;
	s0 =	simm.s32 @!p1 $0x0  }
0x14: {  	s2 =	sld [smem:$0x3F91];
	s0 =	simm.s32 @p1 $0x1  }
0x15: {  	[smem:$0x3FAE] =	sst s0;
	s0 =	simm.s32 @!p2 $0x0  }
0x16: {  	s3 =	sld [smem:$0x3FDB];
	s0 =	simm.s32 @p2 $0x1  }
0x17: {  	s4 =	simm.s32 $0x1BF5;
	[smem:$0x3FB0] =	sst s0  }
0x18: {  	s0 =	sld [smem:$0x3F93];
	_ =	swait.ge [sflag:s4], $0x0  }
0x19: {  	s7 =	sld [smem:$0x3F94]  }
0x1a: {  	s8 =	sadd.s32 $0xFFFFE003, lr  }
0x1b: {  	s9 =	sadd.s32 $0xFFFFFEF7, lr;
	s5 =	simm.s32 $0xFFFFFFFF;
	p2 =	slt.u32 s8, $0xFFFFF086  }
0x1c: {  	p1 =	slt.u32 s9, $0xF7A;
	s5 =	simm.s32 @!p2 $0x0  }
0x1d: {  	s5 =	simm.s32 @p1 $0x1;
	p0 =	seq.s32 s7, s2  }
0x1e: {  	s7 =	smul.u32 @!p0 $0xF7A, s2;
	p2 =	seq.s32 @!p0 s5, $0x0  }
0x1f: {  	s9 =	smul.u32 $0xF7A, s1;
	s8 =	simm.s32 @!p0 $0x1BF5;
	p2 =	por !p2, p0  }
0x20: {  	[sflag:s8] =	ssyncset.s32 @!p0 $0xFFFFF086;
	s6 =	sadd.s32 @!p0 s3, s7;
	s7 =	simm.s32 @!p0 $0x108  }
0x21: {  	s3 =	sadd.s32 s3, s9;
	s6 =	sadd.s32 @!p0 $0x88, s6;
	s7 =	simm.s32 @p2 $0x1082  }
0x22: {  	[simem:s7], [sflag:s8] =	dma.local @!p0 [hbm:s6], $0xF7A  }
0x23: {  	s9 =	sor.u32 $0xD0000000, s2;
	s6 =	simm.s32 $0x108;
	_ =	swait.ge @!p0 [sflag:s8], $0x0  }
0x24: {  	s3 =	sadd.s32 $0x88, s3;
	s6 =	simm.s32 @!p1 $0x1082;
	[sflag:s4] =	ssyncset.s32 $0xFFFFF086  }
0x25: {  	[simem:s6], [sflag:s4] =	dma.local [hbm:s3], $0xF7A  }
0x26: {  	[smem:$0x3F94] =	sst s1;
	(tag) =	ssettag s2;
	_ =	strace s9  }
0x27: {  	s1 =	sld [smem:$0x3FA4]  }
0x28: {  	s2 =	sld [smem:$0x3FA5]  }
0x29: {  	s4 =	sld [smem:$0x3FA7]  }
0x2a: {  	p0 =	seq.s32 s5, $0x0;
	s5 =	sld [smem:$0x3FA8]  }
0x2b: {  	s6 =	sld [smem:$0x3FA9]  }
0x2c: {  	s7 =	sld [smem:$0x3FAA]  }
0x2d: {  	s3 =	simm.s32 $0x108;
	s8 =	sld [smem:$0x3FAB]  }
0x2e: {  	s3 =	simm.s32 @!p0 $0x1082;
	s9 =	sld [smem:$0x3FAC]  }
0x2f: {  	lr =	sadd.s32 s0, s3;
	s0 =	sld [smem:$0x3FA3]  }
0x30: {  	s3 =	sld [smem:$0x3FA6]  }
0x31: {  	[smem:$0x3FAF] =	sst s10  }
0x32: {  	s10 =	sld [smem:$0x3FAD];
	_ =	sdelay $0x3  }
0x33: {  	p0 =	seq.s32 s10, $0x1;
	s10 =	sld [smem:$0x3FAF];
	_ =	sdelay $0x3  }
0x34: {  	[smem:$0x3FAF] =	sst s10  }
0x35: {  	s10 =	sld [smem:$0x3FAE];
	_ =	sdelay $0x3  }
0x36: {  	p1 =	seq.s32 s10, $0x1;
	s10 =	sld [smem:$0x3FAF];
	_ =	sdelay $0x3  }
0x37: {  	[smem:$0x3FAF] =	sst s10  }
0x38: {  	s10 =	sld [smem:$0x3FB0]  }
0x39: {  	_ = 	snop;
	(pc) =	sbr.ind lr, $3  }
0x3a: {  	_ = 	snop  }
0x3b: {  	_ = 	snop  }
0x3c: {  	p2 =	seq.s32 s10, $0x1;
	s10 =	sld [smem:$0x3FAF]  }
0x3d: {  	_ =	shalt  }
0x3e: {  	_ =	shalt  }
0x3f: {  	_ =	shalt  }
0x40: {  	_ =	shalt  }
0x41: {  	_ =	shalt  }
0x42: {  	_ =	shalt  }
0x43: {  	_ =	shalt  }
0x44: {  	_ =	shalt  }
0x45: {  	_ =	shalt  }
0x46: {  	_ =	shalt  }
0x47: {  	_ =	shalt  }
0x48: {  	_ =	shalt  }
0x49: {  	_ =	shalt  }
0x4a: {  	_ =	shalt  }
0x4b: {  	_ =	shalt  }
0x4c: {  	_ =	shalt  }
0x4d: {  	_ =	shalt  }
0x4e: {  	_ =	shalt  }
0x4f: {  	_ =	shalt  }
0x50: {  	_ =	shalt  }
0x51: {  	_ =	shalt  }
0x52: {  	_ =	shalt  }
0x53: {  	_ =	shalt  }
0x54: {  	_ =	shalt  }
0x55: {  	_ =	shalt  }
0x56: {  	_ =	shalt  }
0x57: {  	_ =	shalt  }
0x58: {  	_ =	shalt  }
0x59: {  	_ =	shalt  }
0x5a: {  	_ =	shalt  }
0x5b: {  	_ =	shalt  }
0x5c: {  	_ =	shalt  }
0x5d: {  	_ =	shalt  }
0x5e: {  	_ =	shalt  }
0x5f: {  	_ =	shalt  }
0x60: {  	_ =	shalt  }
0x61: {  	_ =	shalt  }
0x62: {  	_ =	shalt  }
0x63: {  	_ =	shalt  }
0x64: {  	_ =	shalt  }
0x65: {  	_ =	shalt  }
0x66: {  	_ =	shalt  }
0x67: {  	_ =	shalt  }
0x68: {  	_ =	shalt  }
0x69: {  	_ =	shalt  }
0x6a: {  	_ =	shalt  }
0x6b: {  	_ =	shalt  }
0x6c: {  	_ =	shalt  }
0x6d: {  	_ =	shalt  }
0x6e: {  	_ =	shalt  }
0x6f: {  	_ =	shalt  }
0x70: {  	_ =	shalt  }
0x71: {  	_ =	shalt  }
0x72: {  	_ =	shalt  }
0x73: {  	_ =	shalt  }
0x74: {  	_ =	shalt  }
0x75: {  	_ =	shalt  }
0x76: {  	_ =	shalt  }
0x77: {  	_ =	shalt  }
0x78: {  	_ =	shalt  }
0x79: {  	_ =	shalt  }
0x7a: {  	_ =	shalt  }
0x7b: {  	_ =	shalt  }
0x7c: {  	_ =	shalt  }
0x7d: {  	_ =	shalt  }
0x7e: {  	_ =	shalt  }
0x7f: {  	_ =	shalt  }
0x80: {  	_ =	shalt  }
0x81: {  	_ =	shalt  }
0x82: {  	_ =	shalt  }
0x83: {  	_ =	shalt  }
0x84: {  	_ =	shalt  }
0x85: {  	_ =	shalt  }
0x86: {  	_ =	shalt  }
0x87: {  	_ =	shalt  }
.Lfunc_end0:
.L_simem_size_0:
called_computation.1_lowered:
.L_overlay_start_0:
0x88: {  	s2 =	sld [smem:$0x3FD9]  }
0x89: {  	s3 =	sld [smem:$0x3FFE];
	_ =	sdelay $0x1  }
0x8a: {  	s1 =	srdreg.scid  }
0x8b: {  	s0 =	sand.u32 $0x1, s1  }
0x8c: {  	s16 =	sshll.u32 s0, $0xA;
	s2 =	sadd.s32 s3, s2  }
0x8d: {  	s2 =	sadd.s32 s2, s16  }
0x8e: {  	[smem:$0x3FBB] =	sst s2  }
0x8f: {  	_ = 	snop  }
0x90: {  	(tm) =	ssettm $0x1  }
0x91: {  	s17 =	sld [smem:$0x3FFB];
	_ =	sdelay $0x3  }
0x92: {  	_ =	strace s17  }
0x93: {  	s2 =	sld [smem:$0x3FFC];
	_ =	sdelay $0x3  }
0x94: {  	_ =	strace s2  }
0x95: {  	s2 =	sld [smem:$0x3FFD];
	_ =	sdelay $0x3  }
0x96: {  	_ =	strace s2  }
0x97: {  	_ =	strace $0x8FFFFFFF  }
0x98: {  	s18 =	sld [smem:$0x3FDB];
	_ =	sdelay $0x1  }
0x99: {  	s19 =	simm.s32 $_scs_section_size  }
0x9a: {  	s4 =	simm.s32 $_size__tile_overlayer_lowered;
	s5 =	simm.s32 $_tile_overlayer_lowered  }
0x9b: {  	s22 =	simm.s32 $0x1BFF;
	s21 =	sshll.u32 s5, $0x1;
	s2 =	sadd.s32 s19, s18  }
0x9c: {  	s6 =	simm.s32 $0x0;
	s20 =	sshll.u32 s4, $0x1;
	s4 =	sadd.s32 s21, s2  }
0x9d: {  	[timem:s6], [sflag:s22] =	dma.local [hbm:s4], s20  }
0x9e: {  	_ =	swait.ge [sflag:s22], s20  }
0x9f: {  	s3 =	ssub.s32 $0x0, s20;
	[sflag:s22] =	ssyncset.done $0x0  }
0xa0: {  	[sflag:s22] =	ssyncadd.s32 s3;
	_ =	sdelay $0x1  }
0xa1: {  	s23 =	simm.s32 $0x1B8B  }
0xa2: {  	_ =	swait.ge [sflag:s23], $0x1  }
0xa3: {  	[sflag:s23] =	ssyncset.done $0x0  }
0xa4: {  	s25 =	simm.s32 $0x1B8E;
	s24 =	sld [smem:$0x3FFE];
	[sflag:s23] =	ssyncadd.s32 $0xFFFFFFFF  }
0xa5: {  	s26 =	simm.s32 $execute0_lowered;
	[smem:$0x3FD2] =	sst s25  }
0xa6: {  	s4 =	sshll.u32 s26, $0x1;
	_ =	strace $0x80000049;
	[dreg:$0x1] =	wrdreg $0xFFFFFFFF  }
0xa7: {  	s28 =	simm.s32 $_size_execute0_lowered;
	s2 =	sadd.s32 s2, s4;
	[dreg:$0x0] =	wrdreg $0x0  }
0xa8: {  	s4 =	sshll.u32 s28, $0x1;
	[dreg:$0x2] =	wrdreg s2  }
0xa9: {  	[dreg:$0x3] =	wrdreg s4  }
0xaa: {  	[dreg:$0x4] =	wrdreg $0xC0  }
0xab: {  	_ =	task [dreg:s6], $0x5FFFF  }
0xac: {  	[dreg:$0x1] =	wrdreg $0xFFFFFFFF  }
0xad: {  	[dreg:$0x0] =	wrdreg $0x60  }
0xae: {  	[dreg:$0x2] =	wrdreg s24  }
0xaf: {  	[dreg:$0x3] =	wrdreg $0x58000  }
0xb0: {  	[dreg:$0x4] =	wrdreg $0x9  }
0xb1: {  	_ =	task.clear_ibuf [dreg:s6], $0x5FFFF;
	_ =	strace $0x90000049  }
0xb2: {  	s29 =	simm.s32 $0x9;
	_ =	strace $0x8000004B  }
0xb3: {  	_ =	swait.ge [sflag:s29], $0x1  }
0xb4: {  	[sflag:s29] =	ssyncadd.s32 $0xFFFFFFFF  }
0xb5: {  	_ =	strace $0x9000004B  }
0xb6: {  	_ =	sfence  }
0xb7: {  	s30 =	sld [smem:$0x0];
	_ =	sdelay $0x2  }
0xb8: {  	s31 =	sshll.u32 s1, $0xD;
	s1 =	sshrl.u32 s1, $0x2  }
0xb9: {  	s3 =	sand.u32 $0x4000, s31;
	s1 =	sadd.s32 s1, s30  }
0xba: {  	s0 =	sor.u32 s3, s0;
	s1 =	sshll.u32 s1, $0x11  }
0xbb: {  	s0 =	sor.u32 s1, s0  }
0xbc: {  	s0 =	sadd.s32 $0x8F2B, s0  }
0xbd: {  	[sflag:s0] =	ssyncadd.remote.s32 $0x1  }
0xbe: {  	_ =	sfence.sel $0xFFFF  }
0xbf: {  	[dreg:$0x0] =	wrdreg $0xFFFFFFFF;
	(pc) =	sbr.abs _section_cstart, $3  }
0xc0: {  	[dreg:$0x1] =	wrdreg $0xFFFFFFFF  }
0xc1: {  	_ =	task.clear_ibuf [dreg:s6], $0x2FFFF;
	_ =	strace $0x9FFFFFFF  }
0xc2: {  	(tm) =	ssettm $0x7FFFFFFF  }
0xc3: {  	_ =	shalt  }
tec
execute0_lowered:
.L_overlay_start_1:
0x0: {  	(tag) =	ssettag $0x1  }
0x1: {  	s6 =	rddreg [dreg:$0x0]  }
0x2: {  	s0 =	srdreg.scid;
	s2 =	rddreg [dreg:$0x1];
	s3 =	simm.s32 $0x0  }
0x3: {  	s13 =	simm.s32 $0x5000;
	s14 =	simm.s32 $0x2;
	s15 =	simm.s32 $0x80  }
0x4: {  	s16 =	simm.s32 $0x4F80;
	s17 =	simm.s32 $0x5400;
	s18 =	simm.s32 $0x0  }
0x5: {  	s5 =	sand.u32 $0x1, s0;
	s0 =	stileid.u32;
	[smem:$0x7FF] =	sst s3  }
0x6: {  	s4 =	sadd.s32 $0x19A00, s6;
	s1 =	sshll.u32 s5, $0x4;
	s8 =	smul.u32 $0x1400, s0  }
0x7: {  	s9 =	smul.u32 $0x14000, s5;
	s5 =	ssub.s32 $0x2, s5;
	s1 =	sor.u32 s0, s1  }
0x8: {  	s31 =	sshll.u32 s0, $0x6;
	s11 =	sshrl.u32 s5, $0x1;
	s7 =	smul.u32 $0x500, s1  }
0x9: {  	s1 =	rddreg [dreg:$0x2];
	_ =	strace $0x8000004A;
	s30 =	sshrl.u32 s8, $0x3  }
0xa: {  	s9 =	sadd.s32 s8, s9;
	s11 =	ssub.s32 s5, s11;
	s12 =	sadd.s32 s8, s2  }
0xb: {  	s9 =	sshrl.u32 s9, $0x3;
	s10 =	sadd.s32 s7, s6;
	s7 =	sadd.s32 s30, s6  }
0xc: {  	s9 =	sadd.s32 s9, s6;
	s6 =	sor.u32 $0x1C03, s31;
	s5 =	sadd.s32 $0x17200, s7  }
0xd: {  	s7 =	sadd.s32 $0xD200, s10;
	s8 =	sadd.s32 $0x3200, s10;
	s9 =	sadd.s32 $0x1C200, s9  }
0xe: {  	s10 =	smax.u32 s11, $0x1;
	s11 =	sshrl.u32 s12, $0x3;
	s12 =	simm.s32 $0x3  }
.LBB2_1:
0xf: {  	[spmem:s11], [sflag:s6] =	dma.local [hbm:s5], $0x280  }
0x10: {  	_ =	swait.ge [sflag:s12], $0x280  }
0x11: {  	[sflag:s12] =	ssyncset.done $0x0  }
0x12: {  	[sflag:s12] =	ssyncadd.s32 $0xFFFFFD80  }
0x13: {  	[tilespmem:s3], [sflag:$0x3] =	stream.linear.gather [hbm4b:s7+s3], $0x2800, $0x38;
	[tilespmem:$0x6200] =	vst v63  }
0x14: {  	_ =	swait.ge [sflag:s12], $0x2800  }
0x15: {  	[sflag:s12] =	ssyncset.done $0x0  }
0x16: {  	s19 =	simm.s32 $0x2800;
	[sflag:s12] =	ssyncadd.s32 $0xFFFFD800  }
0x17: {  	[tilespmem:s19], [sflag:$0x3] =	stream.linear.gather [hbm4b:s8+s3], $0x2800, $0x38;
	[tilespmem:$0x6200] =	vst v63  }
0x18: {  	_ =	swait.ge [sflag:s12], $0x2800  }
0x19: {  	s20 =	sand.u32 $0x1, s3;
	[sflag:s12] =	ssyncset.done $0x0  }
0x1a: {  	p0 =	seq.s32 s20, $0x1;
	[sflag:s12] =	ssyncadd.s32 $0xFFFFD800  }
0x1b: {  	s20 =	simm.s32 @p0 $0x2;
	[bflag:$0x0] =	sbarrier.arrive $0xFFFF  }
0x1c: {  	[tilespmem:s13], [sflag:$0x1] =	stream.indirect.gather [hbm4b:s4+s15], $0x4, s3, s15, $0xb8;
	[tilespmem:$0x6200] =	vst v63  }
0x1d: {  	_ =	swait.ge @p0 [sflag:s20], $0x200  }
0x1e: {  	[sflag:s20] =	ssyncset.done @p0 $0x0  }
0x1f: {  	s21 =	simm.s32 @p0 $0x5000;
	[sflag:s20] =	ssyncadd.s32 @p0 $0xFFFFFE00;
	s20 =	simm.s32 @p0 $0x80  }
0x20: {  	[tilespmem:s21], [sflag:$0x1] =	stream.indirect.gather @p0 [hbm4b:s4+s20], $0x4, s15, s20, $0xb8;
	[tilespmem:$0x6200] =	vst v63  }
0x21: {  	s22 =	simm.s32 @!p0 $0x1;
	s21 =	simm.s32 @p0 $0x5400  }
0x22: {  	[spmem:s2] =	stream.indirect.scatter.add.f32 @p0 [tilespmem:s21], [sflag:$0x3], $0x4, s19, s20, $0xb8;
	[tilespmem:$0x6200] =	vst v63  }
0x23: {  	_ =	swait.ge @!p0 [sflag:s22], $0x200  }
0x24: {  	s21 =	simm.s32 @!p0 $0x4;
	[sflag:s22] =	ssyncset.done @!p0 $0x0  }
0x25: {  	s20 =	simm.s32 @!p0 $0x80;
	[sflag:s22] =	ssyncadd.s32 @!p0 $0xFFFFFE00;
	s22 =	simm.s32 @!p0 $0x5400  }
0x26: {  	[tilespmem:s22], [sflag:$0x2] =	stream.indirect.gather @!p0 [hbm4b:s4+s20], $0x4, s15, s20, $0xb8;
	[tilespmem:$0x6200] =	vst v63  }
0x27: {  	s23 =	simm.s32 $0x1;
	s21 =	simm.s32 @p0 $0x3;
	s22 =	simm.s32 @!p0 $0x5000  }
0x28: {  	[spmem:s2] =	stream.indirect.scatter.add.f32 @!p0 [tilespmem:s22], [sflag:$0x4], $0x4, s19, s20, $0xb8;
	[tilespmem:$0x6200] =	vst v63  }
0x29: {  	s23 =	sand.u32 $0x1, s23;
	s22 =	simm.s32 $0x2;
	_ =	swait.ge [sflag:s21], $0x200  }
0x2a: {  	s19 =	simm.s32 $0x100;
	s20 =	simm.s32 $0x2880;
	[sflag:s21] =	ssyncset.done $0x0  }
.LBB2_2:
0x2b: {  	p1 =	seq.s32 s23, $0x1  }
0x2c: {  	[sflag:s21] =	ssyncadd.s32 $0xFFFFFE00;
	s23 =	smov.u32 s22;
	s22 =	sadd.s32 $0x1, s22  }
0x2d: {  	p0 =	sne.s32 s22, $0x4F;
	s24 =	simm.s32 @p1 $0x2;
	s21 =	simm.s32 @!p1 $0x4  }
0x2e: {  	_ =	swait.ge @p1 [sflag:s24], $0x200  }
0x2f: {  	[sflag:s24] =	ssyncset.done @p1 $0x0  }
0x30: {  	s25 =	simm.s32 @p1 $0x5000;
	[sflag:s24] =	ssyncadd.s32 @p1 $0xFFFFFE00;
	s24 =	simm.s32 @p1 $0x80  }
0x31: {  	[tilespmem:s25], [sflag:$0x1] =	stream.indirect.gather @p1 [hbm4b:s4+s24], $0x4, s19, s24, $0xb8;
	[tilespmem:$0x6200] =	vst v63  }
0x32: {  	s26 =	simm.s32 @!p1 $0x1;
	s25 =	simm.s32 @p1 $0x5400  }
0x33: {  	[spmem:s2] =	stream.indirect.scatter.add.f32 @p1 [tilespmem:s25], [sflag:$0x3], $0x4, s20, s24, $0xb8;
	[tilespmem:$0x6200] =	vst v63  }
0x34: {  	_ =	swait.ge @!p1 [sflag:s26], $0x200  }
0x35: {  	[sflag:s26] =	ssyncset.done @!p1 $0x0  }
0x36: {  	s24 =	simm.s32 @!p1 $0x80;
	s25 =	simm.s32 @!p1 $0x5400;
	[sflag:s26] =	ssyncadd.s32 @!p1 $0xFFFFFE00  }
0x37: {  	[tilespmem:s25], [sflag:$0x2] =	stream.indirect.gather @!p1 [hbm4b:s4+s24], $0x4, s19, s24, $0xb8;
	[tilespmem:$0x6200] =	vst v63  }
.Ltmp0:
0x38: {  	_ = 	snop;
	(pc) =	sbr.rel @p0 .LBB2_2-.Ltmp0, $4  }
0x39: {  	s21 =	simm.s32 @p1 $0x3;
	s25 =	simm.s32 @!p1 $0x5000  }
0x3a: {  	[spmem:s2] =	stream.indirect.scatter.add.f32 @!p1 [tilespmem:s25], [sflag:$0x4], $0x4, s20, s24, $0xb8;
	[tilespmem:$0x6200] =	vst v63  }
0x3b: {  	s19 =	sadd.s32 $0x80, s19;
	_ =	swait.ge [sflag:s21], $0x200  }
0x3c: {  	s23 =	sand.u32 $0x1, s23;
	s20 =	sadd.s32 $0x80, s20;
	[sflag:s21] =	ssyncset.done $0x0  }
0x3d: {  	p0 =	seq.s32 s23, $0x1  }
0x3e: {  	[sflag:s21] =	ssyncadd.s32 $0xFFFFFE00;
	s21 =	simm.s32 @p0 $0x2  }
0x3f: {  	_ =	swait.ge @p0 [sflag:s21], $0x200  }
0x40: {  	[sflag:s21] =	ssyncset.done @p0 $0x0  }
0x41: {  	s22 =	simm.s32 @p0 $0x5000;
	[sflag:s21] =	ssyncadd.s32 @p0 $0xFFFFFE00;
	s21 =	simm.s32 @p0 $0x80  }
0x42: {  	[tilespmem:s22], [sflag:$0x1] =	stream.indirect.gather @p0 [hbm4b:s4+s21], $0x4, s19, s21, $0xb8;
	[tilespmem:$0x6200] =	vst v63  }
0x43: {  	s23 =	simm.s32 @!p0 $0x1;
	s22 =	simm.s32 @p0 $0x5400  }
0x44: {  	[spmem:s2] =	stream.indirect.scatter.add.f32 @p0 [tilespmem:s22], [sflag:$0x3], $0x4, s20, s21, $0xb8;
	[tilespmem:$0x6200] =	vst v63  }
0x45: {  	_ =	swait.ge @!p0 [sflag:s23], $0x200  }
0x46: {  	s21 =	simm.s32 @!p0 $0x4;
	[sflag:s23] =	ssyncset.done @!p0 $0x0  }
0x47: {  	s22 =	simm.s32 @!p0 $0x80;
	[sflag:s23] =	ssyncadd.s32 @!p0 $0xFFFFFE00;
	s23 =	simm.s32 @!p0 $0x5400  }
0x48: {  	[tilespmem:s23], [sflag:$0x2] =	stream.indirect.gather @!p0 [hbm4b:s4+s22], $0x4, s19, s22, $0xb8;
	[tilespmem:$0x6200] =	vst v63  }
0x49: {  	s21 =	simm.s32 @p0 $0x3;
	s19 =	simm.s32 @!p0 $0x5000  }
0x4a: {  	[spmem:s2] =	stream.indirect.scatter.add.f32 @!p0 [tilespmem:s19], [sflag:$0x4], $0x4, s20, s22, $0xb8;
	[tilespmem:$0x6200] =	vst v63  }
0x4b: {  	_ =	swait.ge [sflag:s21], $0x200  }
0x4c: {  	[sflag:s21] =	ssyncset.done $0x0  }
0x4d: {  	[sflag:s21] =	ssyncadd.s32 $0xFFFFFE00  }
0x4e: {  	_ =	swait.ge [sflag:s14], $0x200  }
0x4f: {  	[sflag:s14] =	ssyncset.done $0x0  }
0x50: {  	[sflag:s14] =	ssyncadd.s32 $0xFFFFFE00  }
0x51: {  	[spmem:s2] =	stream.indirect.scatter.add.f32 [tilespmem:s17], [sflag:$0x3], $0x4, s16, s15, $0xb8;
	[tilespmem:$0x6200] =	vst v63  }
0x52: {  	_ =	swait.ge [sflag:s12], $0x200  }
0x53: {  	s18 =	sadd.s32 $0x1, s18;
	[sflag:s12] =	ssyncset.done $0x0  }
0x54: {  	p0 =	sne.s32 s18, s10;
	[sflag:s12] =	ssyncadd.s32 $0xFFFFFE00  }
.Ltmp1:
0x55: {  	[bflag:$0x0] =	sbarrier.arrive $0xFFFF;
	(pc) =	sbr.rel @p0 .LBB2_1-.Ltmp1, $4  }
0x56: {  	[hbm:s9], [sflag:s6] =	dma.local [spmem:s11], $0x280  }
0x57: {  	_ =	swait.ge [sflag:s12], $0x280  }
0x58: {  	[sflag:s12] =	ssyncset.done $0x0  }
0x59: {  	[sflag:s12] =	ssyncadd.s32 $0xFFFFFD80  }
0x5a: {  	_ =	sfence.sel $0x180000  }
0x5b: {  	[bflag:$0x0] =	sbarrier.arrive $0xFFFF  }
0x5c: {  	p0 =	sne.s32 s0, $0x0;
	_ =	strace $0x9000004A  }
0x5d: {  	s0 =	sadd.s32 @!p0 $0x100000, s1;
	[bflag:$0x2] =	sbarrier.arrive $0xFFFF  }
0x5e: {  	[sflag:s0] =	ssyncadd.tile.s32 @!p0 $0x1;
	_ =	shalt  }
.Lfunc_end2:
_tile_overlayer_lowered:
.L_overlay_start_2:
0x5f: {  	(tag) =	ssettag $0x2  }
0x60: {  	s0 =	rddreg [dreg:$0x0];
	s2 =	stileid.u32  }
0x61: {  	s1 =	rddreg [dreg:$0x1];
	p0 =	sne.s32 s2, $0x0  }
0x62: {  	s3 =	rddreg [dreg:$0x2];
	[bflag:$0x3] =	sbarrier.arrive $0xFFFF;
	s2 =	simm.s32 @!p0 $0x1C03  }
0x63: {  	[timem:s3], [sflag:s2] =	dma.local @!p0 [hbm:s0], s1  }
0x64: {  	s0 =	simm.s32 @!p0 $0x3  }
0x65: {  	_ =	swait.ge @!p0 [sflag:s0], s1  }
0x66: {  	s1 =	ssub.s32 @!p0 $0x0, s1;
	[sflag:s0] =	ssyncset.done @!p0 $0x0  }
0x67: {  	[sflag:s0] =	ssyncadd.s32 @!p0 s1  }
0x68: {  	[bflag:$0x3] =	sbarrier.arrive $0xFFFF  }
0x69: {  	_ =	shalt  }

// kernel: kernel.20.cloned.1.call-start
scs
__scs_entry_jumppad:
0x0: {  	(pc) =	sbr.rel $0x88, $3  }
0x1: {  	(tag) =	ssettag $0x0;
	lr =	simm.s32 $0x1  }
0x2: {  	[smem:$0x3F94] =	sst lr;
	_ =	strace $0xD0000000  }
0x3: {  	_ = 	snop  }
0x4: {  	_ = 	snop  }
0x5: {  	_ = 	snop  }
0x6: {  	_ = 	snop  }
0x7: {  	_ = 	snop  }
__scs_overlays_trampoline_lowered:
0x8: {  	[smem:$0x3FA3] =	sst s0  }
0x9: {  	[smem:$0x3FA4] =	sst s1  }
0xa: {  	[smem:$0x3FA5] =	sst s2  }
0xb: {  	[smem:$0x3FA6] =	sst s3  }
0xc: {  	[smem:$0x3FA7] =	sst s4  }
0xd: {  	[smem:$0x3FA8] =	sst s5  }
0xe: {  	[smem:$0x3FA9] =	sst s6  }
0xf: {  	[smem:$0x3FAA] =	sst s7  }
0x10: {  	[smem:$0x3FAB] =	sst s8  }
0x11: {  	[smem:$0x3FAC] =	sst s9;
	s0 =	simm.s32 @!p0 $0x0  }
0x12: {  	s1 =	sld [smem:$0x3F92];
	s0 =	simm.s32 @p0 $0x1  }
0x13: {  	[smem:$0x3FAD] =	sst s0;
	s0 =	simm.s32 @!p1 $0x0  }
0x14: {  	s2 =	sld [smem:$0x3F91];
	s0 =	simm.s32 @p1 $0x1  }
0x15: {  	[smem:$0x3FAE] =	sst s0;
	s0 =	simm.s32 @!p2 $0x0  }
0x16: {  	s3 =	sld [smem:$0x3FDB];
	s0 =	simm.s32 @p2 $0x1  }
0x17: {  	s4 =	simm.s32 $0x1BF5;
	[smem:$0x3FB0] =	sst s0  }
0x18: {  	s0 =	sld [smem:$0x3F93];
	_ =	swait.ge [sflag:s4], $0x0  }
0x19: {  	s7 =	sld [smem:$0x3F94]  }
0x1a: {  	s8 =	sadd.s32 $0xFFFFE003, lr  }
0x1b: {  	s9 =	sadd.s32 $0xFFFFFEF7, lr;
	s5 =	simm.s32 $0xFFFFFFFF;
	p2 =	slt.u32 s8, $0xFFFFF086  }
0x1c: {  	p1 =	slt.u32 s9, $0xF7A;
	s5 =	simm.s32 @!p2 $0x0  }
0x1d: {  	s5 =	simm.s32 @p1 $0x1;
	p0 =	seq.s32 s7, s2  }
0x1e: {  	s7 =	smul.u32 @!p0 $0xF7A, s2;
	p2 =	seq.s32 @!p0 s5, $0x0  }
0x1f: {  	s9 =	smul.u32 $0xF7A, s1;
	s8 =	simm.s32 @!p0 $0x1BF5;
	p2 =	por !p2, p0  }
0x20: {  	[sflag:s8] =	ssyncset.s32 @!p0 $0xFFFFF086;
	s6 =	sadd.s32 @!p0 s3, s7;
	s7 =	simm.s32 @!p0 $0x108  }
0x21: {  	s3 =	sadd.s32 s3, s9;
	s6 =	sadd.s32 @!p0 $0x88, s6;
	s7 =	simm.s32 @p2 $0x1082  }
0x22: {  	[simem:s7], [sflag:s8] =	dma.local @!p0 [hbm:s6], $0xF7A  }
0x23: {  	s9 =	sor.u32 $0xD0000000, s2;
	s6 =	simm.s32 $0x108;
	_ =	swait.ge @!p0 [sflag:s8], $0x0  }
0x24: {  	s3 =	sadd.s32 $0x88, s3;
	s6 =	simm.s32 @!p1 $0x1082;
	[sflag:s4] =	ssyncset.s32 $0xFFFFF086  }
0x25: {  	[simem:s6], [sflag:s4] =	dma.local [hbm:s3], $0xF7A  }
0x26: {  	[smem:$0x3F94] =	sst s1;
	(tag) =	ssettag s2;
	_ =	strace s9  }
0x27: {  	s1 =	sld [smem:$0x3FA4]  }
0x28: {  	s2 =	sld [smem:$0x3FA5]  }
0x29: {  	s4 =	sld [smem:$0x3FA7]  }
0x2a: {  	p0 =	seq.s32 s5, $0x0;
	s5 =	sld [smem:$0x3FA8]  }
0x2b: {  	s6 =	sld [smem:$0x3FA9]  }
0x2c: {  	s7 =	sld [smem:$0x3FAA]  }
0x2d: {  	s3 =	simm.s32 $0x108;
	s8 =	sld [smem:$0x3FAB]  }
0x2e: {  	s3 =	simm.s32 @!p0 $0x1082;
	s9 =	sld [smem:$0x3FAC]  }
0x2f: {  	lr =	sadd.s32 s0, s3;
	s0 =	sld [smem:$0x3FA3]  }
0x30: {  	s3 =	sld [smem:$0x3FA6]  }
0x31: {  	[smem:$0x3FAF] =	sst s10  }
0x32: {  	s10 =	sld [smem:$0x3FAD];
	_ =	sdelay $0x3  }
0x33: {  	p0 =	seq.s32 s10, $0x1;
	s10 =	sld [smem:$0x3FAF];
	_ =	sdelay $0x3  }
0x34: {  	[smem:$0x3FAF] =	sst s10  }
0x35: {  	s10 =	sld [smem:$0x3FAE];
	_ =	sdelay $0x3  }
0x36: {  	p1 =	seq.s32 s10, $0x1;
	s10 =	sld [smem:$0x3FAF];
	_ =	sdelay $0x3  }
0x37: {  	[smem:$0x3FAF] =	sst s10  }
0x38: {  	s10 =	sld [smem:$0x3FB0]  }
0x39: {  	_ = 	snop;
	(pc) =	sbr.ind lr, $3  }
0x3a: {  	_ = 	snop  }
0x3b: {  	_ = 	snop  }
0x3c: {  	p2 =	seq.s32 s10, $0x1;
	s10 =	sld [smem:$0x3FAF]  }
0x3d: {  	_ =	shalt  }
0x3e: {  	_ =	shalt  }
0x3f: {  	_ =	shalt  }
0x40: {  	_ =	shalt  }
0x41: {  	_ =	shalt  }
0x42: {  	_ =	shalt  }
0x43: {  	_ =	shalt  }
0x44: {  	_ =	shalt  }
0x45: {  	_ =	shalt  }
0x46: {  	_ =	shalt  }
0x47: {  	_ =	shalt  }
0x48: {  	_ =	shalt  }
0x49: {  	_ =	shalt  }
0x4a: {  	_ =	shalt  }
0x4b: {  	_ =	shalt  }
0x4c: {  	_ =	shalt  }
0x4d: {  	_ =	shalt  }
0x4e: {  	_ =	shalt  }
0x4f: {  	_ =	shalt  }
0x50: {  	_ =	shalt  }
0x51: {  	_ =	shalt  }
0x52: {  	_ =	shalt  }
0x53: {  	_ =	shalt  }
0x54: {  	_ =	shalt  }
0x55: {  	_ =	shalt  }
0x56: {  	_ =	shalt  }
0x57: {  	_ =	shalt  }
0x58: {  	_ =	shalt  }
0x59: {  	_ =	shalt  }
0x5a: {  	_ =	shalt  }
0x5b: {  	_ =	shalt  }
0x5c: {  	_ =	shalt  }
0x5d: {  	_ =	shalt  }
0x5e: {  	_ =	shalt  }
0x5f: {  	_ =	shalt  }
0x60: {  	_ =	shalt  }
0x61: {  	_ =	shalt  }
0x62: {  	_ =	shalt  }
0x63: {  	_ =	shalt  }
0x64: {  	_ =	shalt  }
0x65: {  	_ =	shalt  }
0x66: {  	_ =	shalt  }
0x67: {  	_ =	shalt  }
0x68: {  	_ =	shalt  }
0x69: {  	_ =	shalt  }
0x6a: {  	_ =	shalt  }
0x6b: {  	_ =	shalt  }
0x6c: {  	_ =	shalt  }
0x6d: {  	_ =	shalt  }
0x6e: {  	_ =	shalt  }
0x6f: {  	_ =	shalt  }
0x70: {  	_ =	shalt  }
0x71: {  	_ =	shalt  }
0x72: {  	_ =	shalt  }
0x73: {  	_ =	shalt  }
0x74: {  	_ =	shalt  }
0x75: {  	_ =	shalt  }
0x76: {  	_ =	shalt  }
0x77: {  	_ =	shalt  }
0x78: {  	_ =	shalt  }
0x79: {  	_ =	shalt  }
0x7a: {  	_ =	shalt  }
0x7b: {  	_ =	shalt  }
0x7c: {  	_ =	shalt  }
0x7d: {  	_ =	shalt  }
0x7e: {  	_ =	shalt  }
0x7f: {  	_ =	shalt  }
0x80: {  	_ =	shalt  }
0x81: {  	_ =	shalt  }
0x82: {  	_ =	shalt  }
0x83: {  	_ =	shalt  }
0x84: {  	_ =	shalt  }
0x85: {  	_ =	shalt  }
0x86: {  	_ =	shalt  }
0x87: {  	_ =	shalt  }
.Lfunc_end0:
.L_simem_size_0:
called_computation.2_lowered:
.L_overlay_start_0:
0x88: {  	s2 =	sld [smem:$0x3FD9]  }
0x89: {  	s3 =	sld [smem:$0x3FFE];
	_ =	sdelay $0x1  }
0x8a: {  	s1 =	srdreg.scid  }
0x8b: {  	s0 =	sand.u32 $0x1, s1  }
0x8c: {  	s16 =	sshll.u32 s0, $0xA;
	s2 =	sadd.s32 s3, s2  }
0x8d: {  	s2 =	sadd.s32 s2, s16  }
0x8e: {  	[smem:$0x3FBB] =	sst s2  }
0x8f: {  	_ = 	snop  }
0x90: {  	(tm) =	ssettm $0x1  }
0x91: {  	s17 =	sld [smem:$0x3FFB];
	_ =	sdelay $0x3  }
0x92: {  	_ =	strace s17  }
0x93: {  	s2 =	sld [smem:$0x3FFC];
	_ =	sdelay $0x3  }
0x94: {  	_ =	strace s2  }
0x95: {  	s2 =	sld [smem:$0x3FFD];
	_ =	sdelay $0x3  }
0x96: {  	_ =	strace s2  }
0x97: {  	_ =	strace $0x8FFFFFFF  }
0x98: {  	s18 =	sld [smem:$0x3FDB];
	_ =	sdelay $0x1  }
0x99: {  	s19 =	simm.s32 $_scs_section_size  }
0x9a: {  	s4 =	simm.s32 $_size__tile_overlayer_lowered;
	s5 =	simm.s32 $_tile_overlayer_lowered  }
0x9b: {  	s22 =	simm.s32 $0x1BFF;
	s21 =	sshll.u32 s5, $0x1;
	s2 =	sadd.s32 s19, s18  }
0x9c: {  	s6 =	simm.s32 $0x0;
	s20 =	sshll.u32 s4, $0x1;
	s4 =	sadd.s32 s21, s2  }
0x9d: {  	[timem:s6], [sflag:s22] =	dma.local [hbm:s4], s20  }
0x9e: {  	_ =	swait.ge [sflag:s22], s20  }
0x9f: {  	s3 =	ssub.s32 $0x0, s20;
	[sflag:s22] =	ssyncset.done $0x0  }
0xa0: {  	[sflag:s22] =	ssyncadd.s32 s3;
	_ =	sdelay $0x1  }
0xa1: {  	s23 =	simm.s32 $0x1B8B  }
0xa2: {  	_ =	swait.ge [sflag:s23], $0x1  }
0xa3: {  	[sflag:s23] =	ssyncset.done $0x0  }
0xa4: {  	s25 =	simm.s32 $0x1B8E;
	s24 =	sld [smem:$0x3FFE];
	[sflag:s23] =	ssyncadd.s32 $0xFFFFFFFF  }
0xa5: {  	s26 =	simm.s32 $execute0_lowered;
	[smem:$0x3FD2] =	sst s25  }
0xa6: {  	s4 =	sshll.u32 s26, $0x1;
	_ =	strace $0x8000004C;
	[dreg:$0x1] =	wrdreg $0xFFFFFFFF  }
0xa7: {  	s28 =	simm.s32 $_size_execute0_lowered;
	s2 =	sadd.s32 s2, s4;
	[dreg:$0x0] =	wrdreg $0x0  }
0xa8: {  	s4 =	sshll.u32 s28, $0x1;
	[dreg:$0x2] =	wrdreg s2  }
0xa9: {  	[dreg:$0x3] =	wrdreg s4  }
0xaa: {  	[dreg:$0x4] =	wrdreg $0xC0  }
0xab: {  	_ =	task [dreg:s6], $0x5FFFF  }
0xac: {  	[dreg:$0x1] =	wrdreg $0xFFFFFFFF  }
0xad: {  	[dreg:$0x0] =	wrdreg $0x60  }
0xae: {  	[dreg:$0x2] =	wrdreg s24  }
0xaf: {  	[dreg:$0x3] =	wrdreg $0x58000  }
0xb0: {  	[dreg:$0x4] =	wrdreg $0x9  }
0xb1: {  	_ =	task.clear_ibuf [dreg:s6], $0x5FFFF;
	_ =	strace $0x9000004C  }
0xb2: {  	s29 =	simm.s32 $0x9;
	_ =	strace $0x8000004E  }
0xb3: {  	_ =	swait.ge [sflag:s29], $0x1  }
0xb4: {  	[sflag:s29] =	ssyncadd.s32 $0xFFFFFFFF  }
0xb5: {  	_ =	strace $0x9000004E  }
0xb6: {  	_ =	sfence  }
0xb7: {  	s30 =	sld [smem:$0x0];
	_ =	sdelay $0x2  }
0xb8: {  	s31 =	sshll.u32 s1, $0xD;
	s1 =	sshrl.u32 s1, $0x2  }
0xb9: {  	s3 =	sand.u32 $0x4000, s31;
	s1 =	sadd.s32 s1, s30  }
0xba: {  	s0 =	sor.u32 s3, s0;
	s1 =	sshll.u32 s1, $0x11  }
0xbb: {  	s0 =	sor.u32 s1, s0  }
0xbc: {  	s0 =	sadd.s32 $0x8F2B, s0  }
0xbd: {  	[sflag:s0] =	ssyncadd.remote.s32 $0x1  }
0xbe: {  	_ =	sfence.sel $0xFFFF  }
0xbf: {  	[dreg:$0x0] =	wrdreg $0xFFFFFFFF;
	(pc) =	sbr.abs _section_cstart, $3  }
0xc0: {  	[dreg:$0x1] =	wrdreg $0xFFFFFFFF  }
0xc1: {  	_ =	task.clear_ibuf [dreg:s6], $0x2FFFF;
	_ =	strace $0x9FFFFFFF  }
0xc2: {  	(tm) =	ssettm $0x7FFFFFFF  }
0xc3: {  	_ =	shalt  }
tec
execute0_lowered:
.L_overlay_start_1:
0x0: {  	(tag) =	ssettag $0x1  }
0x1: {  	s6 =	rddreg [dreg:$0x0]  }
0x2: {  	s0 =	srdreg.scid;
	s2 =	rddreg [dreg:$0x1];
	s3 =	simm.s32 $0x0  }
0x3: {  	s13 =	simm.s32 $0x5000;
	s14 =	simm.s32 $0x2;
	s15 =	simm.s32 $0x80  }
0x4: {  	s16 =	simm.s32 $0x4F80;
	s17 =	simm.s32 $0x5400;
	s18 =	simm.s32 $0x0  }
0x5: {  	s5 =	sand.u32 $0x1, s0;
	s0 =	stileid.u32;
	[smem:$0x7FF] =	sst s3  }
0x6: {  	s4 =	sadd.s32 $0x19A00, s6;
	s1 =	sshll.u32 s5, $0x4;
	s8 =	smul.u32 $0x1400, s0  }
0x7: {  	s9 =	smul.u32 $0x14000, s5;
	s5 =	ssub.s32 $0x2, s5;
	s1 =	sor.u32 s0, s1  }
0x8: {  	s31 =	sshll.u32 s0, $0x6;
	s11 =	sshrl.u32 s5, $0x1;
	s7 =	smul.u32 $0x500, s1  }
0x9: {  	s1 =	rddreg [dreg:$0x2];
	_ =	strace $0x8000004D;
	s30 =	sshrl.u32 s8, $0x3  }
0xa: {  	s9 =	sadd.s32 s8, s9;
	s11 =	ssub.s32 s5, s11;
	s12 =	sadd.s32 s8, s2  }
0xb: {  	s9 =	sshrl.u32 s9, $0x3;
	s10 =	sadd.s32 s7, s6;
	s7 =	sadd.s32 s30, s6  }
0xc: {  	s9 =	sadd.s32 s9, s6;
	s6 =	sor.u32 $0x1C03, s31;
	s5 =	sadd.s32 $0x17200, s7  }
0xd: {  	s7 =	sadd.s32 $0xD200, s10;
	s8 =	sadd.s32 $0x3200, s10;
	s9 =	sadd.s32 $0x1C200, s9  }
0xe: {  	s10 =	smax.u32 s11, $0x1;
	s11 =	sshrl.u32 s12, $0x3;
	s12 =	simm.s32 $0x3  }
.LBB2_1:
0xf: {  	[spmem:s11], [sflag:s6] =	dma.local [hbm:s5], $0x280  }
0x10: {  	_ =	swait.ge [sflag:s12], $0x280  }
0x11: {  	[sflag:s12] =	ssyncset.done $0x0  }
0x12: {  	[sflag:s12] =	ssyncadd.s32 $0xFFFFFD80  }
0x13: {  	[tilespmem:s3], [sflag:$0x3] =	stream.linear.gather [hbm4b:s7+s3], $0x2800, $0x38;
	[tilespmem:$0x6200] =	vst v63  }
0x14: {  	_ =	swait.ge [sflag:s12], $0x2800  }
0x15: {  	[sflag:s12] =	ssyncset.done $0x0  }
0x16: {  	s19 =	simm.s32 $0x2800;
	[sflag:s12] =	ssyncadd.s32 $0xFFFFD800  }
0x17: {  	[tilespmem:s19], [sflag:$0x3] =	stream.linear.gather [hbm4b:s8+s3], $0x2800, $0x38;
	[tilespmem:$0x6200] =	vst v63  }
0x18: {  	_ =	swait.ge [sflag:s12], $0x2800  }
0x19: {  	s20 =	sand.u32 $0x1, s3;
	[sflag:s12] =	ssyncset.done $0x0  }
0x1a: {  	p0 =	seq.s32 s20, $0x1;
	[sflag:s12] =	ssyncadd.s32 $0xFFFFD800  }
0x1b: {  	s20 =	simm.s32 @p0 $0x2;
	[bflag:$0x0] =	sbarrier.arrive $0xFFFF  }
0x1c: {  	[tilespmem:s13], [sflag:$0x1] =	stream.indirect.gather [hbm4b:s4+s15], $0x4, s3, s15, $0xb8;
	[tilespmem:$0x6200] =	vst v63  }
0x1d: {  	_ =	swait.ge @p0 [sflag:s20], $0x200  }
0x1e: {  	[sflag:s20] =	ssyncset.done @p0 $0x0  }
0x1f: {  	s21 =	simm.s32 @p0 $0x5000;
	[sflag:s20] =	ssyncadd.s32 @p0 $0xFFFFFE00;
	s20 =	simm.s32 @p0 $0x80  }
0x20: {  	[tilespmem:s21], [sflag:$0x1] =	stream.indirect.gather @p0 [hbm4b:s4+s20], $0x4, s15, s20, $0xb8;
	[tilespmem:$0x6200] =	vst v63  }
0x21: {  	s22 =	simm.s32 @!p0 $0x1;
	s21 =	simm.s32 @p0 $0x5400  }
0x22: {  	[spmem:s2] =	stream.indirect.scatter.add.f32 @p0 [tilespmem:s21], [sflag:$0x3], $0x4, s19, s20, $0xb8;
	[tilespmem:$0x6200] =	vst v63  }
0x23: {  	_ =	swait.ge @!p0 [sflag:s22], $0x200  }
0x24: {  	s21 =	simm.s32 @!p0 $0x4;
	[sflag:s22] =	ssyncset.done @!p0 $0x0  }
0x25: {  	s20 =	simm.s32 @!p0 $0x80;
	[sflag:s22] =	ssyncadd.s32 @!p0 $0xFFFFFE00;
	s22 =	simm.s32 @!p0 $0x5400  }
0x26: {  	[tilespmem:s22], [sflag:$0x2] =	stream.indirect.gather @!p0 [hbm4b:s4+s20], $0x4, s15, s20, $0xb8;
	[tilespmem:$0x6200] =	vst v63  }
0x27: {  	s23 =	simm.s32 $0x1;
	s21 =	simm.s32 @p0 $0x3;
	s22 =	simm.s32 @!p0 $0x5000  }
0x28: {  	[spmem:s2] =	stream.indirect.scatter.add.f32 @!p0 [tilespmem:s22], [sflag:$0x4], $0x4, s19, s20, $0xb8;
	[tilespmem:$0x6200] =	vst v63  }
0x29: {  	s23 =	sand.u32 $0x1, s23;
	s22 =	simm.s32 $0x2;
	_ =	swait.ge [sflag:s21], $0x200  }
0x2a: {  	s19 =	simm.s32 $0x100;
	s20 =	simm.s32 $0x2880;
	[sflag:s21] =	ssyncset.done $0x0  }
.LBB2_2:
0x2b: {  	p1 =	seq.s32 s23, $0x1  }
0x2c: {  	[sflag:s21] =	ssyncadd.s32 $0xFFFFFE00;
	s23 =	smov.u32 s22;
	s22 =	sadd.s32 $0x1, s22  }
0x2d: {  	p0 =	sne.s32 s22, $0x4F;
	s24 =	simm.s32 @p1 $0x2;
	s21 =	simm.s32 @!p1 $0x4  }
0x2e: {  	_ =	swait.ge @p1 [sflag:s24], $0x200  }
0x2f: {  	[sflag:s24] =	ssyncset.done @p1 $0x0  }
0x30: {  	s25 =	simm.s32 @p1 $0x5000;
	[sflag:s24] =	ssyncadd.s32 @p1 $0xFFFFFE00;
	s24 =	simm.s32 @p1 $0x80  }
0x31: {  	[tilespmem:s25], [sflag:$0x1] =	stream.indirect.gather @p1 [hbm4b:s4+s24], $0x4, s19, s24, $0xb8;
	[tilespmem:$0x6200] =	vst v63  }
0x32: {  	s26 =	simm.s32 @!p1 $0x1;
	s25 =	simm.s32 @p1 $0x5400  }
0x33: {  	[spmem:s2] =	stream.indirect.scatter.add.f32 @p1 [tilespmem:s25], [sflag:$0x3], $0x4, s20, s24, $0xb8;
	[tilespmem:$0x6200] =	vst v63  }
0x34: {  	_ =	swait.ge @!p1 [sflag:s26], $0x200  }
0x35: {  	[sflag:s26] =	ssyncset.done @!p1 $0x0  }
0x36: {  	s24 =	simm.s32 @!p1 $0x80;
	s25 =	simm.s32 @!p1 $0x5400;
	[sflag:s26] =	ssyncadd.s32 @!p1 $0xFFFFFE00  }
0x37: {  	[tilespmem:s25], [sflag:$0x2] =	stream.indirect.gather @!p1 [hbm4b:s4+s24], $0x4, s19, s24, $0xb8;
	[tilespmem:$0x6200] =	vst v63  }
.Ltmp0:
0x38: {  	_ = 	snop;
	(pc) =	sbr.rel @p0 .LBB2_2-.Ltmp0, $4  }
0x39: {  	s21 =	simm.s32 @p1 $0x3;
	s25 =	simm.s32 @!p1 $0x5000  }
0x3a: {  	[spmem:s2] =	stream.indirect.scatter.add.f32 @!p1 [tilespmem:s25], [sflag:$0x4], $0x4, s20, s24, $0xb8;
	[tilespmem:$0x6200] =	vst v63  }
0x3b: {  	s19 =	sadd.s32 $0x80, s19;
	_ =	swait.ge [sflag:s21], $0x200  }
0x3c: {  	s23 =	sand.u32 $0x1, s23;
	s20 =	sadd.s32 $0x80, s20;
	[sflag:s21] =	ssyncset.done $0x0  }
0x3d: {  	p0 =	seq.s32 s23, $0x1  }
0x3e: {  	[sflag:s21] =	ssyncadd.s32 $0xFFFFFE00;
	s21 =	simm.s32 @p0 $0x2  }
0x3f: {  	_ =	swait.ge @p0 [sflag:s21], $0x200  }
0x40: {  	[sflag:s21] =	ssyncset.done @p0 $0x0  }
0x41: {  	s22 =	simm.s32 @p0 $0x5000;
	[sflag:s21] =	ssyncadd.s32 @p0 $0xFFFFFE00;
	s21 =	simm.s32 @p0 $0x80  }
0x42: {  	[tilespmem:s22], [sflag:$0x1] =	stream.indirect.gather @p0 [hbm4b:s4+s21], $0x4, s19, s21, $0xb8;
	[tilespmem:$0x6200] =	vst v63  }
0x43: {  	s23 =	simm.s32 @!p0 $0x1;
	s22 =	simm.s32 @p0 $0x5400  }
0x44: {  	[spmem:s2] =	stream.indirect.scatter.add.f32 @p0 [tilespmem:s22], [sflag:$0x3], $0x4, s20, s21, $0xb8;
	[tilespmem:$0x6200] =	vst v63  }
0x45: {  	_ =	swait.ge @!p0 [sflag:s23], $0x200  }
0x46: {  	s21 =	simm.s32 @!p0 $0x4;
	[sflag:s23] =	ssyncset.done @!p0 $0x0  }
0x47: {  	s22 =	simm.s32 @!p0 $0x80;
	[sflag:s23] =	ssyncadd.s32 @!p0 $0xFFFFFE00;
	s23 =	simm.s32 @!p0 $0x5400  }
0x48: {  	[tilespmem:s23], [sflag:$0x2] =	stream.indirect.gather @!p0 [hbm4b:s4+s22], $0x4, s19, s22, $0xb8;
	[tilespmem:$0x6200] =	vst v63  }
0x49: {  	s21 =	simm.s32 @p0 $0x3;
	s19 =	simm.s32 @!p0 $0x5000  }
0x4a: {  	[spmem:s2] =	stream.indirect.scatter.add.f32 @!p0 [tilespmem:s19], [sflag:$0x4], $0x4, s20, s22, $0xb8;
	[tilespmem:$0x6200] =	vst v63  }
0x4b: {  	_ =	swait.ge [sflag:s21], $0x200  }
0x4c: {  	[sflag:s21] =	ssyncset.done $0x0  }
0x4d: {  	[sflag:s21] =	ssyncadd.s32 $0xFFFFFE00  }
0x4e: {  	_ =	swait.ge [sflag:s14], $0x200  }
0x4f: {  	[sflag:s14] =	ssyncset.done $0x0  }
0x50: {  	[sflag:s14] =	ssyncadd.s32 $0xFFFFFE00  }
0x51: {  	[spmem:s2] =	stream.indirect.scatter.add.f32 [tilespmem:s17], [sflag:$0x3], $0x4, s16, s15, $0xb8;
	[tilespmem:$0x6200] =	vst v63  }
0x52: {  	_ =	swait.ge [sflag:s12], $0x200  }
0x53: {  	s18 =	sadd.s32 $0x1, s18;
	[sflag:s12] =	ssyncset.done $0x0  }
0x54: {  	p0 =	sne.s32 s18, s10;
	[sflag:s12] =	ssyncadd.s32 $0xFFFFFE00  }
.Ltmp1:
0x55: {  	[bflag:$0x0] =	sbarrier.arrive $0xFFFF;
	(pc) =	sbr.rel @p0 .LBB2_1-.Ltmp1, $4  }
0x56: {  	[hbm:s9], [sflag:s6] =	dma.local [spmem:s11], $0x280  }
0x57: {  	_ =	swait.ge [sflag:s12], $0x280  }
0x58: {  	[sflag:s12] =	ssyncset.done $0x0  }
0x59: {  	[sflag:s12] =	ssyncadd.s32 $0xFFFFFD80  }
0x5a: {  	_ =	sfence.sel $0x180000  }
0x5b: {  	[bflag:$0x0] =	sbarrier.arrive $0xFFFF  }
0x5c: {  	p0 =	sne.s32 s0, $0x0;
	_ =	strace $0x9000004D  }
0x5d: {  	s0 =	sadd.s32 @!p0 $0x100000, s1;
	[bflag:$0x2] =	sbarrier.arrive $0xFFFF  }
0x5e: {  	[sflag:s0] =	ssyncadd.tile.s32 @!p0 $0x1;
	_ =	shalt  }
.Lfunc_end2:
_tile_overlayer_lowered:
.L_overlay_start_2:
0x5f: {  	(tag) =	ssettag $0x2  }
0x60: {  	s0 =	rddreg [dreg:$0x0];
	s2 =	stileid.u32  }
0x61: {  	s1 =	rddreg [dreg:$0x1];
	p0 =	sne.s32 s2, $0x0  }
0x62: {  	s3 =	rddreg [dreg:$0x2];
	[bflag:$0x3] =	sbarrier.arrive $0xFFFF;
	s2 =	simm.s32 @!p0 $0x1C03  }
0x63: {  	[timem:s3], [sflag:s2] =	dma.local @!p0 [hbm:s0], s1  }
0x64: {  	s0 =	simm.s32 @!p0 $0x3  }
0x65: {  	_ =	swait.ge @!p0 [sflag:s0], s1  }
0x66: {  	s1 =	ssub.s32 @!p0 $0x0, s1;
	[sflag:s0] =	ssyncset.done @!p0 $0x0  }
0x67: {  	[sflag:s0] =	ssyncadd.s32 @!p0 s1  }
0x68: {  	[bflag:$0x3] =	sbarrier.arrive $0xFFFF  }
0x69: {  	_ =	shalt  }

// kernel: kernel.23.cloned.1.call-start
scs
__scs_entry_jumppad:
0x0: {  	(pc) =	sbr.rel $0x88, $3  }
0x1: {  	(tag) =	ssettag $0x0;
	lr =	simm.s32 $0x1  }
0x2: {  	[smem:$0x3F94] =	sst lr;
	_ =	strace $0xD0000000  }
0x3: {  	_ = 	snop  }
0x4: {  	_ = 	snop  }
0x5: {  	_ = 	snop  }
0x6: {  	_ = 	snop  }
0x7: {  	_ = 	snop  }
__scs_overlays_trampoline_lowered:
0x8: {  	[smem:$0x3FA3] =	sst s0  }
0x9: {  	[smem:$0x3FA4] =	sst s1  }
0xa: {  	[smem:$0x3FA5] =	sst s2  }
0xb: {  	[smem:$0x3FA6] =	sst s3  }
0xc: {  	[smem:$0x3FA7] =	sst s4  }
0xd: {  	[smem:$0x3FA8] =	sst s5  }
0xe: {  	[smem:$0x3FA9] =	sst s6  }
0xf: {  	[smem:$0x3FAA] =	sst s7  }
0x10: {  	[smem:$0x3FAB] =	sst s8  }
0x11: {  	[smem:$0x3FAC] =	sst s9;
	s0 =	simm.s32 @!p0 $0x0  }
0x12: {  	s1 =	sld [smem:$0x3F92];
	s0 =	simm.s32 @p0 $0x1  }
0x13: {  	[smem:$0x3FAD] =	sst s0;
	s0 =	simm.s32 @!p1 $0x0  }
0x14: {  	s2 =	sld [smem:$0x3F91];
	s0 =	simm.s32 @p1 $0x1  }
0x15: {  	[smem:$0x3FAE] =	sst s0;
	s0 =	simm.s32 @!p2 $0x0  }
0x16: {  	s3 =	sld [smem:$0x3FDB];
	s0 =	simm.s32 @p2 $0x1  }
0x17: {  	s4 =	simm.s32 $0x1BF5;
	[smem:$0x3FB0] =	sst s0  }
0x18: {  	s0 =	sld [smem:$0x3F93];
	_ =	swait.ge [sflag:s4], $0x0  }
0x19: {  	s7 =	sld [smem:$0x3F94]  }
0x1a: {  	s8 =	sadd.s32 $0xFFFFE003, lr  }
0x1b: {  	s9 =	sadd.s32 $0xFFFFFEF7, lr;
	s5 =	simm.s32 $0xFFFFFFFF;
	p2 =	slt.u32 s8, $0xFFFFF086  }
0x1c: {  	p1 =	slt.u32 s9, $0xF7A;
	s5 =	simm.s32 @!p2 $0x0  }
0x1d: {  	s5 =	simm.s32 @p1 $0x1;
	p0 =	seq.s32 s7, s2  }
0x1e: {  	s7 =	smul.u32 @!p0 $0xF7A, s2;
	p2 =	seq.s32 @!p0 s5, $0x0  }
0x1f: {  	s9 =	smul.u32 $0xF7A, s1;
	s8 =	simm.s32 @!p0 $0x1BF5;
	p2 =	por !p2, p0  }
0x20: {  	[sflag:s8] =	ssyncset.s32 @!p0 $0xFFFFF086;
	s6 =	sadd.s32 @!p0 s3, s7;
	s7 =	simm.s32 @!p0 $0x108  }
0x21: {  	s3 =	sadd.s32 s3, s9;
	s6 =	sadd.s32 @!p0 $0x88, s6;
	s7 =	simm.s32 @p2 $0x1082  }
0x22: {  	[simem:s7], [sflag:s8] =	dma.local @!p0 [hbm:s6], $0xF7A  }
0x23: {  	s9 =	sor.u32 $0xD0000000, s2;
	s6 =	simm.s32 $0x108;
	_ =	swait.ge @!p0 [sflag:s8], $0x0  }
0x24: {  	s3 =	sadd.s32 $0x88, s3;
	s6 =	simm.s32 @!p1 $0x1082;
	[sflag:s4] =	ssyncset.s32 $0xFFFFF086  }
0x25: {  	[simem:s6], [sflag:s4] =	dma.local [hbm:s3], $0xF7A  }
0x26: {  	[smem:$0x3F94] =	sst s1;
	(tag) =	ssettag s2;
	_ =	strace s9  }
0x27: {  	s1 =	sld [smem:$0x3FA4]  }
0x28: {  	s2 =	sld [smem:$0x3FA5]  }
0x29: {  	s4 =	sld [smem:$0x3FA7]  }
0x2a: {  	p0 =	seq.s32 s5, $0x0;
	s5 =	sld [smem:$0x3FA8]  }
0x2b: {  	s6 =	sld [smem:$0x3FA9]  }
0x2c: {  	s7 =	sld [smem:$0x3FAA]  }
0x2d: {  	s3 =	simm.s32 $0x108;
	s8 =	sld [smem:$0x3FAB]  }
0x2e: {  	s3 =	simm.s32 @!p0 $0x1082;
	s9 =	sld [smem:$0x3FAC]  }
0x2f: {  	lr =	sadd.s32 s0, s3;
	s0 =	sld [smem:$0x3FA3]  }
0x30: {  	s3 =	sld [smem:$0x3FA6]  }
0x31: {  	[smem:$0x3FAF] =	sst s10  }
0x32: {  	s10 =	sld [smem:$0x3FAD];
	_ =	sdelay $0x3  }
0x33: {  	p0 =	seq.s32 s10, $0x1;
	s10 =	sld [smem:$0x3FAF];
	_ =	sdelay $0x3  }
0x34: {  	[smem:$0x3FAF] =	sst s10  }
0x35: {  	s10 =	sld [smem:$0x3FAE];
	_ =	sdelay $0x3  }
0x36: {  	p1 =	seq.s32 s10, $0x1;
	s10 =	sld [smem:$0x3FAF];
	_ =	sdelay $0x3  }
0x37: {  	[smem:$0x3FAF] =	sst s10  }
0x38: {  	s10 =	sld [smem:$0x3FB0]  }
0x39: {  	_ = 	snop;
	(pc) =	sbr.ind lr, $3  }
0x3a: {  	_ = 	snop  }
0x3b: {  	_ = 	snop  }
0x3c: {  	p2 =	seq.s32 s10, $0x1;
	s10 =	sld [smem:$0x3FAF]  }
0x3d: {  	_ =	shalt  }
0x3e: {  	_ =	shalt  }
0x3f: {  	_ =	shalt  }
0x40: {  	_ =	shalt  }
0x41: {  	_ =	shalt  }
0x42: {  	_ =	shalt  }
0x43: {  	_ =	shalt  }
0x44: {  	_ =	shalt  }
0x45: {  	_ =	shalt  }
0x46: {  	_ =	shalt  }
0x47: {  	_ =	shalt  }
0x48: {  	_ =	shalt  }
0x49: {  	_ =	shalt  }
0x4a: {  	_ =	shalt  }
0x4b: {  	_ =	shalt  }
0x4c: {  	_ =	shalt  }
0x4d: {  	_ =	shalt  }
0x4e: {  	_ =	shalt  }
0x4f: {  	_ =	shalt  }
0x50: {  	_ =	shalt  }
0x51: {  	_ =	shalt  }
0x52: {  	_ =	shalt  }
0x53: {  	_ =	shalt  }
0x54: {  	_ =	shalt  }
0x55: {  	_ =	shalt  }
0x56: {  	_ =	shalt  }
0x57: {  	_ =	shalt  }
0x58: {  	_ =	shalt  }
0x59: {  	_ =	shalt  }
0x5a: {  	_ =	shalt  }
0x5b: {  	_ =	shalt  }
0x5c: {  	_ =	shalt  }
0x5d: {  	_ =	shalt  }
0x5e: {  	_ =	shalt  }
0x5f: {  	_ =	shalt  }
0x60: {  	_ =	shalt  }
0x61: {  	_ =	shalt  }
0x62: {  	_ =	shalt  }
0x63: {  	_ =	shalt  }
0x64: {  	_ =	shalt  }
0x65: {  	_ =	shalt  }
0x66: {  	_ =	shalt  }
0x67: {  	_ =	shalt  }
0x68: {  	_ =	shalt  }
0x69: {  	_ =	shalt  }
0x6a: {  	_ =	shalt  }
0x6b: {  	_ =	shalt  }
0x6c: {  	_ =	shalt  }
0x6d: {  	_ =	shalt  }
0x6e: {  	_ =	shalt  }
0x6f: {  	_ =	shalt  }
0x70: {  	_ =	shalt  }
0x71: {  	_ =	shalt  }
0x72: {  	_ =	shalt  }
0x73: {  	_ =	shalt  }
0x74: {  	_ =	shalt  }
0x75: {  	_ =	shalt  }
0x76: {  	_ =	shalt  }
0x77: {  	_ =	shalt  }
0x78: {  	_ =	shalt  }
0x79: {  	_ =	shalt  }
0x7a: {  	_ =	shalt  }
0x7b: {  	_ =	shalt  }
0x7c: {  	_ =	shalt  }
0x7d: {  	_ =	shalt  }
0x7e: {  	_ =	shalt  }
0x7f: {  	_ =	shalt  }
0x80: {  	_ =	shalt  }
0x81: {  	_ =	shalt  }
0x82: {  	_ =	shalt  }
0x83: {  	_ =	shalt  }
0x84: {  	_ =	shalt  }
0x85: {  	_ =	shalt  }
0x86: {  	_ =	shalt  }
0x87: {  	_ =	shalt  }
.Lfunc_end0:
.L_simem_size_0:
called_computation.3_lowered:
.L_overlay_start_0:
0x88: {  	s2 =	sld [smem:$0x3FD9]  }
0x89: {  	s3 =	sld [smem:$0x3FFE];
	_ =	sdelay $0x1  }
0x8a: {  	s1 =	srdreg.scid  }
0x8b: {  	s0 =	sand.u32 $0x1, s1  }
0x8c: {  	s16 =	sshll.u32 s0, $0xA;
	s2 =	sadd.s32 s3, s2  }
0x8d: {  	s2 =	sadd.s32 s2, s16  }
0x8e: {  	[smem:$0x3FBB] =	sst s2  }
0x8f: {  	_ = 	snop  }
0x90: {  	(tm) =	ssettm $0x1  }
0x91: {  	s17 =	sld [smem:$0x3FFB];
	_ =	sdelay $0x3  }
0x92: {  	_ =	strace s17  }
0x93: {  	s2 =	sld [smem:$0x3FFC];
	_ =	sdelay $0x3  }
0x94: {  	_ =	strace s2  }
0x95: {  	s2 =	sld [smem:$0x3FFD];
	_ =	sdelay $0x3  }
0x96: {  	_ =	strace s2  }
0x97: {  	_ =	strace $0x8FFFFFFF  }
0x98: {  	s18 =	sld [smem:$0x3FDB];
	_ =	sdelay $0x1  }
0x99: {  	s19 =	simm.s32 $_scs_section_size  }
0x9a: {  	s4 =	simm.s32 $_size__tile_overlayer_lowered;
	s5 =	simm.s32 $_tile_overlayer_lowered  }
0x9b: {  	s22 =	simm.s32 $0x1BFF;
	s21 =	sshll.u32 s5, $0x1;
	s2 =	sadd.s32 s19, s18  }
0x9c: {  	s6 =	simm.s32 $0x0;
	s20 =	sshll.u32 s4, $0x1;
	s4 =	sadd.s32 s21, s2  }
0x9d: {  	[timem:s6], [sflag:s22] =	dma.local [hbm:s4], s20  }
0x9e: {  	_ =	swait.ge [sflag:s22], s20  }
0x9f: {  	s3 =	ssub.s32 $0x0, s20;
	[sflag:s22] =	ssyncset.done $0x0  }
0xa0: {  	[sflag:s22] =	ssyncadd.s32 s3;
	_ =	sdelay $0x1  }
0xa1: {  	s23 =	simm.s32 $0x1B8B  }
0xa2: {  	_ =	swait.ge [sflag:s23], $0x1  }
0xa3: {  	[sflag:s23] =	ssyncset.done $0x0  }
0xa4: {  	s25 =	simm.s32 $0x1B8E;
	s24 =	sld [smem:$0x3FFE];
	[sflag:s23] =	ssyncadd.s32 $0xFFFFFFFF  }
0xa5: {  	s26 =	simm.s32 $execute0_lowered;
	[smem:$0x3FD2] =	sst s25  }
0xa6: {  	s4 =	sshll.u32 s26, $0x1;
	_ =	strace $0x8000004F;
	[dreg:$0x1] =	wrdreg $0xFFFFFFFF  }
0xa7: {  	s28 =	simm.s32 $_size_execute0_lowered;
	s2 =	sadd.s32 s2, s4;
	[dreg:$0x0] =	wrdreg $0x0  }
0xa8: {  	s4 =	sshll.u32 s28, $0x1;
	[dreg:$0x2] =	wrdreg s2  }
0xa9: {  	[dreg:$0x3] =	wrdreg s4  }
0xaa: {  	[dreg:$0x4] =	wrdreg $0xC0  }
0xab: {  	_ =	task [dreg:s6], $0x5FFFF  }
0xac: {  	[dreg:$0x1] =	wrdreg $0xFFFFFFFF  }
0xad: {  	[dreg:$0x0] =	wrdreg $0x60  }
0xae: {  	[dreg:$0x2] =	wrdreg s24  }
0xaf: {  	[dreg:$0x3] =	wrdreg $0x58000  }
0xb0: {  	[dreg:$0x4] =	wrdreg $0x9  }
0xb1: {  	_ =	task.clear_ibuf [dreg:s6], $0x5FFFF;
	_ =	strace $0x9000004F  }
0xb2: {  	s29 =	simm.s32 $0x9;
	_ =	strace $0x80000051  }
0xb3: {  	_ =	swait.ge [sflag:s29], $0x1  }
0xb4: {  	[sflag:s29] =	ssyncadd.s32 $0xFFFFFFFF  }
0xb5: {  	_ =	strace $0x90000051  }
0xb6: {  	_ =	sfence  }
0xb7: {  	s30 =	sld [smem:$0x0];
	_ =	sdelay $0x2  }
0xb8: {  	s31 =	sshll.u32 s1, $0xD;
	s1 =	sshrl.u32 s1, $0x2  }
0xb9: {  	s3 =	sand.u32 $0x4000, s31;
	s1 =	sadd.s32 s1, s30  }
0xba: {  	s0 =	sor.u32 s3, s0;
	s1 =	sshll.u32 s1, $0x11  }
0xbb: {  	s0 =	sor.u32 s1, s0  }
0xbc: {  	s0 =	sadd.s32 $0x8F2B, s0  }
0xbd: {  	[sflag:s0] =	ssyncadd.remote.s32 $0x1  }
0xbe: {  	_ =	sfence.sel $0xFFFF  }
0xbf: {  	[dreg:$0x0] =	wrdreg $0xFFFFFFFF;
	(pc) =	sbr.abs _section_cstart, $3  }
0xc0: {  	[dreg:$0x1] =	wrdreg $0xFFFFFFFF  }
0xc1: {  	_ =	task.clear_ibuf [dreg:s6], $0x2FFFF;
	_ =	strace $0x9FFFFFFF  }
0xc2: {  	(tm) =	ssettm $0x7FFFFFFF  }
0xc3: {  	_ =	shalt  }
tec
execute0_lowered:
.L_overlay_start_1:
0x0: {  	(tag) =	ssettag $0x1  }
0x1: {  	s6 =	rddreg [dreg:$0x0]  }
0x2: {  	s0 =	srdreg.scid;
	s2 =	rddreg [dreg:$0x1];
	s3 =	simm.s32 $0x0  }
0x3: {  	s13 =	simm.s32 $0x5000;
	s14 =	simm.s32 $0x2;
	s15 =	simm.s32 $0x80  }
0x4: {  	s16 =	simm.s32 $0x4F80;
	s17 =	simm.s32 $0x5400;
	s18 =	simm.s32 $0x0  }
0x5: {  	s5 =	sand.u32 $0x1, s0;
	s0 =	stileid.u32;
	[smem:$0x7FF] =	sst s3  }
0x6: {  	s4 =	sadd.s32 $0x17200, s6;
	s1 =	sshll.u32 s5, $0x4;
	s8 =	smul.u32 $0x1400, s0  }
0x7: {  	s9 =	smul.u32 $0x14000, s5;
	s5 =	ssub.s32 $0x2, s5;
	s1 =	sor.u32 s0, s1  }
0x8: {  	s31 =	sshll.u32 s0, $0x6;
	s11 =	sshrl.u32 s5, $0x1;
	s7 =	smul.u32 $0x500, s1  }
0x9: {  	s1 =	rddreg [dreg:$0x2];
	_ =	strace $0x80000050;
	s30 =	sshrl.u32 s8, $0x3  }
0xa: {  	s9 =	sadd.s32 s8, s9;
	s11 =	ssub.s32 s5, s11;
	s12 =	sadd.s32 s8, s2  }
0xb: {  	s9 =	sshrl.u32 s9, $0x3;
	s10 =	sadd.s32 s7, s6;
	s7 =	sadd.s32 s30, s6  }
0xc: {  	s9 =	sadd.s32 s9, s6;
	s6 =	sor.u32 $0x1C03, s31;
	s5 =	sadd.s32 $0x19A00, s7  }
0xd: {  	s7 =	sadd.s32 $0xD200, s10;
	s8 =	sadd.s32 $0x3200, s10;
	s9 =	sadd.s32 $0x1C200, s9  }
0xe: {  	s10 =	smax.u32 s11, $0x1;
	s11 =	sshrl.u32 s12, $0x3;
	s12 =	simm.s32 $0x3  }
.LBB2_1:
0xf: {  	[spmem:s11], [sflag:s6] =	dma.local [hbm:s5], $0x280  }
0x10: {  	_ =	swait.ge [sflag:s12], $0x280  }
0x11: {  	[sflag:s12] =	ssyncset.done $0x0  }
0x12: {  	[sflag:s12] =	ssyncadd.s32 $0xFFFFFD80  }
0x13: {  	[tilespmem:s3], [sflag:$0x3] =	stream.linear.gather [hbm4b:s7+s3], $0x2800, $0x38;
	[tilespmem:$0x6C00] =	vst v63  }
0x14: {  	_ =	swait.ge [sflag:s12], $0x2800  }
0x15: {  	[sflag:s12] =	ssyncset.done $0x0  }
0x16: {  	s19 =	simm.s32 $0x2800;
	[sflag:s12] =	ssyncadd.s32 $0xFFFFD800  }
0x17: {  	[tilespmem:s19], [sflag:$0x3] =	stream.linear.gather [hbm4b:s8+s3], $0x2800, $0x38;
	[tilespmem:$0x6C00] =	vst v63  }
0x18: {  	_ =	swait.ge [sflag:s12], $0x2800  }
0x19: {  	s20 =	sand.u32 $0x1, s3;
	[sflag:s12] =	ssyncset.done $0x0  }
0x1a: {  	p0 =	seq.s32 s20, $0x1;
	[sflag:s12] =	ssyncadd.s32 $0xFFFFD800  }
0x1b: {  	s20 =	simm.s32 @p0 $0x2;
	[bflag:$0x0] =	sbarrier.arrive $0xFFFF  }
0x1c: {  	[tilespmem:s13], [sflag:$0x1] =	stream.indirect.gather [hbm4b:s4+s15], $0x8, s3, s15, $0xb8;
	[tilespmem:$0x6C00] =	vst v63  }
0x1d: {  	_ =	swait.ge @p0 [sflag:s20], $0x400  }
0x1e: {  	[sflag:s20] =	ssyncset.done @p0 $0x0  }
0x1f: {  	s21 =	simm.s32 @p0 $0x5000;
	[sflag:s20] =	ssyncadd.s32 @p0 $0xFFFFFC00;
	s20 =	simm.s32 @p0 $0x80  }
0x20: {  	[tilespmem:s21], [sflag:$0x1] =	stream.indirect.gather @p0 [hbm4b:s4+s20], $0x8, s15, s20, $0xb8;
	[tilespmem:$0x6C00] =	vst v63  }
0x21: {  	s22 =	simm.s32 @!p0 $0x1;
	s21 =	simm.s32 @p0 $0x5400  }
0x22: {  	[spmem:s2] =	stream.indirect.scatter.add.f32 @p0 [tilespmem:s21], [sflag:$0x3], $0x8, s19, s20, $0xb8;
	[tilespmem:$0x6C00] =	vst v63  }
0x23: {  	_ =	swait.ge @!p0 [sflag:s22], $0x400  }
0x24: {  	s21 =	simm.s32 @!p0 $0x4;
	[sflag:s22] =	ssyncset.done @!p0 $0x0  }
0x25: {  	s20 =	simm.s32 @!p0 $0x80;
	[sflag:s22] =	ssyncadd.s32 @!p0 $0xFFFFFC00;
	s22 =	simm.s32 @!p0 $0x5400  }
0x26: {  	[tilespmem:s22], [sflag:$0x2] =	stream.indirect.gather @!p0 [hbm4b:s4+s20], $0x8, s15, s20, $0xb8;
	[tilespmem:$0x6C00] =	vst v63  }
0x27: {  	s23 =	simm.s32 $0x1;
	s21 =	simm.s32 @p0 $0x3;
	s22 =	simm.s32 @!p0 $0x5000  }
0x28: {  	[spmem:s2] =	stream.indirect.scatter.add.f32 @!p0 [tilespmem:s22], [sflag:$0x4], $0x8, s19, s20, $0xb8;
	[tilespmem:$0x6C00] =	vst v63  }
0x29: {  	s23 =	sand.u32 $0x1, s23;
	s22 =	simm.s32 $0x2;
	_ =	swait.ge [sflag:s21], $0x400  }
0x2a: {  	s19 =	simm.s32 $0x100;
	s20 =	simm.s32 $0x2880;
	[sflag:s21] =	ssyncset.done $0x0  }
.LBB2_2:
0x2b: {  	p1 =	seq.s32 s23, $0x1  }
0x2c: {  	[sflag:s21] =	ssyncadd.s32 $0xFFFFFC00;
	s23 =	smov.u32 s22;
	s22 =	sadd.s32 $0x1, s22  }
0x2d: {  	p0 =	sne.s32 s22, $0x4F;
	s24 =	simm.s32 @p1 $0x2;
	s21 =	simm.s32 @!p1 $0x4  }
0x2e: {  	_ =	swait.ge @p1 [sflag:s24], $0x400  }
0x2f: {  	[sflag:s24] =	ssyncset.done @p1 $0x0  }
0x30: {  	s25 =	simm.s32 @p1 $0x5000;
	[sflag:s24] =	ssyncadd.s32 @p1 $0xFFFFFC00;
	s24 =	simm.s32 @p1 $0x80  }
0x31: {  	[tilespmem:s25], [sflag:$0x1] =	stream.indirect.gather @p1 [hbm4b:s4+s24], $0x8, s19, s24, $0xb8;
	[tilespmem:$0x6C00] =	vst v63  }
0x32: {  	s26 =	simm.s32 @!p1 $0x1;
	s25 =	simm.s32 @p1 $0x5400  }
0x33: {  	[spmem:s2] =	stream.indirect.scatter.add.f32 @p1 [tilespmem:s25], [sflag:$0x3], $0x8, s20, s24, $0xb8;
	[tilespmem:$0x6C00] =	vst v63  }
0x34: {  	_ =	swait.ge @!p1 [sflag:s26], $0x400  }
0x35: {  	[sflag:s26] =	ssyncset.done @!p1 $0x0  }
0x36: {  	s24 =	simm.s32 @!p1 $0x80;
	s25 =	simm.s32 @!p1 $0x5400;
	[sflag:s26] =	ssyncadd.s32 @!p1 $0xFFFFFC00  }
0x37: {  	[tilespmem:s25], [sflag:$0x2] =	stream.indirect.gather @!p1 [hbm4b:s4+s24], $0x8, s19, s24, $0xb8;
	[tilespmem:$0x6C00] =	vst v63  }
.Ltmp0:
0x38: {  	_ = 	snop;
	(pc) =	sbr.rel @p0 .LBB2_2-.Ltmp0, $4  }
0x39: {  	s21 =	simm.s32 @p1 $0x3;
	s25 =	simm.s32 @!p1 $0x5000  }
0x3a: {  	[spmem:s2] =	stream.indirect.scatter.add.f32 @!p1 [tilespmem:s25], [sflag:$0x4], $0x8, s20, s24, $0xb8;
	[tilespmem:$0x6C00] =	vst v63  }
0x3b: {  	s19 =	sadd.s32 $0x80, s19;
	_ =	swait.ge [sflag:s21], $0x400  }
0x3c: {  	s23 =	sand.u32 $0x1, s23;
	s20 =	sadd.s32 $0x80, s20;
	[sflag:s21] =	ssyncset.done $0x0  }
0x3d: {  	p0 =	seq.s32 s23, $0x1  }
0x3e: {  	[sflag:s21] =	ssyncadd.s32 $0xFFFFFC00;
	s21 =	simm.s32 @p0 $0x2  }
0x3f: {  	_ =	swait.ge @p0 [sflag:s21], $0x400  }
0x40: {  	[sflag:s21] =	ssyncset.done @p0 $0x0  }
0x41: {  	s22 =	simm.s32 @p0 $0x5000;
	[sflag:s21] =	ssyncadd.s32 @p0 $0xFFFFFC00;
	s21 =	simm.s32 @p0 $0x80  }
0x42: {  	[tilespmem:s22], [sflag:$0x1] =	stream.indirect.gather @p0 [hbm4b:s4+s21], $0x8, s19, s21, $0xb8;
	[tilespmem:$0x6C00] =	vst v63  }
0x43: {  	s23 =	simm.s32 @!p0 $0x1;
	s22 =	simm.s32 @p0 $0x5400  }
0x44: {  	[spmem:s2] =	stream.indirect.scatter.add.f32 @p0 [tilespmem:s22], [sflag:$0x3], $0x8, s20, s21, $0xb8;
	[tilespmem:$0x6C00] =	vst v63  }
0x45: {  	_ =	swait.ge @!p0 [sflag:s23], $0x400  }
0x46: {  	s21 =	simm.s32 @!p0 $0x4;
	[sflag:s23] =	ssyncset.done @!p0 $0x0  }
0x47: {  	s22 =	simm.s32 @!p0 $0x80;
	[sflag:s23] =	ssyncadd.s32 @!p0 $0xFFFFFC00;
	s23 =	simm.s32 @!p0 $0x5400  }
0x48: {  	[tilespmem:s23], [sflag:$0x2] =	stream.indirect.gather @!p0 [hbm4b:s4+s22], $0x8, s19, s22, $0xb8;
	[tilespmem:$0x6C00] =	vst v63  }
0x49: {  	s21 =	simm.s32 @p0 $0x3;
	s19 =	simm.s32 @!p0 $0x5000  }
0x4a: {  	[spmem:s2] =	stream.indirect.scatter.add.f32 @!p0 [tilespmem:s19], [sflag:$0x4], $0x8, s20, s22, $0xb8;
	[tilespmem:$0x6C00] =	vst v63  }
0x4b: {  	_ =	swait.ge [sflag:s21], $0x400  }
0x4c: {  	[sflag:s21] =	ssyncset.done $0x0  }
0x4d: {  	[sflag:s21] =	ssyncadd.s32 $0xFFFFFC00  }
0x4e: {  	_ =	swait.ge [sflag:s14], $0x400  }
0x4f: {  	[sflag:s14] =	ssyncset.done $0x0  }
0x50: {  	[sflag:s14] =	ssyncadd.s32 $0xFFFFFC00  }
0x51: {  	[spmem:s2] =	stream.indirect.scatter.add.f32 [tilespmem:s17], [sflag:$0x3], $0x8, s16, s15, $0xb8;
	[tilespmem:$0x6C00] =	vst v63  }
0x52: {  	_ =	swait.ge [sflag:s12], $0x400  }
0x53: {  	s18 =	sadd.s32 $0x1, s18;
	[sflag:s12] =	ssyncset.done $0x0  }
0x54: {  	p0 =	sne.s32 s18, s10;
	[sflag:s12] =	ssyncadd.s32 $0xFFFFFC00  }
.Ltmp1:
0x55: {  	[bflag:$0x0] =	sbarrier.arrive $0xFFFF;
	(pc) =	sbr.rel @p0 .LBB2_1-.Ltmp1, $4  }
0x56: {  	[hbm:s9], [sflag:s6] =	dma.local [spmem:s11], $0x280  }
0x57: {  	_ =	swait.ge [sflag:s12], $0x280  }
0x58: {  	[sflag:s12] =	ssyncset.done $0x0  }
0x59: {  	[sflag:s12] =	ssyncadd.s32 $0xFFFFFD80  }
0x5a: {  	_ =	sfence.sel $0x180000  }
0x5b: {  	[bflag:$0x0] =	sbarrier.arrive $0xFFFF  }
0x5c: {  	p0 =	sne.s32 s0, $0x0;
	_ =	strace $0x90000050  }
0x5d: {  	s0 =	sadd.s32 @!p0 $0x100000, s1;
	[bflag:$0x2] =	sbarrier.arrive $0xFFFF  }
0x5e: {  	[sflag:s0] =	ssyncadd.tile.s32 @!p0 $0x1;
	_ =	shalt  }
.Lfunc_end2:
_tile_overlayer_lowered:
.L_overlay_start_2:
0x5f: {  	(tag) =	ssettag $0x2  }
0x60: {  	s0 =	rddreg [dreg:$0x0];
	s2 =	stileid.u32  }
0x61: {  	s1 =	rddreg [dreg:$0x1];
	p0 =	sne.s32 s2, $0x0  }
0x62: {  	s3 =	rddreg [dreg:$0x2];
	[bflag:$0x3] =	sbarrier.arrive $0xFFFF;
	s2 =	simm.s32 @!p0 $0x1C03  }
0x63: {  	[timem:s3], [sflag:s2] =	dma.local @!p0 [hbm:s0], s1  }
0x64: {  	s0 =	simm.s32 @!p0 $0x3  }
0x65: {  	_ =	swait.ge @!p0 [sflag:s0], s1  }
0x66: {  	s1 =	ssub.s32 @!p0 $0x0, s1;
	[sflag:s0] =	ssyncset.done @!p0 $0x0  }
0x67: {  	[sflag:s0] =	ssyncadd.s32 @!p0 s1  }
0x68: {  	[bflag:$0x3] =	sbarrier.arrive $0xFFFF  }
0x69: {  	_ =	shalt  }

// kernel: kernel.26.cloned.1.call-start
scs
__scs_entry_jumppad:
0x0: {  	(pc) =	sbr.rel $0x88, $3  }
0x1: {  	(tag) =	ssettag $0x0;
	lr =	simm.s32 $0x1  }
0x2: {  	[smem:$0x3F94] =	sst lr;
	_ =	strace $0xD0000000  }
0x3: {  	_ = 	snop  }
0x4: {  	_ = 	snop  }
0x5: {  	_ = 	snop  }
0x6: {  	_ = 	snop  }
0x7: {  	_ = 	snop  }
__scs_overlays_trampoline_lowered:
0x8: {  	[smem:$0x3FA3] =	sst s0  }
0x9: {  	[smem:$0x3FA4] =	sst s1  }
0xa: {  	[smem:$0x3FA5] =	sst s2  }
0xb: {  	[smem:$0x3FA6] =	sst s3  }
0xc: {  	[smem:$0x3FA7] =	sst s4  }
0xd: {  	[smem:$0x3FA8] =	sst s5  }
0xe: {  	[smem:$0x3FA9] =	sst s6  }
0xf: {  	[smem:$0x3FAA] =	sst s7  }
0x10: {  	[smem:$0x3FAB] =	sst s8  }
0x11: {  	[smem:$0x3FAC] =	sst s9;
	s0 =	simm.s32 @!p0 $0x0  }
0x12: {  	s1 =	sld [smem:$0x3F92];
	s0 =	simm.s32 @p0 $0x1  }
0x13: {  	[smem:$0x3FAD] =	sst s0;
	s0 =	simm.s32 @!p1 $0x0  }
0x14: {  	s2 =	sld [smem:$0x3F91];
	s0 =	simm.s32 @p1 $0x1  }
0x15: {  	[smem:$0x3FAE] =	sst s0;
	s0 =	simm.s32 @!p2 $0x0  }
0x16: {  	s3 =	sld [smem:$0x3FDB];
	s0 =	simm.s32 @p2 $0x1  }
0x17: {  	s4 =	simm.s32 $0x1BF5;
	[smem:$0x3FB0] =	sst s0  }
0x18: {  	s0 =	sld [smem:$0x3F93];
	_ =	swait.ge [sflag:s4], $0x0  }
0x19: {  	s7 =	sld [smem:$0x3F94]  }
0x1a: {  	s8 =	sadd.s32 $0xFFFFE003, lr  }
0x1b: {  	s9 =	sadd.s32 $0xFFFFFEF7, lr;
	s5 =	simm.s32 $0xFFFFFFFF;
	p2 =	slt.u32 s8, $0xFFFFF086  }
0x1c: {  	p1 =	slt.u32 s9, $0xF7A;
	s5 =	simm.s32 @!p2 $0x0  }
0x1d: {  	s5 =	simm.s32 @p1 $0x1;
	p0 =	seq.s32 s7, s2  }
0x1e: {  	s7 =	smul.u32 @!p0 $0xF7A, s2;
	p2 =	seq.s32 @!p0 s5, $0x0  }
0x1f: {  	s9 =	smul.u32 $0xF7A, s1;
	s8 =	simm.s32 @!p0 $0x1BF5;
	p2 =	por !p2, p0  }
0x20: {  	[sflag:s8] =	ssyncset.s32 @!p0 $0xFFFFF086;
	s6 =	sadd.s32 @!p0 s3, s7;
	s7 =	simm.s32 @!p0 $0x108  }
0x21: {  	s3 =	sadd.s32 s3, s9;
	s6 =	sadd.s32 @!p0 $0x88, s6;
	s7 =	simm.s32 @p2 $0x1082  }
0x22: {  	[simem:s7], [sflag:s8] =	dma.local @!p0 [hbm:s6], $0xF7A  }
0x23: {  	s9 =	sor.u32 $0xD0000000, s2;
	s6 =	simm.s32 $0x108;
	_ =	swait.ge @!p0 [sflag:s8], $0x0  }
0x24: {  	s3 =	sadd.s32 $0x88, s3;
	s6 =	simm.s32 @!p1 $0x1082;
	[sflag:s4] =	ssyncset.s32 $0xFFFFF086  }
0x25: {  	[simem:s6], [sflag:s4] =	dma.local [hbm:s3], $0xF7A  }
0x26: {  	[smem:$0x3F94] =	sst s1;
	(tag) =	ssettag s2;
	_ =	strace s9  }
0x27: {  	s1 =	sld [smem:$0x3FA4]  }
0x28: {  	s2 =	sld [smem:$0x3FA5]  }
0x29: {  	s4 =	sld [smem:$0x3FA7]  }
0x2a: {  	p0 =	seq.s32 s5, $0x0;
	s5 =	sld [smem:$0x3FA8]  }
0x2b: {  	s6 =	sld [smem:$0x3FA9]  }
0x2c: {  	s7 =	sld [smem:$0x3FAA]  }
0x2d: {  	s3 =	simm.s32 $0x108;
	s8 =	sld [smem:$0x3FAB]  }
0x2e: {  	s3 =	simm.s32 @!p0 $0x1082;
	s9 =	sld [smem:$0x3FAC]  }
0x2f: {  	lr =	sadd.s32 s0, s3;
	s0 =	sld [smem:$0x3FA3]  }
0x30: {  	s3 =	sld [smem:$0x3FA6]  }
0x31: {  	[smem:$0x3FAF] =	sst s10  }
0x32: {  	s10 =	sld [smem:$0x3FAD];
	_ =	sdelay $0x3  }
0x33: {  	p0 =	seq.s32 s10, $0x1;
	s10 =	sld [smem:$0x3FAF];
	_ =	sdelay $0x3  }
0x34: {  	[smem:$0x3FAF] =	sst s10  }
0x35: {  	s10 =	sld [smem:$0x3FAE];
	_ =	sdelay $0x3  }
0x36: {  	p1 =	seq.s32 s10, $0x1;
	s10 =	sld [smem:$0x3FAF];
	_ =	sdelay $0x3  }
0x37: {  	[smem:$0x3FAF] =	sst s10  }
0x38: {  	s10 =	sld [smem:$0x3FB0]  }
0x39: {  	_ = 	snop;
	(pc) =	sbr.ind lr, $3  }
0x3a: {  	_ = 	snop  }
0x3b: {  	_ = 	snop  }
0x3c: {  	p2 =	seq.s32 s10, $0x1;
	s10 =	sld [smem:$0x3FAF]  }
0x3d: {  	_ =	shalt  }
0x3e: {  	_ =	shalt  }
0x3f: {  	_ =	shalt  }
0x40: {  	_ =	shalt  }
0x41: {  	_ =	shalt  }
0x42: {  	_ =	shalt  }
0x43: {  	_ =	shalt  }
0x44: {  	_ =	shalt  }
0x45: {  	_ =	shalt  }
0x46: {  	_ =	shalt  }
0x47: {  	_ =	shalt  }
0x48: {  	_ =	shalt  }
0x49: {  	_ =	shalt  }
0x4a: {  	_ =	shalt  }
0x4b: {  	_ =	shalt  }
0x4c: {  	_ =	shalt  }
0x4d: {  	_ =	shalt  }
0x4e: {  	_ =	shalt  }
0x4f: {  	_ =	shalt  }
0x50: {  	_ =	shalt  }
0x51: {  	_ =	shalt  }
0x52: {  	_ =	shalt  }
0x53: {  	_ =	shalt  }
0x54: {  	_ =	shalt  }
0x55: {  	_ =	shalt  }
0x56: {  	_ =	shalt  }
0x57: {  	_ =	shalt  }
0x58: {  	_ =	shalt  }
0x59: {  	_ =	shalt  }
0x5a: {  	_ =	shalt  }
0x5b: {  	_ =	shalt  }
0x5c: {  	_ =	shalt  }
0x5d: {  	_ =	shalt  }
0x5e: {  	_ =	shalt  }
0x5f: {  	_ =	shalt  }
0x60: {  	_ =	shalt  }
0x61: {  	_ =	shalt  }
0x62: {  	_ =	shalt  }
0x63: {  	_ =	shalt  }
0x64: {  	_ =	shalt  }
0x65: {  	_ =	shalt  }
0x66: {  	_ =	shalt  }
0x67: {  	_ =	shalt  }
0x68: {  	_ =	shalt  }
0x69: {  	_ =	shalt  }
0x6a: {  	_ =	shalt  }
0x6b: {  	_ =	shalt  }
0x6c: {  	_ =	shalt  }
0x6d: {  	_ =	shalt  }
0x6e: {  	_ =	shalt  }
0x6f: {  	_ =	shalt  }
0x70: {  	_ =	shalt  }
0x71: {  	_ =	shalt  }
0x72: {  	_ =	shalt  }
0x73: {  	_ =	shalt  }
0x74: {  	_ =	shalt  }
0x75: {  	_ =	shalt  }
0x76: {  	_ =	shalt  }
0x77: {  	_ =	shalt  }
0x78: {  	_ =	shalt  }
0x79: {  	_ =	shalt  }
0x7a: {  	_ =	shalt  }
0x7b: {  	_ =	shalt  }
0x7c: {  	_ =	shalt  }
0x7d: {  	_ =	shalt  }
0x7e: {  	_ =	shalt  }
0x7f: {  	_ =	shalt  }
0x80: {  	_ =	shalt  }
0x81: {  	_ =	shalt  }
0x82: {  	_ =	shalt  }
0x83: {  	_ =	shalt  }
0x84: {  	_ =	shalt  }
0x85: {  	_ =	shalt  }
0x86: {  	_ =	shalt  }
0x87: {  	_ =	shalt  }
.Lfunc_end0:
.L_simem_size_0:
called_computation.4_lowered:
.L_overlay_start_0:
0x88: {  	s2 =	sld [smem:$0x3FD9]  }
0x89: {  	s3 =	sld [smem:$0x3FFE];
	_ =	sdelay $0x1  }
0x8a: {  	s1 =	srdreg.scid  }
0x8b: {  	s0 =	sand.u32 $0x1, s1  }
0x8c: {  	s16 =	sshll.u32 s0, $0xA;
	s2 =	sadd.s32 s3, s2  }
0x8d: {  	s2 =	sadd.s32 s2, s16  }
0x8e: {  	[smem:$0x3FBB] =	sst s2  }
0x8f: {  	_ = 	snop  }
0x90: {  	(tm) =	ssettm $0x1  }
0x91: {  	s17 =	sld [smem:$0x3FFB];
	_ =	sdelay $0x3  }
0x92: {  	_ =	strace s17  }
0x93: {  	s2 =	sld [smem:$0x3FFC];
	_ =	sdelay $0x3  }
0x94: {  	_ =	strace s2  }
0x95: {  	s2 =	sld [smem:$0x3FFD];
	_ =	sdelay $0x3  }
0x96: {  	_ =	strace s2  }
0x97: {  	_ =	strace $0x8FFFFFFF  }
0x98: {  	s18 =	sld [smem:$0x3FDB];
	_ =	sdelay $0x1  }
0x99: {  	s19 =	simm.s32 $_scs_section_size  }
0x9a: {  	s4 =	simm.s32 $_size__tile_overlayer_lowered;
	s5 =	simm.s32 $_tile_overlayer_lowered  }
0x9b: {  	s22 =	simm.s32 $0x1BFF;
	s21 =	sshll.u32 s5, $0x1;
	s2 =	sadd.s32 s19, s18  }
0x9c: {  	s6 =	simm.s32 $0x0;
	s20 =	sshll.u32 s4, $0x1;
	s4 =	sadd.s32 s21, s2  }
0x9d: {  	[timem:s6], [sflag:s22] =	dma.local [hbm:s4], s20  }
0x9e: {  	_ =	swait.ge [sflag:s22], s20  }
0x9f: {  	s3 =	ssub.s32 $0x0, s20;
	[sflag:s22] =	ssyncset.done $0x0  }
0xa0: {  	[sflag:s22] =	ssyncadd.s32 s3;
	_ =	sdelay $0x1  }
0xa1: {  	s23 =	simm.s32 $0x1B8B  }
0xa2: {  	_ =	swait.ge [sflag:s23], $0x1  }
0xa3: {  	[sflag:s23] =	ssyncset.done $0x0  }
0xa4: {  	s25 =	simm.s32 $0x1B8E;
	s24 =	sld [smem:$0x3FFE];
	[sflag:s23] =	ssyncadd.s32 $0xFFFFFFFF  }
0xa5: {  	s26 =	simm.s32 $execute0_lowered;
	[smem:$0x3FD2] =	sst s25  }
0xa6: {  	s4 =	sshll.u32 s26, $0x1;
	_ =	strace $0x80000052;
	[dreg:$0x1] =	wrdreg $0xFFFFFFFF  }
0xa7: {  	s28 =	simm.s32 $_size_execute0_lowered;
	s2 =	sadd.s32 s2, s4;
	[dreg:$0x0] =	wrdreg $0x0  }
0xa8: {  	s4 =	sshll.u32 s28, $0x1;
	[dreg:$0x2] =	wrdreg s2  }
0xa9: {  	[dreg:$0x3] =	wrdreg s4  }
0xaa: {  	[dreg:$0x4] =	wrdreg $0xC0  }
0xab: {  	_ =	task [dreg:s6], $0x5FFFF  }
0xac: {  	[dreg:$0x1] =	wrdreg $0xFFFFFFFF  }
0xad: {  	[dreg:$0x0] =	wrdreg $0x60  }
0xae: {  	[dreg:$0x2] =	wrdreg s24  }
0xaf: {  	[dreg:$0x3] =	wrdreg $0x70000  }
0xb0: {  	[dreg:$0x4] =	wrdreg $0x9  }
0xb1: {  	_ =	task.clear_ibuf [dreg:s6], $0x5FFFF;
	_ =	strace $0x90000052  }
0xb2: {  	s29 =	simm.s32 $0x9;
	_ =	strace $0x80000054  }
0xb3: {  	_ =	swait.ge [sflag:s29], $0x1  }
0xb4: {  	[sflag:s29] =	ssyncadd.s32 $0xFFFFFFFF  }
0xb5: {  	_ =	strace $0x90000054  }
0xb6: {  	_ =	sfence  }
0xb7: {  	s30 =	sld [smem:$0x0];
	_ =	sdelay $0x2  }
0xb8: {  	s31 =	sshll.u32 s1, $0xD;
	s1 =	sshrl.u32 s1, $0x2  }
0xb9: {  	s3 =	sand.u32 $0x4000, s31;
	s1 =	sadd.s32 s1, s30  }
0xba: {  	s0 =	sor.u32 s3, s0;
	s1 =	sshll.u32 s1, $0x11  }
0xbb: {  	s0 =	sor.u32 s1, s0  }
0xbc: {  	s0 =	sadd.s32 $0x8F2B, s0  }
0xbd: {  	[sflag:s0] =	ssyncadd.remote.s32 $0x1  }
0xbe: {  	_ =	sfence.sel $0xFFFF  }
0xbf: {  	[dreg:$0x0] =	wrdreg $0xFFFFFFFF;
	(pc) =	sbr.abs _section_cstart, $3  }
0xc0: {  	[dreg:$0x1] =	wrdreg $0xFFFFFFFF  }
0xc1: {  	_ =	task.clear_ibuf [dreg:s6], $0x2FFFF;
	_ =	strace $0x9FFFFFFF  }
0xc2: {  	(tm) =	ssettm $0x7FFFFFFF  }
0xc3: {  	_ =	shalt  }
tec
execute0_lowered:
.L_overlay_start_1:
0x0: {  	(tag) =	ssettag $0x1  }
0x1: {  	s6 =	rddreg [dreg:$0x0]  }
0x2: {  	s0 =	srdreg.scid;
	s2 =	rddreg [dreg:$0x1];
	s3 =	simm.s32 $0x0  }
0x3: {  	s13 =	simm.s32 $0x5000;
	s14 =	simm.s32 $0x2;
	s15 =	simm.s32 $0x80  }
0x4: {  	s16 =	simm.s32 $0x4F80;
	s17 =	simm.s32 $0x6000;
	s18 =	simm.s32 $0x0  }
0x5: {  	s5 =	sand.u32 $0x1, s0;
	s0 =	stileid.u32;
	[smem:$0x7FF] =	sst s3  }
0x6: {  	s4 =	sadd.s32 $0x17200, s6;
	s1 =	sshll.u32 s5, $0x4;
	s8 =	smul.u32 $0x5000, s0  }
0x7: {  	s9 =	smul.u32 $0x50000, s5;
	s5 =	ssub.s32 $0x2, s5;
	s1 =	sor.u32 s0, s1  }
0x8: {  	s31 =	sshll.u32 s0, $0x6;
	s11 =	sshrl.u32 s5, $0x1;
	s7 =	smul.u32 $0x500, s1  }
0x9: {  	s1 =	rddreg [dreg:$0x2];
	_ =	strace $0x80000053;
	s30 =	sshrl.u32 s8, $0x3  }
0xa: {  	s9 =	sadd.s32 s8, s9;
	s11 =	ssub.s32 s5, s11;
	s12 =	sadd.s32 s8, s2  }
0xb: {  	s9 =	sshrl.u32 s9, $0x3;
	s10 =	sadd.s32 s7, s6;
	s7 =	sadd.s32 s30, s6  }
0xc: {  	s9 =	sadd.s32 s9, s6;
	s6 =	sor.u32 $0x1C03, s31;
	s5 =	sadd.s32 $0x21200, s7  }
0xd: {  	s7 =	sadd.s32 $0xD200, s10;
	s8 =	sadd.s32 $0x3200, s10;
	s9 =	sadd.s32 $0x2B200, s9  }
0xe: {  	s10 =	smax.u32 s11, $0x1;
	s11 =	sshrl.u32 s12, $0x3;
	s12 =	simm.s32 $0x3  }
.LBB2_1:
0xf: {  	[spmem:s11], [sflag:s6] =	dma.local [hbm:s5], $0xA00  }
0x10: {  	_ =	swait.ge [sflag:s12], $0xA00  }
0x11: {  	[sflag:s12] =	ssyncset.done $0x0  }
0x12: {  	[sflag:s12] =	ssyncadd.s32 $0xFFFFF600  }
0x13: {  	[tilespmem:s3], [sflag:$0x3] =	stream.linear.gather [hbm4b:s7+s3], $0x2800, $0x38;
	[tilespmem:$0xC000] =	vst v63  }
0x14: {  	_ =	swait.ge [sflag:s12], $0x2800  }
0x15: {  	[sflag:s12] =	ssyncset.done $0x0  }
0x16: {  	s19 =	simm.s32 $0x2800;
	[sflag:s12] =	ssyncadd.s32 $0xFFFFD800  }
0x17: {  	[tilespmem:s19], [sflag:$0x3] =	stream.linear.gather [hbm4b:s8+s3], $0x2800, $0x38;
	[tilespmem:$0xC000] =	vst v63  }
0x18: {  	_ =	swait.ge [sflag:s12], $0x2800  }
0x19: {  	s20 =	sand.u32 $0x1, s3;
	[sflag:s12] =	ssyncset.done $0x0  }
0x1a: {  	p0 =	seq.s32 s20, $0x1;
	[sflag:s12] =	ssyncadd.s32 $0xFFFFD800  }
0x1b: {  	s20 =	simm.s32 @p0 $0x2;
	[bflag:$0x0] =	sbarrier.arrive $0xFFFF  }
0x1c: {  	[tilespmem:s13], [sflag:$0x1] =	stream.indirect.gather [hbm4b:s4+s15], $0x20, s3, s15, $0xb8;
	[tilespmem:$0xC000] =	vst v63  }
0x1d: {  	_ =	swait.ge @p0 [sflag:s20], $0x1000  }
0x1e: {  	[sflag:s20] =	ssyncset.done @p0 $0x0  }
0x1f: {  	s21 =	simm.s32 @p0 $0x5000;
	[sflag:s20] =	ssyncadd.s32 @p0 $0xFFFFF000;
	s20 =	simm.s32 @p0 $0x80  }
0x20: {  	[tilespmem:s21], [sflag:$0x1] =	stream.indirect.gather @p0 [hbm4b:s4+s20], $0x20, s15, s20, $0xb8;
	[tilespmem:$0xC000] =	vst v63  }
0x21: {  	s22 =	simm.s32 @!p0 $0x1;
	s21 =	simm.s32 @p0 $0x6000  }
0x22: {  	[spmem:s2] =	stream.indirect.scatter.add.f32 @p0 [tilespmem:s21], [sflag:$0x3], $0x20, s19, s20, $0xb8;
	[tilespmem:$0xC000] =	vst v63  }
0x23: {  	_ =	swait.ge @!p0 [sflag:s22], $0x1000  }
0x24: {  	s21 =	simm.s32 @!p0 $0x4;
	[sflag:s22] =	ssyncset.done @!p0 $0x0  }
0x25: {  	s20 =	simm.s32 @!p0 $0x80;
	[sflag:s22] =	ssyncadd.s32 @!p0 $0xFFFFF000;
	s22 =	simm.s32 @!p0 $0x6000  }
0x26: {  	[tilespmem:s22], [sflag:$0x2] =	stream.indirect.gather @!p0 [hbm4b:s4+s20], $0x20, s15, s20, $0xb8;
	[tilespmem:$0xC000] =	vst v63  }
0x27: {  	s23 =	simm.s32 $0x1;
	s21 =	simm.s32 @p0 $0x3;
	s22 =	simm.s32 @!p0 $0x5000  }
0x28: {  	[spmem:s2] =	stream.indirect.scatter.add.f32 @!p0 [tilespmem:s22], [sflag:$0x4], $0x20, s19, s20, $0xb8;
	[tilespmem:$0xC000] =	vst v63  }
0x29: {  	s23 =	sand.u32 $0x1, s23;
	s22 =	simm.s32 $0x2;
	_ =	swait.ge [sflag:s21], $0x1000  }
0x2a: {  	s19 =	simm.s32 $0x100;
	s20 =	simm.s32 $0x2880;
	[sflag:s21] =	ssyncset.done $0x0  }
.LBB2_2:
0x2b: {  	p1 =	seq.s32 s23, $0x1  }
0x2c: {  	[sflag:s21] =	ssyncadd.s32 $0xFFFFF000;
	s23 =	smov.u32 s22;
	s22 =	sadd.s32 $0x1, s22  }
0x2d: {  	p0 =	sne.s32 s22, $0x4F;
	s24 =	simm.s32 @p1 $0x2;
	s21 =	simm.s32 @!p1 $0x4  }
0x2e: {  	_ =	swait.ge @p1 [sflag:s24], $0x1000  }
0x2f: {  	[sflag:s24] =	ssyncset.done @p1 $0x0  }
0x30: {  	s25 =	simm.s32 @p1 $0x5000;
	[sflag:s24] =	ssyncadd.s32 @p1 $0xFFFFF000;
	s24 =	simm.s32 @p1 $0x80  }
0x31: {  	[tilespmem:s25], [sflag:$0x1] =	stream.indirect.gather @p1 [hbm4b:s4+s24], $0x20, s19, s24, $0xb8;
	[tilespmem:$0xC000] =	vst v63  }
0x32: {  	s26 =	simm.s32 @!p1 $0x1;
	s25 =	simm.s32 @p1 $0x6000  }
0x33: {  	[spmem:s2] =	stream.indirect.scatter.add.f32 @p1 [tilespmem:s25], [sflag:$0x3], $0x20, s20, s24, $0xb8;
	[tilespmem:$0xC000] =	vst v63  }
0x34: {  	_ =	swait.ge @!p1 [sflag:s26], $0x1000  }
0x35: {  	[sflag:s26] =	ssyncset.done @!p1 $0x0  }
0x36: {  	s24 =	simm.s32 @!p1 $0x80;
	s25 =	simm.s32 @!p1 $0x6000;
	[sflag:s26] =	ssyncadd.s32 @!p1 $0xFFFFF000  }
0x37: {  	[tilespmem:s25], [sflag:$0x2] =	stream.indirect.gather @!p1 [hbm4b:s4+s24], $0x20, s19, s24, $0xb8;
	[tilespmem:$0xC000] =	vst v63  }
.Ltmp0:
0x38: {  	_ = 	snop;
	(pc) =	sbr.rel @p0 .LBB2_2-.Ltmp0, $4  }
0x39: {  	s21 =	simm.s32 @p1 $0x3;
	s25 =	simm.s32 @!p1 $0x5000  }
0x3a: {  	[spmem:s2] =	stream.indirect.scatter.add.f32 @!p1 [tilespmem:s25], [sflag:$0x4], $0x20, s20, s24, $0xb8;
	[tilespmem:$0xC000] =	vst v63  }
0x3b: {  	s19 =	sadd.s32 $0x80, s19;
	_ =	swait.ge [sflag:s21], $0x1000  }
0x3c: {  	s23 =	sand.u32 $0x1, s23;
	s20 =	sadd.s32 $0x80, s20;
	[sflag:s21] =	ssyncset.done $0x0  }
0x3d: {  	p0 =	seq.s32 s23, $0x1  }
0x3e: {  	[sflag:s21] =	ssyncadd.s32 $0xFFFFF000;
	s21 =	simm.s32 @p0 $0x2  }
0x3f: {  	_ =	swait.ge @p0 [sflag:s21], $0x1000  }
0x40: {  	[sflag:s21] =	ssyncset.done @p0 $0x0  }
0x41: {  	s22 =	simm.s32 @p0 $0x5000;
	[sflag:s21] =	ssyncadd.s32 @p0 $0xFFFFF000;
	s21 =	simm.s32 @p0 $0x80  }
0x42: {  	[tilespmem:s22], [sflag:$0x1] =	stream.indirect.gather @p0 [hbm4b:s4+s21], $0x20, s19, s21, $0xb8;
	[tilespmem:$0xC000] =	vst v63  }
0x43: {  	s23 =	simm.s32 @!p0 $0x1;
	s22 =	simm.s32 @p0 $0x6000  }
0x44: {  	[spmem:s2] =	stream.indirect.scatter.add.f32 @p0 [tilespmem:s22], [sflag:$0x3], $0x20, s20, s21, $0xb8;
	[tilespmem:$0xC000] =	vst v63  }
0x45: {  	_ =	swait.ge @!p0 [sflag:s23], $0x1000  }
0x46: {  	s21 =	simm.s32 @!p0 $0x4;
	[sflag:s23] =	ssyncset.done @!p0 $0x0  }
0x47: {  	s22 =	simm.s32 @!p0 $0x80;
	[sflag:s23] =	ssyncadd.s32 @!p0 $0xFFFFF000;
	s23 =	simm.s32 @!p0 $0x6000  }
0x48: {  	[tilespmem:s23], [sflag:$0x2] =	stream.indirect.gather @!p0 [hbm4b:s4+s22], $0x20, s19, s22, $0xb8;
	[tilespmem:$0xC000] =	vst v63  }
0x49: {  	s21 =	simm.s32 @p0 $0x3;
	s19 =	simm.s32 @!p0 $0x5000  }
0x4a: {  	[spmem:s2] =	stream.indirect.scatter.add.f32 @!p0 [tilespmem:s19], [sflag:$0x4], $0x20, s20, s22, $0xb8;
	[tilespmem:$0xC000] =	vst v63  }
0x4b: {  	_ =	swait.ge [sflag:s21], $0x1000  }
0x4c: {  	[sflag:s21] =	ssyncset.done $0x0  }
0x4d: {  	[sflag:s21] =	ssyncadd.s32 $0xFFFFF000  }
0x4e: {  	_ =	swait.ge [sflag:s14], $0x1000  }
0x4f: {  	[sflag:s14] =	ssyncset.done $0x0  }
0x50: {  	[sflag:s14] =	ssyncadd.s32 $0xFFFFF000  }
0x51: {  	[spmem:s2] =	stream.indirect.scatter.add.f32 [tilespmem:s17], [sflag:$0x3], $0x20, s16, s15, $0xb8;
	[tilespmem:$0xC000] =	vst v63  }
0x52: {  	_ =	swait.ge [sflag:s12], $0x1000  }
0x53: {  	s18 =	sadd.s32 $0x1, s18;
	[sflag:s12] =	ssyncset.done $0x0  }
0x54: {  	p0 =	sne.s32 s18, s10;
	[sflag:s12] =	ssyncadd.s32 $0xFFFFF000  }
.Ltmp1:
0x55: {  	[bflag:$0x0] =	sbarrier.arrive $0xFFFF;
	(pc) =	sbr.rel @p0 .LBB2_1-.Ltmp1, $4  }
0x56: {  	[hbm:s9], [sflag:s6] =	dma.local [spmem:s11], $0xA00  }
0x57: {  	_ =	swait.ge [sflag:s12], $0xA00  }
0x58: {  	[sflag:s12] =	ssyncset.done $0x0  }
0x59: {  	[sflag:s12] =	ssyncadd.s32 $0xFFFFF600  }
0x5a: {  	_ =	sfence.sel $0x180000  }
0x5b: {  	[bflag:$0x0] =	sbarrier.arrive $0xFFFF  }
0x5c: {  	p0 =	sne.s32 s0, $0x0;
	_ =	strace $0x90000053  }
0x5d: {  	s0 =	sadd.s32 @!p0 $0x100000, s1;
	[bflag:$0x2] =	sbarrier.arrive $0xFFFF  }
0x5e: {  	[sflag:s0] =	ssyncadd.tile.s32 @!p0 $0x1;
	_ =	shalt  }
.Lfunc_end2:
_tile_overlayer_lowered:
.L_overlay_start_2:
0x5f: {  	(tag) =	ssettag $0x2  }
0x60: {  	s0 =	rddreg [dreg:$0x0];
	s2 =	stileid.u32  }
0x61: {  	s1 =	rddreg [dreg:$0x1];
	p0 =	sne.s32 s2, $0x0  }
0x62: {  	s3 =	rddreg [dreg:$0x2];
	[bflag:$0x3] =	sbarrier.arrive $0xFFFF;
	s2 =	simm.s32 @!p0 $0x1C03  }
0x63: {  	[timem:s3], [sflag:s2] =	dma.local @!p0 [hbm:s0], s1  }
0x64: {  	s0 =	simm.s32 @!p0 $0x3  }
0x65: {  	_ =	swait.ge @!p0 [sflag:s0], s1  }
0x66: {  	s1 =	ssub.s32 @!p0 $0x0, s1;
	[sflag:s0] =	ssyncset.done @!p0 $0x0  }
0x67: {  	[sflag:s0] =	ssyncadd.s32 @!p0 s1  }
0x68: {  	[bflag:$0x3] =	sbarrier.arrive $0xFFFF  }
0x69: {  	_ =	shalt  }

// kernel: kernel.29.cloned.1.call-start
scs
__scs_entry_jumppad:
0x0: {  	(pc) =	sbr.rel $0x88, $3  }
0x1: {  	(tag) =	ssettag $0x0;
	lr =	simm.s32 $0x1  }
0x2: {  	[smem:$0x3F94] =	sst lr;
	_ =	strace $0xD0000000  }
0x3: {  	_ = 	snop  }
0x4: {  	_ = 	snop  }
0x5: {  	_ = 	snop  }
0x6: {  	_ = 	snop  }
0x7: {  	_ = 	snop  }
__scs_overlays_trampoline_lowered:
0x8: {  	[smem:$0x3FA3] =	sst s0  }
0x9: {  	[smem:$0x3FA4] =	sst s1  }
0xa: {  	[smem:$0x3FA5] =	sst s2  }
0xb: {  	[smem:$0x3FA6] =	sst s3  }
0xc: {  	[smem:$0x3FA7] =	sst s4  }
0xd: {  	[smem:$0x3FA8] =	sst s5  }
0xe: {  	[smem:$0x3FA9] =	sst s6  }
0xf: {  	[smem:$0x3FAA] =	sst s7  }
0x10: {  	[smem:$0x3FAB] =	sst s8  }
0x11: {  	[smem:$0x3FAC] =	sst s9;
	s0 =	simm.s32 @!p0 $0x0  }
0x12: {  	s1 =	sld [smem:$0x3F92];
	s0 =	simm.s32 @p0 $0x1  }
0x13: {  	[smem:$0x3FAD] =	sst s0;
	s0 =	simm.s32 @!p1 $0x0  }
0x14: {  	s2 =	sld [smem:$0x3F91];
	s0 =	simm.s32 @p1 $0x1  }
0x15: {  	[smem:$0x3FAE] =	sst s0;
	s0 =	simm.s32 @!p2 $0x0  }
0x16: {  	s3 =	sld [smem:$0x3FDB];
	s0 =	simm.s32 @p2 $0x1  }
0x17: {  	s4 =	simm.s32 $0x1BF5;
	[smem:$0x3FB0] =	sst s0  }
0x18: {  	s0 =	sld [smem:$0x3F93];
	_ =	swait.ge [sflag:s4], $0x0  }
0x19: {  	s7 =	sld [smem:$0x3F94]  }
0x1a: {  	s8 =	sadd.s32 $0xFFFFE003, lr  }
0x1b: {  	s9 =	sadd.s32 $0xFFFFFEF7, lr;
	s5 =	simm.s32 $0xFFFFFFFF;
	p2 =	slt.u32 s8, $0xFFFFF086  }
0x1c: {  	p1 =	slt.u32 s9, $0xF7A;
	s5 =	simm.s32 @!p2 $0x0  }
0x1d: {  	s5 =	simm.s32 @p1 $0x1;
	p0 =	seq.s32 s7, s2  }
0x1e: {  	s7 =	smul.u32 @!p0 $0xF7A, s2;
	p2 =	seq.s32 @!p0 s5, $0x0  }
0x1f: {  	s9 =	smul.u32 $0xF7A, s1;
	s8 =	simm.s32 @!p0 $0x1BF5;
	p2 =	por !p2, p0  }
0x20: {  	[sflag:s8] =	ssyncset.s32 @!p0 $0xFFFFF086;
	s6 =	sadd.s32 @!p0 s3, s7;
	s7 =	simm.s32 @!p0 $0x108  }
0x21: {  	s3 =	sadd.s32 s3, s9;
	s6 =	sadd.s32 @!p0 $0x88, s6;
	s7 =	simm.s32 @p2 $0x1082  }
0x22: {  	[simem:s7], [sflag:s8] =	dma.local @!p0 [hbm:s6], $0xF7A  }
0x23: {  	s9 =	sor.u32 $0xD0000000, s2;
	s6 =	simm.s32 $0x108;
	_ =	swait.ge @!p0 [sflag:s8], $0x0  }
0x24: {  	s3 =	sadd.s32 $0x88, s3;
	s6 =	simm.s32 @!p1 $0x1082;
	[sflag:s4] =	ssyncset.s32 $0xFFFFF086  }
0x25: {  	[simem:s6], [sflag:s4] =	dma.local [hbm:s3], $0xF7A  }
0x26: {  	[smem:$0x3F94] =	sst s1;
	(tag) =	ssettag s2;
	_ =	strace s9  }
0x27: {  	s1 =	sld [smem:$0x3FA4]  }
0x28: {  	s2 =	sld [smem:$0x3FA5]  }
0x29: {  	s4 =	sld [smem:$0x3FA7]  }
0x2a: {  	p0 =	seq.s32 s5, $0x0;
	s5 =	sld [smem:$0x3FA8]  }
0x2b: {  	s6 =	sld [smem:$0x3FA9]  }
0x2c: {  	s7 =	sld [smem:$0x3FAA]  }
0x2d: {  	s3 =	simm.s32 $0x108;
	s8 =	sld [smem:$0x3FAB]  }
0x2e: {  	s3 =	simm.s32 @!p0 $0x1082;
	s9 =	sld [smem:$0x3FAC]  }
0x2f: {  	lr =	sadd.s32 s0, s3;
	s0 =	sld [smem:$0x3FA3]  }
0x30: {  	s3 =	sld [smem:$0x3FA6]  }
0x31: {  	[smem:$0x3FAF] =	sst s10  }
0x32: {  	s10 =	sld [smem:$0x3FAD];
	_ =	sdelay $0x3  }
0x33: {  	p0 =	seq.s32 s10, $0x1;
	s10 =	sld [smem:$0x3FAF];
	_ =	sdelay $0x3  }
0x34: {  	[smem:$0x3FAF] =	sst s10  }
0x35: {  	s10 =	sld [smem:$0x3FAE];
	_ =	sdelay $0x3  }
0x36: {  	p1 =	seq.s32 s10, $0x1;
	s10 =	sld [smem:$0x3FAF];
	_ =	sdelay $0x3  }
0x37: {  	[smem:$0x3FAF] =	sst s10  }
0x38: {  	s10 =	sld [smem:$0x3FB0]  }
0x39: {  	_ = 	snop;
	(pc) =	sbr.ind lr, $3  }
0x3a: {  	_ = 	snop  }
0x3b: {  	_ = 	snop  }
0x3c: {  	p2 =	seq.s32 s10, $0x1;
	s10 =	sld [smem:$0x3FAF]  }
0x3d: {  	_ =	shalt  }
0x3e: {  	_ =	shalt  }
0x3f: {  	_ =	shalt  }
0x40: {  	_ =	shalt  }
0x41: {  	_ =	shalt  }
0x42: {  	_ =	shalt  }
0x43: {  	_ =	shalt  }
0x44: {  	_ =	shalt  }
0x45: {  	_ =	shalt  }
0x46: {  	_ =	shalt  }
0x47: {  	_ =	shalt  }
0x48: {  	_ =	shalt  }
0x49: {  	_ =	shalt  }
0x4a: {  	_ =	shalt  }
0x4b: {  	_ =	shalt  }
0x4c: {  	_ =	shalt  }
0x4d: {  	_ =	shalt  }
0x4e: {  	_ =	shalt  }
0x4f: {  	_ =	shalt  }
0x50: {  	_ =	shalt  }
0x51: {  	_ =	shalt  }
0x52: {  	_ =	shalt  }
0x53: {  	_ =	shalt  }
0x54: {  	_ =	shalt  }
0x55: {  	_ =	shalt  }
0x56: {  	_ =	shalt  }
0x57: {  	_ =	shalt  }
0x58: {  	_ =	shalt  }
0x59: {  	_ =	shalt  }
0x5a: {  	_ =	shalt  }
0x5b: {  	_ =	shalt  }
0x5c: {  	_ =	shalt  }
0x5d: {  	_ =	shalt  }
0x5e: {  	_ =	shalt  }
0x5f: {  	_ =	shalt  }
0x60: {  	_ =	shalt  }
0x61: {  	_ =	shalt  }
0x62: {  	_ =	shalt  }
0x63: {  	_ =	shalt  }
0x64: {  	_ =	shalt  }
0x65: {  	_ =	shalt  }
0x66: {  	_ =	shalt  }
0x67: {  	_ =	shalt  }
0x68: {  	_ =	shalt  }
0x69: {  	_ =	shalt  }
0x6a: {  	_ =	shalt  }
0x6b: {  	_ =	shalt  }
0x6c: {  	_ =	shalt  }
0x6d: {  	_ =	shalt  }
0x6e: {  	_ =	shalt  }
0x6f: {  	_ =	shalt  }
0x70: {  	_ =	shalt  }
0x71: {  	_ =	shalt  }
0x72: {  	_ =	shalt  }
0x73: {  	_ =	shalt  }
0x74: {  	_ =	shalt  }
0x75: {  	_ =	shalt  }
0x76: {  	_ =	shalt  }
0x77: {  	_ =	shalt  }
0x78: {  	_ =	shalt  }
0x79: {  	_ =	shalt  }
0x7a: {  	_ =	shalt  }
0x7b: {  	_ =	shalt  }
0x7c: {  	_ =	shalt  }
0x7d: {  	_ =	shalt  }
0x7e: {  	_ =	shalt  }
0x7f: {  	_ =	shalt  }
0x80: {  	_ =	shalt  }
0x81: {  	_ =	shalt  }
0x82: {  	_ =	shalt  }
0x83: {  	_ =	shalt  }
0x84: {  	_ =	shalt  }
0x85: {  	_ =	shalt  }
0x86: {  	_ =	shalt  }
0x87: {  	_ =	shalt  }
.Lfunc_end0:
.L_simem_size_0:
called_computation.5_lowered:
.L_overlay_start_0:
0x88: {  	s2 =	sld [smem:$0x3FD9]  }
0x89: {  	s3 =	sld [smem:$0x3FFE];
	_ =	sdelay $0x1  }
0x8a: {  	s1 =	srdreg.scid  }
0x8b: {  	s0 =	sand.u32 $0x1, s1  }
0x8c: {  	s16 =	sshll.u32 s0, $0xA;
	s2 =	sadd.s32 s3, s2  }
0x8d: {  	s2 =	sadd.s32 s2, s16  }
0x8e: {  	[smem:$0x3FBB] =	sst s2  }
0x8f: {  	_ = 	snop  }
0x90: {  	(tm) =	ssettm $0x1  }
0x91: {  	s17 =	sld [smem:$0x3FFB];
	_ =	sdelay $0x3  }
0x92: {  	_ =	strace s17  }
0x93: {  	s2 =	sld [smem:$0x3FFC];
	_ =	sdelay $0x3  }
0x94: {  	_ =	strace s2  }
0x95: {  	s2 =	sld [smem:$0x3FFD];
	_ =	sdelay $0x3  }
0x96: {  	_ =	strace s2  }
0x97: {  	_ =	strace $0x8FFFFFFF  }
0x98: {  	s18 =	sld [smem:$0x3FDB];
	_ =	sdelay $0x1  }
0x99: {  	s19 =	simm.s32 $_scs_section_size  }
0x9a: {  	s4 =	simm.s32 $_size__tile_overlayer_lowered;
	s5 =	simm.s32 $_tile_overlayer_lowered  }
0x9b: {  	s22 =	simm.s32 $0x1BFF;
	s21 =	sshll.u32 s5, $0x1;
	s2 =	sadd.s32 s19, s18  }
0x9c: {  	s6 =	simm.s32 $0x0;
	s20 =	sshll.u32 s4, $0x1;
	s4 =	sadd.s32 s21, s2  }
0x9d: {  	[timem:s6], [sflag:s22] =	dma.local [hbm:s4], s20  }
0x9e: {  	_ =	swait.ge [sflag:s22], s20  }
0x9f: {  	s3 =	ssub.s32 $0x0, s20;
	[sflag:s22] =	ssyncset.done $0x0  }
0xa0: {  	[sflag:s22] =	ssyncadd.s32 s3;
	_ =	sdelay $0x1  }
0xa1: {  	s23 =	simm.s32 $0x1B8B  }
0xa2: {  	_ =	swait.ge [sflag:s23], $0x1  }
0xa3: {  	[sflag:s23] =	ssyncset.done $0x0  }
0xa4: {  	s25 =	simm.s32 $0x1B8E;
	s24 =	sld [smem:$0x3FFE];
	[sflag:s23] =	ssyncadd.s32 $0xFFFFFFFF  }
0xa5: {  	s26 =	simm.s32 $execute0_lowered;
	[smem:$0x3FD2] =	sst s25  }
0xa6: {  	s4 =	sshll.u32 s26, $0x1;
	_ =	strace $0x80000055;
	[dreg:$0x1] =	wrdreg $0xFFFFFFFF  }
0xa7: {  	s28 =	simm.s32 $_size_execute0_lowered;
	s2 =	sadd.s32 s2, s4;
	[dreg:$0x0] =	wrdreg $0x0  }
0xa8: {  	s4 =	sshll.u32 s28, $0x1;
	[dreg:$0x2] =	wrdreg s2  }
0xa9: {  	[dreg:$0x3] =	wrdreg s4  }
0xaa: {  	[dreg:$0x4] =	wrdreg $0xC0  }
0xab: {  	_ =	task [dreg:s6], $0x5FFFF  }
0xac: {  	[dreg:$0x1] =	wrdreg $0xFFFFFFFF  }
0xad: {  	[dreg:$0x0] =	wrdreg $0x60  }
0xae: {  	[dreg:$0x2] =	wrdreg s24  }
0xaf: {  	[dreg:$0x3] =	wrdreg $0xE0000  }
0xb0: {  	[dreg:$0x4] =	wrdreg $0x9  }
0xb1: {  	_ =	task.clear_ibuf [dreg:s6], $0x5FFFF;
	_ =	strace $0x90000055  }
0xb2: {  	s29 =	simm.s32 $0x9;
	_ =	strace $0x80000057  }
0xb3: {  	_ =	swait.ge [sflag:s29], $0x1  }
0xb4: {  	[sflag:s29] =	ssyncadd.s32 $0xFFFFFFFF  }
0xb5: {  	_ =	strace $0x90000057  }
0xb6: {  	_ =	sfence  }
0xb7: {  	s30 =	sld [smem:$0x0];
	_ =	sdelay $0x2  }
0xb8: {  	s31 =	sshll.u32 s1, $0xD;
	s1 =	sshrl.u32 s1, $0x2  }
0xb9: {  	s3 =	sand.u32 $0x4000, s31;
	s1 =	sadd.s32 s1, s30  }
0xba: {  	s0 =	sor.u32 s3, s0;
	s1 =	sshll.u32 s1, $0x11  }
0xbb: {  	s0 =	sor.u32 s1, s0  }
0xbc: {  	s0 =	sadd.s32 $0x8F2B, s0  }
0xbd: {  	[sflag:s0] =	ssyncadd.remote.s32 $0x1  }
0xbe: {  	_ =	sfence.sel $0xFFFF  }
0xbf: {  	[dreg:$0x0] =	wrdreg $0xFFFFFFFF;
	(pc) =	sbr.abs _section_cstart, $3  }
0xc0: {  	[dreg:$0x1] =	wrdreg $0xFFFFFFFF  }
0xc1: {  	_ =	task.clear_ibuf [dreg:s6], $0x2FFFF;
	_ =	strace $0x9FFFFFFF  }
0xc2: {  	(tm) =	ssettm $0x7FFFFFFF  }
0xc3: {  	_ =	shalt  }
tec
execute0_lowered:
.L_overlay_start_1:
0x0: {  	(tag) =	ssettag $0x1  }
0x1: {  	s4 =	rddreg [dreg:$0x0];
	s0 =	srdreg.scid  }
0x2: {  	s2 =	rddreg [dreg:$0x1];
	s1 =	stileid.u32  }
0x3: {  	s3 =	simm.s32 $0x0;
	s14 =	simm.s32 $0x2;
	s15 =	simm.s32 $0x80  }
0x4: {  	s16 =	simm.s32 $0x9F80;
	s17 =	simm.s32 $0xC000;
	s18 =	simm.s32 $0x0  }
0x5: {  	s5 =	sand.u32 $0x1, s0;
	s0 =	rddreg [dreg:$0x2];
	s7 =	smul.u32 $0xA00, s1  }
0x6: {  	[smem:$0x7FF] =	sst s3;
	s8 =	smul.u32 $0xA000, s1;
	s31 =	sshll.u32 s1, $0x6  }
0x7: {  	s6 =	smul.u32 $0xA0000, s5;
	_ =	strace $0x80000056;
	s5 =	ssub.s32 $0x2, s5  }
0x8: {  	s7 =	sadd.s32 s7, s4;
	s10 =	sshrl.u32 s8, $0x3;
	s30 =	sshrl.u32 s5, $0x1  }
0x9: {  	s13 =	sadd.s32 s8, s2;
	s9 =	sshrl.u32 s6, $0x3;
	s6 =	sadd.s32 s8, s6  }
0xa: {  	s10 =	sadd.s32 s10, s4;
	s12 =	ssub.s32 s5, s30;
	s6 =	sshrl.u32 s6, $0x3  }
0xb: {  	s5 =	sor.u32 $0x1C03, s31;
	s9 =	sadd.s32 s9, s4;
	s11 =	sadd.s32 s6, s4  }
0xc: {  	s4 =	sadd.s32 $0x8F200, s10;
	s6 =	sadd.s32 $0xD200, s7;
	s7 =	sadd.s32 $0x3200, s7  }
0xd: {  	s8 =	sadd.s32 $0x67200, s9;
	s10 =	smax.u32 s12, $0x1;
	s12 =	simm.s32 $0x3  }
0xe: {  	s9 =	sadd.s32 $0xA3200, s11;
	s11 =	sshrl.u32 s13, $0x3;
	s13 =	simm.s32 $0xA000  }
.LBB2_1:
0xf: {  	[spmem:s11], [sflag:s5] =	dma.local [hbm:s4], $0x1400  }
0x10: {  	_ =	swait.ge [sflag:s12], $0x1400  }
0x11: {  	[sflag:s12] =	ssyncset.done $0x0  }
0x12: {  	[sflag:s12] =	ssyncadd.s32 $0xFFFFEC00  }
0x13: {  	[tilespmem:s3], [sflag:$0x3] =	stream.linear.gather [hbm4b:s6+s3], $0x5000, $0x38;
	[tilespmem:$0x18000] =	vst v63  }
0x14: {  	_ =	swait.ge [sflag:s12], $0x5000  }
0x15: {  	[sflag:s12] =	ssyncset.done $0x0  }
0x16: {  	s19 =	simm.s32 $0x5000;
	[sflag:s12] =	ssyncadd.s32 $0xFFFFB000  }
0x17: {  	[tilespmem:s19], [sflag:$0x3] =	stream.linear.gather [hbm4b:s7+s3], $0x5000, $0x38;
	[tilespmem:$0x18000] =	vst v63  }
0x18: {  	_ =	swait.ge [sflag:s12], $0x5000  }
0x19: {  	s20 =	sand.u32 $0x1, s3;
	[sflag:s12] =	ssyncset.done $0x0  }
0x1a: {  	p0 =	seq.s32 s20, $0x1;
	[sflag:s12] =	ssyncadd.s32 $0xFFFFB000  }
0x1b: {  	s20 =	simm.s32 @p0 $0x2;
	[bflag:$0x0] =	sbarrier.arrive $0xFFFF  }
0x1c: {  	[tilespmem:s13], [sflag:$0x1] =	stream.indirect.gather [hbm4b:s8+s15], $0x40, s3, s15, $0xb8;
	[tilespmem:$0x18000] =	vst v63  }
0x1d: {  	_ =	swait.ge @p0 [sflag:s20], $0x2000  }
0x1e: {  	[sflag:s20] =	ssyncset.done @p0 $0x0  }
0x1f: {  	s21 =	simm.s32 @p0 $0xA000;
	[sflag:s20] =	ssyncadd.s32 @p0 $0xFFFFE000;
	s20 =	simm.s32 @p0 $0x80  }
0x20: {  	[tilespmem:s21], [sflag:$0x1] =	stream.indirect.gather @p0 [hbm4b:s8+s20], $0x40, s15, s20, $0xb8;
	[tilespmem:$0x18000] =	vst v63  }
0x21: {  	s22 =	simm.s32 @!p0 $0x1;
	s21 =	simm.s32 @p0 $0xC000  }
0x22: {  	[spmem:s2] =	stream.indirect.scatter.add.f32 @p0 [tilespmem:s21], [sflag:$0x3], $0x40, s19, s20, $0xb8;
	[tilespmem:$0x18000] =	vst v63  }
0x23: {  	_ =	swait.ge @!p0 [sflag:s22], $0x2000  }
0x24: {  	s21 =	simm.s32 @!p0 $0x4;
	[sflag:s22] =	ssyncset.done @!p0 $0x0  }
0x25: {  	s20 =	simm.s32 @!p0 $0x80;
	[sflag:s22] =	ssyncadd.s32 @!p0 $0xFFFFE000;
	s22 =	simm.s32 @!p0 $0xC000  }
0x26: {  	[tilespmem:s22], [sflag:$0x2] =	stream.indirect.gather @!p0 [hbm4b:s8+s20], $0x40, s15, s20, $0xb8;
	[tilespmem:$0x18000] =	vst v63  }
0x27: {  	s23 =	simm.s32 $0x1;
	s21 =	simm.s32 @p0 $0x3;
	s22 =	simm.s32 @!p0 $0xA000  }
0x28: {  	[spmem:s2] =	stream.indirect.scatter.add.f32 @!p0 [tilespmem:s22], [sflag:$0x4], $0x40, s19, s20, $0xb8;
	[tilespmem:$0x18000] =	vst v63  }
0x29: {  	s23 =	sand.u32 $0x1, s23;
	s22 =	simm.s32 $0x2;
	_ =	swait.ge [sflag:s21], $0x2000  }
0x2a: {  	s19 =	simm.s32 $0x100;
	s20 =	simm.s32 $0x5080;
	[sflag:s21] =	ssyncset.done $0x0  }
.LBB2_2:
0x2b: {  	p1 =	seq.s32 s23, $0x1  }
0x2c: {  	[sflag:s21] =	ssyncadd.s32 $0xFFFFE000;
	s23 =	smov.u32 s22;
	s22 =	sadd.s32 $0x1, s22  }
0x2d: {  	p0 =	sne.s32 s22, $0x9F;
	s24 =	simm.s32 @p1 $0x2;
	s21 =	simm.s32 @!p1 $0x4  }
0x2e: {  	_ =	swait.ge @p1 [sflag:s24], $0x2000  }
0x2f: {  	[sflag:s24] =	ssyncset.done @p1 $0x0  }
0x30: {  	s25 =	simm.s32 @p1 $0xA000;
	[sflag:s24] =	ssyncadd.s32 @p1 $0xFFFFE000;
	s24 =	simm.s32 @p1 $0x80  }
0x31: {  	[tilespmem:s25], [sflag:$0x1] =	stream.indirect.gather @p1 [hbm4b:s8+s24], $0x40, s19, s24, $0xb8;
	[tilespmem:$0x18000] =	vst v63  }
0x32: {  	s26 =	simm.s32 @!p1 $0x1;
	s25 =	simm.s32 @p1 $0xC000  }
0x33: {  	[spmem:s2] =	stream.indirect.scatter.add.f32 @p1 [tilespmem:s25], [sflag:$0x3], $0x40, s20, s24, $0xb8;
	[tilespmem:$0x18000] =	vst v63  }
0x34: {  	_ =	swait.ge @!p1 [sflag:s26], $0x2000  }
0x35: {  	[sflag:s26] =	ssyncset.done @!p1 $0x0  }
0x36: {  	s24 =	simm.s32 @!p1 $0x80;
	s25 =	simm.s32 @!p1 $0xC000;
	[sflag:s26] =	ssyncadd.s32 @!p1 $0xFFFFE000  }
0x37: {  	[tilespmem:s25], [sflag:$0x2] =	stream.indirect.gather @!p1 [hbm4b:s8+s24], $0x40, s19, s24, $0xb8;
	[tilespmem:$0x18000] =	vst v63  }
.Ltmp0:
0x38: {  	_ = 	snop;
	(pc) =	sbr.rel @p0 .LBB2_2-.Ltmp0, $4  }
0x39: {  	s21 =	simm.s32 @p1 $0x3;
	s25 =	simm.s32 @!p1 $0xA000  }
0x3a: {  	[spmem:s2] =	stream.indirect.scatter.add.f32 @!p1 [tilespmem:s25], [sflag:$0x4], $0x40, s20, s24, $0xb8;
	[tilespmem:$0x18000] =	vst v63  }
0x3b: {  	s19 =	sadd.s32 $0x80, s19;
	_ =	swait.ge [sflag:s21], $0x2000  }
0x3c: {  	s23 =	sand.u32 $0x1, s23;
	s20 =	sadd.s32 $0x80, s20;
	[sflag:s21] =	ssyncset.done $0x0  }
0x3d: {  	p0 =	seq.s32 s23, $0x1  }
0x3e: {  	[sflag:s21] =	ssyncadd.s32 $0xFFFFE000;
	s21 =	simm.s32 @p0 $0x2  }
0x3f: {  	_ =	swait.ge @p0 [sflag:s21], $0x2000  }
0x40: {  	[sflag:s21] =	ssyncset.done @p0 $0x0  }
0x41: {  	s22 =	simm.s32 @p0 $0xA000;
	[sflag:s21] =	ssyncadd.s32 @p0 $0xFFFFE000;
	s21 =	simm.s32 @p0 $0x80  }
0x42: {  	[tilespmem:s22], [sflag:$0x1] =	stream.indirect.gather @p0 [hbm4b:s8+s21], $0x40, s19, s21, $0xb8;
	[tilespmem:$0x18000] =	vst v63  }
0x43: {  	s23 =	simm.s32 @!p0 $0x1;
	s22 =	simm.s32 @p0 $0xC000  }
0x44: {  	[spmem:s2] =	stream.indirect.scatter.add.f32 @p0 [tilespmem:s22], [sflag:$0x3], $0x40, s20, s21, $0xb8;
	[tilespmem:$0x18000] =	vst v63  }
0x45: {  	_ =	swait.ge @!p0 [sflag:s23], $0x2000  }
0x46: {  	s21 =	simm.s32 @!p0 $0x4;
	[sflag:s23] =	ssyncset.done @!p0 $0x0  }
0x47: {  	s22 =	simm.s32 @!p0 $0x80;
	[sflag:s23] =	ssyncadd.s32 @!p0 $0xFFFFE000;
	s23 =	simm.s32 @!p0 $0xC000  }
0x48: {  	[tilespmem:s23], [sflag:$0x2] =	stream.indirect.gather @!p0 [hbm4b:s8+s22], $0x40, s19, s22, $0xb8;
	[tilespmem:$0x18000] =	vst v63  }
0x49: {  	s21 =	simm.s32 @p0 $0x3;
	s19 =	simm.s32 @!p0 $0xA000  }
0x4a: {  	[spmem:s2] =	stream.indirect.scatter.add.f32 @!p0 [tilespmem:s19], [sflag:$0x4], $0x40, s20, s22, $0xb8;
	[tilespmem:$0x18000] =	vst v63  }
0x4b: {  	_ =	swait.ge [sflag:s21], $0x2000  }
0x4c: {  	[sflag:s21] =	ssyncset.done $0x0  }
0x4d: {  	[sflag:s21] =	ssyncadd.s32 $0xFFFFE000  }
0x4e: {  	_ =	swait.ge [sflag:s14], $0x2000  }
0x4f: {  	[sflag:s14] =	ssyncset.done $0x0  }
0x50: {  	[sflag:s14] =	ssyncadd.s32 $0xFFFFE000  }
0x51: {  	[spmem:s2] =	stream.indirect.scatter.add.f32 [tilespmem:s17], [sflag:$0x3], $0x40, s16, s15, $0xb8;
	[tilespmem:$0x18000] =	vst v63  }
0x52: {  	_ =	swait.ge [sflag:s12], $0x2000  }
0x53: {  	s18 =	sadd.s32 $0x1, s18;
	[sflag:s12] =	ssyncset.done $0x0  }
0x54: {  	p0 =	sne.s32 s18, s10;
	[sflag:s12] =	ssyncadd.s32 $0xFFFFE000  }
.Ltmp1:
0x55: {  	[bflag:$0x0] =	sbarrier.arrive $0xFFFF;
	(pc) =	sbr.rel @p0 .LBB2_1-.Ltmp1, $4  }
0x56: {  	[hbm:s9], [sflag:s5] =	dma.local [spmem:s11], $0x1400  }
0x57: {  	_ =	swait.ge [sflag:s12], $0x1400  }
0x58: {  	[sflag:s12] =	ssyncset.done $0x0  }
0x59: {  	[sflag:s12] =	ssyncadd.s32 $0xFFFFEC00  }
0x5a: {  	_ =	sfence.sel $0x180000  }
0x5b: {  	[bflag:$0x0] =	sbarrier.arrive $0xFFFF  }
0x5c: {  	p0 =	sne.s32 s1, $0x0;
	_ =	strace $0x90000056  }
0x5d: {  	s0 =	sadd.s32 @!p0 $0x100000, s0;
	[bflag:$0x2] =	sbarrier.arrive $0xFFFF  }
0x5e: {  	[sflag:s0] =	ssyncadd.tile.s32 @!p0 $0x1;
	_ =	shalt  }
.Lfunc_end2:
_tile_overlayer_lowered:
.L_overlay_start_2:
0x5f: {  	(tag) =	ssettag $0x2  }
0x60: {  	s0 =	rddreg [dreg:$0x0];
	s2 =	stileid.u32  }
0x61: {  	s1 =	rddreg [dreg:$0x1];
	p0 =	sne.s32 s2, $0x0  }
0x62: {  	s3 =	rddreg [dreg:$0x2];
	[bflag:$0x3] =	sbarrier.arrive $0xFFFF;
	s2 =	simm.s32 @!p0 $0x1C03  }
0x63: {  	[timem:s3], [sflag:s2] =	dma.local @!p0 [hbm:s0], s1  }
0x64: {  	s0 =	simm.s32 @!p0 $0x3  }
0x65: {  	_ =	swait.ge @!p0 [sflag:s0], s1  }
0x66: {  	s1 =	ssub.s32 @!p0 $0x0, s1;
	[sflag:s0] =	ssyncset.done @!p0 $0x0  }
0x67: {  	[sflag:s0] =	ssyncadd.s32 @!p0 s1  }
0x68: {  	[bflag:$0x3] =	sbarrier.arrive $0xFFFF  }
0x69: {  	_ =	shalt  }

</sc_bundles>
